<compile_context>
chip_gen: v7x
topology: tpu7x:2x2x1
jax: 0.10.2.dev20260603
libtpu: 0.0.44.dev20260713+nightly
codegen_flags: <defaults>
</compile_context>

<pallas_src>
import dataclasses
import functools

import jax
import jax.numpy as jnp
from jax import lax
from jax.experimental import pallas as pl
from jax.experimental.pallas import tpu as pltpu
from jax.experimental.pallas import tpu_sc as plsc

B, C, H, W = 2, 8, 512, 512
OH, OW = 1024, 1024
BC = B * C
NPIX = OH * OW
NW = 32
PER_W = NPIX // NW
CHUNK = 128
GROUPS = CHUNK // 16
OUTBUF = 2048
CPF = OUTBUF // CHUNK
NFLUSH = PER_W // OUTBUF

_mesh = plsc.VectorSubcoreMesh(core_axis_name="c", subcore_axis_name="s")

_cp = pltpu.CompilerParams()
if "needs_layout_passes" in pltpu.CompilerParams.__dataclass_fields__:
    _cp = dataclasses.replace(_cp, needs_layout_passes=False)
if "use_tc_tiling_on_sc" in pltpu.CompilerParams.__dataclass_fields__:
    _cp = dataclasses.replace(_cp, use_tc_tiling_on_sc=False)


@functools.partial(
    pl.kernel,
    mesh=_mesh,
    compiler_params=_cp,
    out_type=jax.ShapeDtypeStruct((B, C, OH, OW), jnp.float32),
    scratch_types=[
        pltpu.VMEM((CHUNK,), jnp.float32),
        pltpu.VMEM((CHUNK,), jnp.float32),
        pltpu.VMEM((CHUNK,), jnp.float32),
        pltpu.VMEM((CHUNK,), jnp.float32),
        pltpu.VMEM((CHUNK,), jnp.int32),
        pltpu.VMEM((CHUNK,), jnp.int32),
        pltpu.VMEM((CHUNK,), jnp.int32),
        pltpu.VMEM((CHUNK,), jnp.int32),
        pltpu.VMEM((CHUNK, BC), jnp.float32),
        pltpu.VMEM((CHUNK, BC), jnp.float32),
        pltpu.VMEM((CHUNK, BC), jnp.float32),
        pltpu.VMEM((CHUNK, BC), jnp.float32),
        pltpu.VMEM((BC, OUTBUF), jnp.float32),
        pltpu.SemaphoreType.DMA,
    ],
)
def _unresample_sc(xt_hbm, sx_hbm, sy_hbm, out_hbm,
                   sxv, syv, wxv, wyv, i00, i01, i10, i11,
                   v00, v01, v10, v11, outv, sem):
    wid = lax.axis_index("s") * 2 + lax.axis_index("c")
    base_w = wid * PER_W

    @pl.loop(0, NFLUSH)
    def _(fb):
        fbase = base_w + fb * OUTBUF

        @pl.loop(0, CPF)
        def _(cj):
            base = fbase + cj * CHUNK
            pltpu.sync_copy(sx_hbm.at[pl.ds(base, CHUNK)], sxv)
            pltpu.sync_copy(sy_hbm.at[pl.ds(base, CHUNK)], syv)

            @pl.loop(0, GROUPS)
            def _(g):
                s = pl.ds(g * 16, 16)
                sxg = sxv[s]
                syg = syv[s]
                x0 = jnp.minimum(sxg.astype(jnp.int32), W - 2)
                y0 = jnp.minimum(syg.astype(jnp.int32), H - 2)
                wxv[s] = sxg - x0.astype(jnp.float32)
                wyv[s] = syg - y0.astype(jnp.float32)
                b00 = y0 * W + x0
                i00[s] = b00
                i01[s] = b00 + 1
                i10[s] = b00 + W
                i11[s] = b00 + (W + 1)

            c0 = pltpu.async_copy(xt_hbm.at[i00], v00, sem)
            c1 = pltpu.async_copy(xt_hbm.at[i01], v01, sem)
            c2 = pltpu.async_copy(xt_hbm.at[i10], v10, sem)
            c3 = pltpu.async_copy(xt_hbm.at[i11], v11, sem)
            c0.wait()
            c1.wait()
            c2.wait()
            c3.wait()

            obase = cj * CHUNK

            @pl.loop(0, GROUPS)
            def _(g):
                s = pl.ds(g * 16, 16)
                wxg = wxv[s]
                wyg = wyv[s]
                w00 = (1.0 - wyg) * (1.0 - wxg)
                w01 = (1.0 - wyg) * wxg
                w10 = wyg * (1.0 - wxg)
                w11 = wyg * wxg
                rows = g * 16 + lax.iota(jnp.int32, 16)
                for bc in range(BC):
                    col = jnp.full((16,), bc, jnp.int32)
                    t00 = plsc.load_gather(v00, [rows, col])
                    t01 = plsc.load_gather(v01, [rows, col])
                    t10 = plsc.load_gather(v10, [rows, col])
                    t11 = plsc.load_gather(v11, [rows, col])
                    outv[bc, pl.ds(obase + g * 16, 16)] = (
                        w00 * t00 + w01 * t01 + w10 * t10 + w11 * t11)

        rowbase = wid * (PER_W // OW) + fb * (OUTBUF // OW)
        for bc in range(BC):
            b, c = bc // C, bc % C
            pltpu.sync_copy(outv.at[bc, pl.ds(0, OW)],
                            out_hbm.at[b, c, rowbase])
            pltpu.sync_copy(outv.at[bc, pl.ds(OW, OW)],
                            out_hbm.at[b, c, rowbase + 1])


def kernel(x, sample_map):
    xt = jnp.transpose(x, (2, 3, 0, 1)).reshape(H * W, BC)
    sm = sample_map.reshape(NPIX, 2)
    return _unresample_sc(xt, sm[:, 0], sm[:, 1])

# --- scband reference (transcript-rebuilt; emitter-appended) ---
"""Pipeline reference for scband-unresample-58463094833218 (READ-ONLY COPY).

The authoritative reference and input builder live on the scoring server;
editing this copy changes nothing except your own understanding.
"""

import jax, jax.numpy as jnp
import numpy as np


def setup_inputs(seed: int = 0) -> dict:
    key = jax.random.key(seed)
    k1, k2 = jax.random.split(key)
    B, C, H, W = 2, 8, 512, 512
    OH, OW = 1024, 1024
    x = jax.random.normal(k1, (B, C, H, W), dtype=jnp.float32)
    # real-valued (x, y) sample locations into the input image
    uv = jax.random.uniform(k2, (OH, OW, 2), dtype=jnp.float32)
    sample_map = uv * jnp.array([W - 1, H - 1], dtype=jnp.float32)
    return {"x": x, "sample_map": sample_map}


def reference(x, sample_map):
    # Unresample with bilinear interpolation: for each output pixel (i, j),
    # gather a bilinearly-interpolated value from x at real-valued location
    # sample_map[i, j] = (sx, sy). Equivalent to a mapped convolution with
    # unit weights, no bias, kernel size 1.
    H, W = x.shape[2], x.shape[3]
    sx = sample_map[..., 0]
    sy = sample_map[..., 1]
    x0f = jnp.floor(sx)
    y0f = jnp.floor(sy)
    wx = sx - x0f  # [OH, OW]
    wy = sy - y0f
    x0 = jnp.clip(x0f.astype(jnp.int32), 0, W - 1)
    x1 = jnp.clip(x0 + 1, 0, W - 1)
    y0 = jnp.clip(y0f.astype(jnp.int32), 0, H - 1)
    y1 = jnp.clip(y0 + 1, 0, H - 1)
    # gathers: each produces [B, C, OH, OW]
    v00 = x[:, :, y0, x0]
    v01 = x[:, :, y0, x1]
    v10 = x[:, :, y1, x0]
    v11 = x[:, :, y1, x1]
    w00 = (1.0 - wy) * (1.0 - wx)
    w01 = (1.0 - wy) * wx
    w10 = wy * (1.0 - wx)
    w11 = wy * wx
    out = v00 * w00 + v01 * w01 + v10 * w10 + v11 * w11
    return out

if __name__ == "__main__":
    import jax
    _d = setup_inputs()
    print(jax.jit(kernel)(*tuple(_d.values())))

</pallas_src>

<mosaic_0001>
#map = affine_map<(d0, d1) -> (0, 0)>
#map1 = affine_map<(d0, d1) -> (0)>
#map2 = affine_map<(d0, d1) -> (0, 0, 0, 0)>
module attributes {stable_mosaic.version = 14 : i64} {
  func.func @_unresample_sc(%arg0: i32, %arg1: i32, %arg2: memref<262144x16xf32, #tpu.memory_space<hbm>>, %arg3: memref<1048576xf32, #tpu.memory_space<hbm>>, %arg4: memref<1048576xf32, #tpu.memory_space<hbm>>, %arg5: memref<2x8x1024x1024xf32, #tpu.memory_space<hbm>>, %arg6: memref<128xf32, #tpu.memory_space<vmem>>, %arg7: memref<128xf32, #tpu.memory_space<vmem>>, %arg8: memref<128xf32, #tpu.memory_space<vmem>>, %arg9: memref<128xf32, #tpu.memory_space<vmem>>, %arg10: memref<128xi32, #tpu.memory_space<vmem>>, %arg11: memref<128xi32, #tpu.memory_space<vmem>>, %arg12: memref<128xi32, #tpu.memory_space<vmem>>, %arg13: memref<128xi32, #tpu.memory_space<vmem>>, %arg14: memref<128x16xf32, #tpu.memory_space<vmem>>, %arg15: memref<128x16xf32, #tpu.memory_space<vmem>>, %arg16: memref<128x16xf32, #tpu.memory_space<vmem>>, %arg17: memref<128x16xf32, #tpu.memory_space<vmem>>, %arg18: memref<16x2048xf32, #tpu.memory_space<vmem>>, %arg19: memref<!tpu.dma_semaphore, #tpu.memory_space<semaphore_mem>>) attributes {dimension_semantics = [#tpu.dimension_semantics<core_parallel>, #tpu.dimension_semantics<subcore_parallel>], iteration_bounds = array<i64: 2, 16>, scalar_prefetch = 0 : i64, scratch_operands = 14 : i64, tpu.core_type = #tpu.core_type<sc_vector_subcore>, window_params = [{transform_indices = #map}, {transform_indices = #map1}, {transform_indices = #map1}, {transform_indices = #map2}]} {
    %mul3A = arith.constant 2 : i32
    %mul3A_0 = arith.muli %arg1, %mul3A : i32
    %add3A = arith.addi %mul3A_0, %arg0 : i32
    %mul3A_1 = arith.constant 32768 : i32
    %mul3A_2 = arith.muli %add3A, %mul3A_1 : i32
    %scan3A = arith.constant 0 : i32
    %scan3A_3 = arith.constant 16 : i32
    %scan3A_4 = arith.addi %scan3A, %scan3A_3 : i32
    %scan3A_5 = arith.constant 1 : i32
    scf.for %scan3A_7 = %scan3A to %scan3A_4 step %scan3A_5  : i32 {
      %mul3A_8 = arith.constant 1 : i32
      %mul3A_9 = arith.muli %scan3A_7, %mul3A_8 : i32
      %add3A_10 = arith.constant 0 : i32
      %add3A_11 = arith.addi %add3A_10, %mul3A_9 : i32
      %mul3A_12 = arith.constant 2048 : i32
      %mul3A_13 = arith.muli %add3A_11, %mul3A_12 : i32
      %add3A_14 = arith.addi %mul3A_2, %mul3A_13 : i32
      %scan3A_15 = arith.constant 0 : i32
      %scan3A_16 = arith.constant 16 : i32
      %scan3A_17 = arith.addi %scan3A_15, %scan3A_16 : i32
      %scan3A_18 = arith.constant 1 : i32
      scf.for %scan3A_152 = %scan3A_15 to %scan3A_17 step %scan3A_18  : i32 {
        %mul3A_153 = arith.constant 1 : i32
        %mul3A_154 = arith.muli %scan3A_152, %mul3A_153 : i32
        %add3A_155 = arith.constant 0 : i32
        %add3A_156 = arith.addi %add3A_155, %mul3A_154 : i32
        %mul3A_157 = arith.constant 128 : i32
        %mul3A_158 = arith.muli %add3A_156, %mul3A_157 : i32
        %add3A_159 = arith.addi %add3A_14, %mul3A_158 : i32
        "tpu.region"() ({
          %run_scoped3A_194 = tpu.sem_alloc : memref<!tpu.dma_semaphore, #tpu.memory_space<semaphore_mem>>
          %dma_start3A_195 = tpu.memref_slice %arg3[%add3A_159] : memref<1048576xf32, #tpu.memory_space<hbm>> -> memref<128xf32, #tpu.memory_space<hbm>>
          %dma_start3A_196 = tpu.memref_slice %arg3[%add3A_159] : memref<1048576xf32, #tpu.memory_space<hbm>> -> memref<128xf32, #tpu.memory_space<hbm>>
          tpu.enqueue_dma source(%dma_start3A_196 : memref<128xf32, #tpu.memory_space<hbm>>) target(%arg6 : memref<128xf32, #tpu.memory_space<vmem>>) target_semaphore(%run_scoped3A_194 : memref<!tpu.dma_semaphore, #tpu.memory_space<semaphore_mem>>)
          %dma_wait3A_197 = tpu.memref_slice %arg3[%add3A_159] : memref<1048576xf32, #tpu.memory_space<hbm>> -> memref<128xf32, #tpu.memory_space<hbm>>
          %dma_wait3A_198 = tpu.memref_slice %arg3[%add3A_159] : memref<1048576xf32, #tpu.memory_space<hbm>> -> memref<128xf32, #tpu.memory_space<hbm>>
          tpu.wait_dma2 semaphore(%run_scoped3A_194 : memref<!tpu.dma_semaphore, #tpu.memory_space<semaphore_mem>>) src(%dma_wait3A_198 : memref<128xf32, #tpu.memory_space<hbm>>) dst(%arg6 : memref<128xf32, #tpu.memory_space<vmem>>)
          tpu.yield
        }) : () -> ()
        "tpu.region"() ({
          %run_scoped3A_194 = tpu.sem_alloc : memref<!tpu.dma_semaphore, #tpu.memory_space<semaphore_mem>>
          %dma_start3A_195 = tpu.memref_slice %arg4[%add3A_159] : memref<1048576xf32, #tpu.memory_space<hbm>> -> memref<128xf32, #tpu.memory_space<hbm>>
          %dma_start3A_196 = tpu.memref_slice %arg4[%add3A_159] : memref<1048576xf32, #tpu.memory_space<hbm>> -> memref<128xf32, #tpu.memory_space<hbm>>
          tpu.enqueue_dma source(%dma_start3A_196 : memref<128xf32, #tpu.memory_space<hbm>>) target(%arg7 : memref<128xf32, #tpu.memory_space<vmem>>) target_semaphore(%run_scoped3A_194 : memref<!tpu.dma_semaphore, #tpu.memory_space<semaphore_mem>>)
          %dma_wait3A_197 = tpu.memref_slice %arg4[%add3A_159] : memref<1048576xf32, #tpu.memory_space<hbm>> -> memref<128xf32, #tpu.memory_space<hbm>>
          %dma_wait3A_198 = tpu.memref_slice %arg4[%add3A_159] : memref<1048576xf32, #tpu.memory_space<hbm>> -> memref<128xf32, #tpu.memory_space<hbm>>
          tpu.wait_dma2 semaphore(%run_scoped3A_194 : memref<!tpu.dma_semaphore, #tpu.memory_space<semaphore_mem>>) src(%dma_wait3A_198 : memref<128xf32, #tpu.memory_space<hbm>>) dst(%arg7 : memref<128xf32, #tpu.memory_space<vmem>>)
          tpu.yield
        }) : () -> ()
        %scan3A_160 = arith.constant 0 : i32
        %scan3A_161 = arith.constant 8 : i32
        %scan3A_162 = arith.addi %scan3A_160, %scan3A_161 : i32
        %scan3A_163 = arith.constant 1 : i32
        scf.for %scan3A_194 = %scan3A_160 to %scan3A_162 step %scan3A_163  : i32 {
          %mul3A_195 = arith.constant 1 : i32
          %mul3A_196 = arith.muli %scan3A_194, %mul3A_195 : i32
          %add3A_197 = arith.constant 0 : i32
          %add3A_198 = arith.addi %add3A_197, %mul3A_196 : i32
          %mul3A_199 = arith.constant 16 : i32
          %mul3A_200 = arith.muli %add3A_198, %mul3A_199 : i32
          %get3A = arith.index_cast %mul3A_200 : i32 to index
          %get3A_201 = tpu.vector_load %arg6[%get3A] {strides = array<i32>} : memref<128xf32, #tpu.memory_space<vmem>>, vector<16xf32>,
          %get3A_202 = arith.index_cast %mul3A_200 : i32 to index
          %get3A_203 = tpu.vector_load %arg7[%get3A_202] {strides = array<i32>} : memref<128xf32, #tpu.memory_space<vmem>>, vector<16xf32>,
          %convert_element_type3A = arith.fptosi %get3A_201 : vector<16xf32> to vector<16xi32>
          %min3A = arith.constant 510 : i32
          %min3A_204 = vector.broadcast %min3A : i32 to vector<16xi32>
          %min3A_205 = arith.minsi %convert_element_type3A, %min3A_204 : vector<16xi32>
          %convert_element_type3A_206 = arith.fptosi %get3A_203 : vector<16xf32> to vector<16xi32>
          %min3A_207 = arith.constant 510 : i32
          %min3A_208 = vector.broadcast %min3A_207 : i32 to vector<16xi32>
          %min3A_209 = arith.minsi %convert_element_type3A_206, %min3A_208 : vector<16xi32>
          %convert_element_type3A_210 = arith.sitofp %min3A_205 : vector<16xi32> to vector<16xf32>
          %sub3A = arith.subf %get3A_201, %convert_element_type3A_210 : vector<16xf32>
          %swap3A = arith.index_cast %mul3A_200 : i32 to index
          %swap3A_211 = tpu.vector_load %arg8[%swap3A] {strides = array<i32>} : memref<128xf32, #tpu.memory_space<vmem>>, vector<16xf32>,
          tpu.vector_store %arg8[%swap3A], %sub3A {strides = array<i32>} : memref<128xf32, #tpu.memory_space<vmem>>, vector<16xf32>,
          %convert_element_type3A_212 = arith.sitofp %min3A_209 : vector<16xi32> to vector<16xf32>
          %sub3A_213 = arith.subf %get3A_203, %convert_element_type3A_212 : vector<16xf32>
          %swap3A_214 = arith.index_cast %mul3A_200 : i32 to index
          %swap3A_215 = tpu.vector_load %arg9[%swap3A_214] {strides = array<i32>} : memref<128xf32, #tpu.memory_space<vmem>>, vector<16xf32>,
          tpu.vector_store %arg9[%swap3A_214], %sub3A_213 {strides = array<i32>} : memref<128xf32, #tpu.memory_space<vmem>>, vector<16xf32>,
          %mul3A_216 = arith.constant 512 : i32
          %mul3A_217 = vector.broadcast %mul3A_216 : i32 to vector<16xi32>
          %mul3A_218 = arith.muli %min3A_209, %mul3A_217 : vector<16xi32>
          %add3A_219 = arith.addi %mul3A_218, %min3A_205 : vector<16xi32>
          %swap3A_220 = arith.index_cast %mul3A_200 : i32 to index
          %swap3A_221 = tpu.vector_load %arg10[%swap3A_220] {strides = array<i32>} : memref<128xi32, #tpu.memory_space<vmem>>, vector<16xi32>,
          tpu.vector_store %arg10[%swap3A_220], %add3A_219 {strides = array<i32>} : memref<128xi32, #tpu.memory_space<vmem>>, vector<16xi32>,
          %add3A_222 = arith.constant 1 : i32
          %add3A_223 = vector.broadcast %add3A_222 : i32 to vector<16xi32>
          %add3A_224 = arith.addi %add3A_219, %add3A_223 : vector<16xi32>
          %swap3A_225 = arith.index_cast %mul3A_200 : i32 to index
          %swap3A_226 = tpu.vector_load %arg11[%swap3A_225] {strides = array<i32>} : memref<128xi32, #tpu.memory_space<vmem>>, vector<16xi32>,
          tpu.vector_store %arg11[%swap3A_225], %add3A_224 {strides = array<i32>} : memref<128xi32, #tpu.memory_space<vmem>>, vector<16xi32>,
          %add3A_227 = arith.constant 512 : i32
          %add3A_228 = vector.broadcast %add3A_227 : i32 to vector<16xi32>
          %add3A_229 = arith.addi %add3A_219, %add3A_228 : vector<16xi32>
          %swap3A_230 = arith.index_cast %mul3A_200 : i32 to index
          %swap3A_231 = tpu.vector_load %arg12[%swap3A_230] {strides = array<i32>} : memref<128xi32, #tpu.memory_space<vmem>>, vector<16xi32>,
          tpu.vector_store %arg12[%swap3A_230], %add3A_229 {strides = array<i32>} : memref<128xi32, #tpu.memory_space<vmem>>, vector<16xi32>,
          %add3A_232 = arith.constant 513 : i32
          %add3A_233 = vector.broadcast %add3A_232 : i32 to vector<16xi32>
          %add3A_234 = arith.addi %add3A_219, %add3A_233 : vector<16xi32>
          %swap3A_235 = arith.index_cast %mul3A_200 : i32 to index
          %swap3A_236 = tpu.vector_load %arg13[%swap3A_235] {strides = array<i32>} : memref<128xi32, #tpu.memory_space<vmem>>, vector<16xi32>,
          tpu.vector_store %arg13[%swap3A_235], %add3A_234 {strides = array<i32>} : memref<128xi32, #tpu.memory_space<vmem>>, vector<16xi32>,
        }
        %scan3A_164 = arith.constant 8 : i32
        %dma_start3A = arith.constant 0 : i32
        %dma_start3A_165 = arith.constant 0 : i32
        %dma_start3A_166 = tpu.memref_slice %arg2[%dma_start3A, %dma_start3A_165] : memref<262144x16xf32, #tpu.memory_space<hbm>> -> memref<262144x16xf32, #tpu.memory_space<hbm>>
        tpu.enqueue_indirect_dma source(%dma_start3A_166 : memref<262144x16xf32, #tpu.memory_space<hbm>>) target(%arg14 : memref<128x16xf32, #tpu.memory_space<vmem>>) offsets(%arg10 : memref<128xi32, #tpu.memory_space<vmem>>) semaphore(%arg19 : memref<!tpu.dma_semaphore, #tpu.memory_space<semaphore_mem>>)
        %dma_start3A_167 = arith.constant 0 : i32
        %dma_start3A_168 = arith.constant 0 : i32
        %dma_start3A_169 = tpu.memref_slice %arg2[%dma_start3A_167, %dma_start3A_168] : memref<262144x16xf32, #tpu.memory_space<hbm>> -> memref<262144x16xf32, #tpu.memory_space<hbm>>
        tpu.enqueue_indirect_dma source(%dma_start3A_169 : memref<262144x16xf32, #tpu.memory_space<hbm>>) target(%arg15 : memref<128x16xf32, #tpu.memory_space<vmem>>) offsets(%arg11 : memref<128xi32, #tpu.memory_space<vmem>>) semaphore(%arg19 : memref<!tpu.dma_semaphore, #tpu.memory_space<semaphore_mem>>)
        %dma_start3A_170 = arith.constant 0 : i32
        %dma_start3A_171 = arith.constant 0 : i32
        %dma_start3A_172 = tpu.memref_slice %arg2[%dma_start3A_170, %dma_start3A_171] : memref<262144x16xf32, #tpu.memory_space<hbm>> -> memref<262144x16xf32, #tpu.memory_space<hbm>>
        tpu.enqueue_indirect_dma source(%dma_start3A_172 : memref<262144x16xf32, #tpu.memory_space<hbm>>) target(%arg16 : memref<128x16xf32, #tpu.memory_space<vmem>>) offsets(%arg12 : memref<128xi32, #tpu.memory_space<vmem>>) semaphore(%arg19 : memref<!tpu.dma_semaphore, #tpu.memory_space<semaphore_mem>>)
        %dma_start3A_173 = arith.constant 0 : i32
        %dma_start3A_174 = arith.constant 0 : i32
        %dma_start3A_175 = tpu.memref_slice %arg2[%dma_start3A_173, %dma_start3A_174] : memref<262144x16xf32, #tpu.memory_space<hbm>> -> memref<262144x16xf32, #tpu.memory_space<hbm>>
        tpu.enqueue_indirect_dma source(%dma_start3A_175 : memref<262144x16xf32, #tpu.memory_space<hbm>>) target(%arg17 : memref<128x16xf32, #tpu.memory_space<vmem>>) offsets(%arg13 : memref<128xi32, #tpu.memory_space<vmem>>) semaphore(%arg19 : memref<!tpu.dma_semaphore, #tpu.memory_space<semaphore_mem>>)
        %dma_wait3A = arith.constant 0 : i32
        %dma_wait3A_176 = arith.constant 0 : i32
        %dma_wait3A_177 = tpu.memref_slice %arg2[%dma_wait3A, %dma_wait3A_176] : memref<262144x16xf32, #tpu.memory_space<hbm>> -> memref<262144x16xf32, #tpu.memory_space<hbm>>
        tpu.wait_indirect_dma semaphore(%arg19 : memref<!tpu.dma_semaphore, #tpu.memory_space<semaphore_mem>>) src(%dma_wait3A_177 : memref<262144x16xf32, #tpu.memory_space<hbm>>) dst(%arg14 : memref<128x16xf32, #tpu.memory_space<vmem>>)
        %dma_wait3A_178 = arith.constant 0 : i32
        %dma_wait3A_179 = arith.constant 0 : i32
        %dma_wait3A_180 = tpu.memref_slice %arg2[%dma_wait3A_178, %dma_wait3A_179] : memref<262144x16xf32, #tpu.memory_space<hbm>> -> memref<262144x16xf32, #tpu.memory_space<hbm>>
        tpu.wait_indirect_dma semaphore(%arg19 : memref<!tpu.dma_semaphore, #tpu.memory_space<semaphore_mem>>) src(%dma_wait3A_180 : memref<262144x16xf32, #tpu.memory_space<hbm>>) dst(%arg15 : memref<128x16xf32, #tpu.memory_space<vmem>>)
        %dma_wait3A_181 = arith.constant 0 : i32
        %dma_wait3A_182 = arith.constant 0 : i32
        %dma_wait3A_183 = tpu.memref_slice %arg2[%dma_wait3A_181, %dma_wait3A_182] : memref<262144x16xf32, #tpu.memory_space<hbm>> -> memref<262144x16xf32, #tpu.memory_space<hbm>>
        tpu.wait_indirect_dma semaphore(%arg19 : memref<!tpu.dma_semaphore, #tpu.memory_space<semaphore_mem>>) src(%dma_wait3A_183 : memref<262144x16xf32, #tpu.memory_space<hbm>>) dst(%arg16 : memref<128x16xf32, #tpu.memory_space<vmem>>)
        %dma_wait3A_184 = arith.constant 0 : i32
        %dma_wait3A_185 = arith.constant 0 : i32
        %dma_wait3A_186 = tpu.memref_slice %arg2[%dma_wait3A_184, %dma_wait3A_185] : memref<262144x16xf32, #tpu.memory_space<hbm>> -> memref<262144x16xf32, #tpu.memory_space<hbm>>
        tpu.wait_indirect_dma semaphore(%arg19 : memref<!tpu.dma_semaphore, #tpu.memory_space<semaphore_mem>>) src(%dma_wait3A_186 : memref<262144x16xf32, #tpu.memory_space<hbm>>) dst(%arg17 : memref<128x16xf32, #tpu.memory_space<vmem>>)
        %mul3A_187 = arith.constant 128 : i32
        %mul3A_188 = arith.muli %add3A_156, %mul3A_187 : i32
        %scan3A_189 = arith.constant 0 : i32
        %scan3A_190 = arith.constant 8 : i32
        %scan3A_191 = arith.addi %scan3A_189, %scan3A_190 : i32
        %scan3A_192 = arith.constant 1 : i32
        scf.for %scan3A_194 = %scan3A_189 to %scan3A_191 step %scan3A_192  : i32 {
          %mul3A_195 = arith.constant 1 : i32
          %mul3A_196 = arith.muli %scan3A_194, %mul3A_195 : i32
          %add3A_197 = arith.constant 0 : i32
          %add3A_198 = arith.addi %add3A_197, %mul3A_196 : i32
          %mul3A_199 = arith.constant 16 : i32
          %mul3A_200 = arith.muli %add3A_198, %mul3A_199 : i32
          %get3A = arith.index_cast %mul3A_200 : i32 to index
          %get3A_201 = tpu.vector_load %arg8[%get3A] {strides = array<i32>} : memref<128xf32, #tpu.memory_space<vmem>>, vector<16xf32>,
          %get3A_202 = arith.index_cast %mul3A_200 : i32 to index
          %get3A_203 = tpu.vector_load %arg9[%get3A_202] {strides = array<i32>} : memref<128xf32, #tpu.memory_space<vmem>>, vector<16xf32>,
          %sub3A = arith.constant 1.000000e+00 : f32
          %sub3A_204 = vector.broadcast %sub3A : f32 to vector<16xf32>
          %sub3A_205 = arith.subf %sub3A_204, %get3A_203 : vector<16xf32>
          %sub3A_206 = arith.constant 1.000000e+00 : f32
          %sub3A_207 = vector.broadcast %sub3A_206 : f32 to vector<16xf32>
          %sub3A_208 = arith.subf %sub3A_207, %get3A_201 : vector<16xf32>
          %mul3A_209 = arith.mulf %sub3A_205, %sub3A_208 : vector<16xf32>
          %sub3A_210 = arith.constant 1.000000e+00 : f32
          %sub3A_211 = vector.broadcast %sub3A_210 : f32 to vector<16xf32>
          %sub3A_212 = arith.subf %sub3A_211, %get3A_203 : vector<16xf32>
          %mul3A_213 = arith.mulf %sub3A_212, %get3A_201 : vector<16xf32>
          %sub3A_214 = arith.constant 1.000000e+00 : f32
          %sub3A_215 = vector.broadcast %sub3A_214 : f32 to vector<16xf32>
          %sub3A_216 = arith.subf %sub3A_215, %get3A_201 : vector<16xf32>
          %mul3A_217 = arith.mulf %get3A_203, %sub3A_216 : vector<16xf32>
          %mul3A_218 = arith.mulf %get3A_203, %get3A_201 : vector<16xf32>
          %mul3A_219 = arith.constant 16 : i32
          %mul3A_220 = arith.muli %add3A_198, %mul3A_219 : i32
          %iota3A = tpu.iota {dimensions = array<i32: 0>} : vector<16xi32>
          %add3A_221 = vector.broadcast %mul3A_220 : i32 to vector<16xi32>
          %add3A_222 = arith.addi %add3A_221, %iota3A : vector<16xi32>
          %broadcast_in_dim3A = arith.constant 0 : i32
          %broadcast_in_dim3A_223 = vector.broadcast %broadcast_in_dim3A : i32 to vector<16xi32>
          %gather3A = tpu.vector_load_idx %arg14[%add3A_222, %broadcast_in_dim3A_223] : memref<128x16xf32, #tpu.memory_space<vmem>>[vector<16xi32>, vector<16xi32>], vector<16xf32>,
          %gather3A_224 = tpu.vector_load_idx %arg15[%add3A_222, %broadcast_in_dim3A_223] : memref<128x16xf32, #tpu.memory_space<vmem>>[vector<16xi32>, vector<16xi32>], vector<16xf32>,
          %gather3A_225 = tpu.vector_load_idx %arg16[%add3A_222, %broadcast_in_dim3A_223] : memref<128x16xf32, #tpu.memory_space<vmem>>[vector<16xi32>, vector<16xi32>], vector<16xf32>,
          %gather3A_226 = tpu.vector_load_idx %arg17[%add3A_222, %broadcast_in_dim3A_223] : memref<128x16xf32, #tpu.memory_space<vmem>>[vector<16xi32>, vector<16xi32>], vector<16xf32>,
          %mul3A_227 = arith.mulf %mul3A_209, %gather3A : vector<16xf32>
          %mul3A_228 = arith.mulf %mul3A_213, %gather3A_224 : vector<16xf32>
          %add3A_229 = arith.addf %mul3A_227, %mul3A_228 : vector<16xf32>
          %mul3A_230 = arith.mulf %mul3A_217, %gather3A_225 : vector<16xf32>
          %add3A_231 = arith.addf %add3A_229, %mul3A_230 : vector<16xf32>
          %mul3A_232 = arith.mulf %mul3A_218, %gather3A_226 : vector<16xf32>
          %add3A_233 = arith.addf %add3A_231, %mul3A_232 : vector<16xf32>
          %mul3A_234 = arith.constant 16 : i32
          %mul3A_235 = arith.muli %add3A_198, %mul3A_234 : i32
          %add3A_236 = arith.addi %mul3A_188, %mul3A_235 : i32
          %swap3A = arith.constant 0 : i32
          %swap3A_237 = arith.index_cast %swap3A : i32 to index
          %swap3A_238 = arith.index_cast %add3A_236 : i32 to index
          %swap3A_239 = tpu.vector_load %arg18[%swap3A_237, %swap3A_238] {strides = array<i32>} : memref<16x2048xf32, #tpu.memory_space<vmem>>, vector<16xf32>,
          tpu.vector_store %arg18[%swap3A_237, %swap3A_238], %add3A_233 {strides = array<i32>} : memref<16x2048xf32, #tpu.memory_space<vmem>>, vector<16xf32>,
          %broadcast_in_dim3A_240 = arith.constant 1 : i32
          %broadcast_in_dim3A_241 = vector.broadcast %broadcast_in_dim3A_240 : i32 to vector<16xi32>
          %gather3A_242 = tpu.vector_load_idx %arg14[%add3A_222, %broadcast_in_dim3A_241] : memref<128x16xf32, #tpu.memory_space<vmem>>[vector<16xi32>, vector<16xi32>], vector<16xf32>,
          %gather3A_243 = tpu.vector_load_idx %arg15[%add3A_222, %broadcast_in_dim3A_241] : memref<128x16xf32, #tpu.memory_space<vmem>>[vector<16xi32>, vector<16xi32>], vector<16xf32>,
          %gather3A_244 = tpu.vector_load_idx %arg16[%add3A_222, %broadcast_in_dim3A_241] : memref<128x16xf32, #tpu.memory_space<vmem>>[vector<16xi32>, vector<16xi32>], vector<16xf32>,
          %gather3A_245 = tpu.vector_load_idx %arg17[%add3A_222, %broadcast_in_dim3A_241] : memref<128x16xf32, #tpu.memory_space<vmem>>[vector<16xi32>, vector<16xi32>], vector<16xf32>,
          %mul3A_246 = arith.mulf %mul3A_209, %gather3A_242 : vector<16xf32>
          %mul3A_247 = arith.mulf %mul3A_213, %gather3A_243 : vector<16xf32>
          %add3A_248 = arith.addf %mul3A_246, %mul3A_247 : vector<16xf32>
          %mul3A_249 = arith.mulf %mul3A_217, %gather3A_244 : vector<16xf32>
          %add3A_250 = arith.addf %add3A_248, %mul3A_249 : vector<16xf32>
          %mul3A_251 = arith.mulf %mul3A_218, %gather3A_245 : vector<16xf32>
          %add3A_252 = arith.addf %add3A_250, %mul3A_251 : vector<16xf32>
          %mul3A_253 = arith.constant 16 : i32
          %mul3A_254 = arith.muli %add3A_198, %mul3A_253 : i32
          %add3A_255 = arith.addi %mul3A_188, %mul3A_254 : i32
          %swap3A_256 = arith.constant 1 : i32
          %swap3A_257 = arith.index_cast %swap3A_256 : i32 to index
          %swap3A_258 = arith.index_cast %add3A_255 : i32 to index
          %swap3A_259 = tpu.vector_load %arg18[%swap3A_257, %swap3A_258] {strides = array<i32>} : memref<16x2048xf32, #tpu.memory_space<vmem>>, vector<16xf32>,
          tpu.vector_store %arg18[%swap3A_257, %swap3A_258], %add3A_252 {strides = array<i32>} : memref<16x2048xf32, #tpu.memory_space<vmem>>, vector<16xf32>,
          %broadcast_in_dim3A_260 = arith.constant 2 : i32
          %broadcast_in_dim3A_261 = vector.broadcast %broadcast_in_dim3A_260 : i32 to vector<16xi32>
          %gather3A_262 = tpu.vector_load_idx %arg14[%add3A_222, %broadcast_in_dim3A_261] : memref<128x16xf32, #tpu.memory_space<vmem>>[vector<16xi32>, vector<16xi32>], vector<16xf32>,
          %gather3A_263 = tpu.vector_load_idx %arg15[%add3A_222, %broadcast_in_dim3A_261] : memref<128x16xf32, #tpu.memory_space<vmem>>[vector<16xi32>, vector<16xi32>], vector<16xf32>,
          %gather3A_264 = tpu.vector_load_idx %arg16[%add3A_222, %broadcast_in_dim3A_261] : memref<128x16xf32, #tpu.memory_space<vmem>>[vector<16xi32>, vector<16xi32>], vector<16xf32>,
          %gather3A_265 = tpu.vector_load_idx %arg17[%add3A_222, %broadcast_in_dim3A_261] : memref<128x16xf32, #tpu.memory_space<vmem>>[vector<16xi32>, vector<16xi32>], vector<16xf32>,
          %mul3A_266 = arith.mulf %mul3A_209, %gather3A_262 : vector<16xf32>
          %mul3A_267 = arith.mulf %mul3A_213, %gather3A_263 : vector<16xf32>
          %add3A_268 = arith.addf %mul3A_266, %mul3A_267 : vector<16xf32>
          %mul3A_269 = arith.mulf %mul3A_217, %gather3A_264 : vector<16xf32>
          %add3A_270 = arith.addf %add3A_268, %mul3A_269 : vector<16xf32>
          %mul3A_271 = arith.mulf %mul3A_218, %gather3A_265 : vector<16xf32>
          %add3A_272 = arith.addf %add3A_270, %mul3A_271 : vector<16xf32>
          %mul3A_273 = arith.constant 16 : i32
          %mul3A_274 = arith.muli %add3A_198, %mul3A_273 : i32
          %add3A_275 = arith.addi %mul3A_188, %mul3A_274 : i32
          %swap3A_276 = arith.constant 2 : i32
          %swap3A_277 = arith.index_cast %swap3A_276 : i32 to index
          %swap3A_278 = arith.index_cast %add3A_275 : i32 to index
          %swap3A_279 = tpu.vector_load %arg18[%swap3A_277, %swap3A_278] {strides = array<i32>} : memref<16x2048xf32, #tpu.memory_space<vmem>>, vector<16xf32>,
          tpu.vector_store %arg18[%swap3A_277, %swap3A_278], %add3A_272 {strides = array<i32>} : memref<16x2048xf32, #tpu.memory_space<vmem>>, vector<16xf32>,
          %broadcast_in_dim3A_280 = arith.constant 3 : i32
          %broadcast_in_dim3A_281 = vector.broadcast %broadcast_in_dim3A_280 : i32 to vector<16xi32>
          %gather3A_282 = tpu.vector_load_idx %arg14[%add3A_222, %broadcast_in_dim3A_281] : memref<128x16xf32, #tpu.memory_space<vmem>>[vector<16xi32>, vector<16xi32>], vector<16xf32>,
          %gather3A_283 = tpu.vector_load_idx %arg15[%add3A_222, %broadcast_in_dim3A_281] : memref<128x16xf32, #tpu.memory_space<vmem>>[vector<16xi32>, vector<16xi32>], vector<16xf32>,
          %gather3A_284 = tpu.vector_load_idx %arg16[%add3A_222, %broadcast_in_dim3A_281] : memref<128x16xf32, #tpu.memory_space<vmem>>[vector<16xi32>, vector<16xi32>], vector<16xf32>,
          %gather3A_285 = tpu.vector_load_idx %arg17[%add3A_222, %broadcast_in_dim3A_281] : memref<128x16xf32, #tpu.memory_space<vmem>>[vector<16xi32>, vector<16xi32>], vector<16xf32>,
          %mul3A_286 = arith.mulf %mul3A_209, %gather3A_282 : vector<16xf32>
          %mul3A_287 = arith.mulf %mul3A_213, %gather3A_283 : vector<16xf32>
          %add3A_288 = arith.addf %mul3A_286, %mul3A_287 : vector<16xf32>
          %mul3A_289 = arith.mulf %mul3A_217, %gather3A_284 : vector<16xf32>
          %add3A_290 = arith.addf %add3A_288, %mul3A_289 : vector<16xf32>
          %mul3A_291 = arith.mulf %mul3A_218, %gather3A_285 : vector<16xf32>
          %add3A_292 = arith.addf %add3A_290, %mul3A_291 : vector<16xf32>
          %mul3A_293 = arith.constant 16 : i32
          %mul3A_294 = arith.muli %add3A_198, %mul3A_293 : i32
          %add3A_295 = arith.addi %mul3A_188, %mul3A_294 : i32
          %swap3A_296 = arith.constant 3 : i32
          %swap3A_297 = arith.index_cast %swap3A_296 : i32 to index
          %swap3A_298 = arith.index_cast %add3A_295 : i32 to index
          %swap3A_299 = tpu.vector_load %arg18[%swap3A_297, %swap3A_298] {strides = array<i32>} : memref<16x2048xf32, #tpu.memory_space<vmem>>, vector<16xf32>,
          tpu.vector_store %arg18[%swap3A_297, %swap3A_298], %add3A_292 {strides = array<i32>} : memref<16x2048xf32, #tpu.memory_space<vmem>>, vector<16xf32>,
          %broadcast_in_dim3A_300 = arith.constant 4 : i32
          %broadcast_in_dim3A_301 = vector.broadcast %broadcast_in_dim3A_300 : i32 to vector<16xi32>
          %gather3A_302 = tpu.vector_load_idx %arg14[%add3A_222, %broadcast_in_dim3A_301] : memref<128x16xf32, #tpu.memory_space<vmem>>[vector<16xi32>, vector<16xi32>], vector<16xf32>,
          %gather3A_303 = tpu.vector_load_idx %arg15[%add3A_222, %broadcast_in_dim3A_301] : memref<128x16xf32, #tpu.memory_space<vmem>>[vector<16xi32>, vector<16xi32>], vector<16xf32>,
          %gather3A_304 = tpu.vector_load_idx %arg16[%add3A_222, %broadcast_in_dim3A_301] : memref<128x16xf32, #tpu.memory_space<vmem>>[vector<16xi32>, vector<16xi32>], vector<16xf32>,
          %gather3A_305 = tpu.vector_load_idx %arg17[%add3A_222, %broadcast_in_dim3A_301] : memref<128x16xf32, #tpu.memory_space<vmem>>[vector<16xi32>, vector<16xi32>], vector<16xf32>,
          %mul3A_306 = arith.mulf %mul3A_209, %gather3A_302 : vector<16xf32>
          %mul3A_307 = arith.mulf %mul3A_213, %gather3A_303 : vector<16xf32>
          %add3A_308 = arith.addf %mul3A_306, %mul3A_307 : vector<16xf32>
          %mul3A_309 = arith.mulf %mul3A_217, %gather3A_304 : vector<16xf32>
          %add3A_310 = arith.addf %add3A_308, %mul3A_309 : vector<16xf32>
          %mul3A_311 = arith.mulf %mul3A_218, %gather3A_305 : vector<16xf32>
          %add3A_312 = arith.addf %add3A_310, %mul3A_311 : vector<16xf32>
          %mul3A_313 = arith.constant 16 : i32
          %mul3A_314 = arith.muli %add3A_198, %mul3A_313 : i32
          %add3A_315 = arith.addi %mul3A_188, %mul3A_314 : i32
          %swap3A_316 = arith.constant 4 : i32
          %swap3A_317 = arith.index_cast %swap3A_316 : i32 to index
          %swap3A_318 = arith.index_cast %add3A_315 : i32 to index
          %swap3A_319 = tpu.vector_load %arg18[%swap3A_317, %swap3A_318] {strides = array<i32>} : memref<16x2048xf32, #tpu.memory_space<vmem>>, vector<16xf32>,
          tpu.vector_store %arg18[%swap3A_317, %swap3A_318], %add3A_312 {strides = array<i32>} : memref<16x2048xf32, #tpu.memory_space<vmem>>, vector<16xf32>,
          %broadcast_in_dim3A_320 = arith.constant 5 : i32
          %broadcast_in_dim3A_321 = vector.broadcast %broadcast_in_dim3A_320 : i32 to vector<16xi32>
          %gather3A_322 = tpu.vector_load_idx %arg14[%add3A_222, %broadcast_in_dim3A_321] : memref<128x16xf32, #tpu.memory_space<vmem>>[vector<16xi32>, vector<16xi32>], vector<16xf32>,
          %gather3A_323 = tpu.vector_load_idx %arg15[%add3A_222, %broadcast_in_dim3A_321] : memref<128x16xf32, #tpu.memory_space<vmem>>[vector<16xi32>, vector<16xi32>], vector<16xf32>,
          %gather3A_324 = tpu.vector_load_idx %arg16[%add3A_222, %broadcast_in_dim3A_321] : memref<128x16xf32, #tpu.memory_space<vmem>>[vector<16xi32>, vector<16xi32>], vector<16xf32>,
          %gather3A_325 = tpu.vector_load_idx %arg17[%add3A_222, %broadcast_in_dim3A_321] : memref<128x16xf32, #tpu.memory_space<vmem>>[vector<16xi32>, vector<16xi32>], vector<16xf32>,
          %mul3A_326 = arith.mulf %mul3A_209, %gather3A_322 : vector<16xf32>
          %mul3A_327 = arith.mulf %mul3A_213, %gather3A_323 : vector<16xf32>
          %add3A_328 = arith.addf %mul3A_326, %mul3A_327 : vector<16xf32>
          %mul3A_329 = arith.mulf %mul3A_217, %gather3A_324 : vector<16xf32>
          %add3A_330 = arith.addf %add3A_328, %mul3A_329 : vector<16xf32>
          %mul3A_331 = arith.mulf %mul3A_218, %gather3A_325 : vector<16xf32>
          %add3A_332 = arith.addf %add3A_330, %mul3A_331 : vector<16xf32>
          %mul3A_333 = arith.constant 16 : i32
          %mul3A_334 = arith.muli %add3A_198, %mul3A_333 : i32
          %add3A_335 = arith.addi %mul3A_188, %mul3A_334 : i32
          %swap3A_336 = arith.constant 5 : i32
          %swap3A_337 = arith.index_cast %swap3A_336 : i32 to index
          %swap3A_338 = arith.index_cast %add3A_335 : i32 to index
          %swap3A_339 = tpu.vector_load %arg18[%swap3A_337, %swap3A_338] {strides = array<i32>} : memref<16x2048xf32, #tpu.memory_space<vmem>>, vector<16xf32>,
          tpu.vector_store %arg18[%swap3A_337, %swap3A_338], %add3A_332 {strides = array<i32>} : memref<16x2048xf32, #tpu.memory_space<vmem>>, vector<16xf32>,
          %broadcast_in_dim3A_340 = arith.constant 6 : i32
          %broadcast_in_dim3A_341 = vector.broadcast %broadcast_in_dim3A_340 : i32 to vector<16xi32>
          %gather3A_342 = tpu.vector_load_idx %arg14[%add3A_222, %broadcast_in_dim3A_341] : memref<128x16xf32, #tpu.memory_space<vmem>>[vector<16xi32>, vector<16xi32>], vector<16xf32>,
          %gather3A_343 = tpu.vector_load_idx %arg15[%add3A_222, %broadcast_in_dim3A_341] : memref<128x16xf32, #tpu.memory_space<vmem>>[vector<16xi32>, vector<16xi32>], vector<16xf32>,
          %gather3A_344 = tpu.vector_load_idx %arg16[%add3A_222, %broadcast_in_dim3A_341] : memref<128x16xf32, #tpu.memory_space<vmem>>[vector<16xi32>, vector<16xi32>], vector<16xf32>,
          %gather3A_345 = tpu.vector_load_idx %arg17[%add3A_222, %broadcast_in_dim3A_341] : memref<128x16xf32, #tpu.memory_space<vmem>>[vector<16xi32>, vector<16xi32>], vector<16xf32>,
          %mul3A_346 = arith.mulf %mul3A_209, %gather3A_342 : vector<16xf32>
          %mul3A_347 = arith.mulf %mul3A_213, %gather3A_343 : vector<16xf32>
          %add3A_348 = arith.addf %mul3A_346, %mul3A_347 : vector<16xf32>
          %mul3A_349 = arith.mulf %mul3A_217, %gather3A_344 : vector<16xf32>
          %add3A_350 = arith.addf %add3A_348, %mul3A_349 : vector<16xf32>
          %mul3A_351 = arith.mulf %mul3A_218, %gather3A_345 : vector<16xf32>
          %add3A_352 = arith.addf %add3A_350, %mul3A_351 : vector<16xf32>
          %mul3A_353 = arith.constant 16 : i32
          %mul3A_354 = arith.muli %add3A_198, %mul3A_353 : i32
          %add3A_355 = arith.addi %mul3A_188, %mul3A_354 : i32
          %swap3A_356 = arith.constant 6 : i32
          %swap3A_357 = arith.index_cast %swap3A_356 : i32 to index
          %swap3A_358 = arith.index_cast %add3A_355 : i32 to index
          %swap3A_359 = tpu.vector_load %arg18[%swap3A_357, %swap3A_358] {strides = array<i32>} : memref<16x2048xf32, #tpu.memory_space<vmem>>, vector<16xf32>,
          tpu.vector_store %arg18[%swap3A_357, %swap3A_358], %add3A_352 {strides = array<i32>} : memref<16x2048xf32, #tpu.memory_space<vmem>>, vector<16xf32>,
          %broadcast_in_dim3A_360 = arith.constant 7 : i32
          %broadcast_in_dim3A_361 = vector.broadcast %broadcast_in_dim3A_360 : i32 to vector<16xi32>
          %gather3A_362 = tpu.vector_load_idx %arg14[%add3A_222, %broadcast_in_dim3A_361] : memref<128x16xf32, #tpu.memory_space<vmem>>[vector<16xi32>, vector<16xi32>], vector<16xf32>,
          %gather3A_363 = tpu.vector_load_idx %arg15[%add3A_222, %broadcast_in_dim3A_361] : memref<128x16xf32, #tpu.memory_space<vmem>>[vector<16xi32>, vector<16xi32>], vector<16xf32>,
          %gather3A_364 = tpu.vector_load_idx %arg16[%add3A_222, %broadcast_in_dim3A_361] : memref<128x16xf32, #tpu.memory_space<vmem>>[vector<16xi32>, vector<16xi32>], vector<16xf32>,
          %gather3A_365 = tpu.vector_load_idx %arg17[%add3A_222, %broadcast_in_dim3A_361] : memref<128x16xf32, #tpu.memory_space<vmem>>[vector<16xi32>, vector<16xi32>], vector<16xf32>,
          %mul3A_366 = arith.mulf %mul3A_209, %gather3A_362 : vector<16xf32>
          %mul3A_367 = arith.mulf %mul3A_213, %gather3A_363 : vector<16xf32>
          %add3A_368 = arith.addf %mul3A_366, %mul3A_367 : vector<16xf32>
          %mul3A_369 = arith.mulf %mul3A_217, %gather3A_364 : vector<16xf32>
          %add3A_370 = arith.addf %add3A_368, %mul3A_369 : vector<16xf32>
          %mul3A_371 = arith.mulf %mul3A_218, %gather3A_365 : vector<16xf32>
          %add3A_372 = arith.addf %add3A_370, %mul3A_371 : vector<16xf32>
          %mul3A_373 = arith.constant 16 : i32
          %mul3A_374 = arith.muli %add3A_198, %mul3A_373 : i32
          %add3A_375 = arith.addi %mul3A_188, %mul3A_374 : i32
          %swap3A_376 = arith.constant 7 : i32
          %swap3A_377 = arith.index_cast %swap3A_376 : i32 to index
          %swap3A_378 = arith.index_cast %add3A_375 : i32 to index
          %swap3A_379 = tpu.vector_load %arg18[%swap3A_377, %swap3A_378] {strides = array<i32>} : memref<16x2048xf32, #tpu.memory_space<vmem>>, vector<16xf32>,
          tpu.vector_store %arg18[%swap3A_377, %swap3A_378], %add3A_372 {strides = array<i32>} : memref<16x2048xf32, #tpu.memory_space<vmem>>, vector<16xf32>,
          %broadcast_in_dim3A_380 = arith.constant 8 : i32
          %broadcast_in_dim3A_381 = vector.broadcast %broadcast_in_dim3A_380 : i32 to vector<16xi32>
          %gather3A_382 = tpu.vector_load_idx %arg14[%add3A_222, %broadcast_in_dim3A_381] : memref<128x16xf32, #tpu.memory_space<vmem>>[vector<16xi32>, vector<16xi32>], vector<16xf32>,
          %gather3A_383 = tpu.vector_load_idx %arg15[%add3A_222, %broadcast_in_dim3A_381] : memref<128x16xf32, #tpu.memory_space<vmem>>[vector<16xi32>, vector<16xi32>], vector<16xf32>,
          %gather3A_384 = tpu.vector_load_idx %arg16[%add3A_222, %broadcast_in_dim3A_381] : memref<128x16xf32, #tpu.memory_space<vmem>>[vector<16xi32>, vector<16xi32>], vector<16xf32>,
          %gather3A_385 = tpu.vector_load_idx %arg17[%add3A_222, %broadcast_in_dim3A_381] : memref<128x16xf32, #tpu.memory_space<vmem>>[vector<16xi32>, vector<16xi32>], vector<16xf32>,
          %mul3A_386 = arith.mulf %mul3A_209, %gather3A_382 : vector<16xf32>
          %mul3A_387 = arith.mulf %mul3A_213, %gather3A_383 : vector<16xf32>
          %add3A_388 = arith.addf %mul3A_386, %mul3A_387 : vector<16xf32>
          %mul3A_389 = arith.mulf %mul3A_217, %gather3A_384 : vector<16xf32>
          %add3A_390 = arith.addf %add3A_388, %mul3A_389 : vector<16xf32>
          %mul3A_391 = arith.mulf %mul3A_218, %gather3A_385 : vector<16xf32>
          %add3A_392 = arith.addf %add3A_390, %mul3A_391 : vector<16xf32>
          %mul3A_393 = arith.constant 16 : i32
          %mul3A_394 = arith.muli %add3A_198, %mul3A_393 : i32
          %add3A_395 = arith.addi %mul3A_188, %mul3A_394 : i32
          %swap3A_396 = arith.constant 8 : i32
          %swap3A_397 = arith.index_cast %swap3A_396 : i32 to index
          %swap3A_398 = arith.index_cast %add3A_395 : i32 to index
          %swap3A_399 = tpu.vector_load %arg18[%swap3A_397, %swap3A_398] {strides = array<i32>} : memref<16x2048xf32, #tpu.memory_space<vmem>>, vector<16xf32>,
          tpu.vector_store %arg18[%swap3A_397, %swap3A_398], %add3A_392 {strides = array<i32>} : memref<16x2048xf32, #tpu.memory_space<vmem>>, vector<16xf32>,
          %broadcast_in_dim3A_400 = arith.constant 9 : i32
          %broadcast_in_dim3A_401 = vector.broadcast %broadcast_in_dim3A_400 : i32 to vector<16xi32>
          %gather3A_402 = tpu.vector_load_idx %arg14[%add3A_222, %broadcast_in_dim3A_401] : memref<128x16xf32, #tpu.memory_space<vmem>>[vector<16xi32>, vector<16xi32>], vector<16xf32>,
          %gather3A_403 = tpu.vector_load_idx %arg15[%add3A_222, %broadcast_in_dim3A_401] : memref<128x16xf32, #tpu.memory_space<vmem>>[vector<16xi32>, vector<16xi32>], vector<16xf32>,
          %gather3A_404 = tpu.vector_load_idx %arg16[%add3A_222, %broadcast_in_dim3A_401] : memref<128x16xf32, #tpu.memory_space<vmem>>[vector<16xi32>, vector<16xi32>], vector<16xf32>,
          %gather3A_405 = tpu.vector_load_idx %arg17[%add3A_222, %broadcast_in_dim3A_401] : memref<128x16xf32, #tpu.memory_space<vmem>>[vector<16xi32>, vector<16xi32>], vector<16xf32>,
          %mul3A_406 = arith.mulf %mul3A_209, %gather3A_402 : vector<16xf32>
          %mul3A_407 = arith.mulf %mul3A_213, %gather3A_403 : vector<16xf32>
          %add3A_408 = arith.addf %mul3A_406, %mul3A_407 : vector<16xf32>
          %mul3A_409 = arith.mulf %mul3A_217, %gather3A_404 : vector<16xf32>
          %add3A_410 = arith.addf %add3A_408, %mul3A_409 : vector<16xf32>
          %mul3A_411 = arith.mulf %mul3A_218, %gather3A_405 : vector<16xf32>
          %add3A_412 = arith.addf %add3A_410, %mul3A_411 : vector<16xf32>
          %mul3A_413 = arith.constant 16 : i32
          %mul3A_414 = arith.muli %add3A_198, %mul3A_413 : i32
          %add3A_415 = arith.addi %mul3A_188, %mul3A_414 : i32
          %swap3A_416 = arith.constant 9 : i32
          %swap3A_417 = arith.index_cast %swap3A_416 : i32 to index
          %swap3A_418 = arith.index_cast %add3A_415 : i32 to index
          %swap3A_419 = tpu.vector_load %arg18[%swap3A_417, %swap3A_418] {strides = array<i32>} : memref<16x2048xf32, #tpu.memory_space<vmem>>, vector<16xf32>,
          tpu.vector_store %arg18[%swap3A_417, %swap3A_418], %add3A_412 {strides = array<i32>} : memref<16x2048xf32, #tpu.memory_space<vmem>>, vector<16xf32>,
          %broadcast_in_dim3A_420 = arith.constant 10 : i32
          %broadcast_in_dim3A_421 = vector.broadcast %broadcast_in_dim3A_420 : i32 to vector<16xi32>
          %gather3A_422 = tpu.vector_load_idx %arg14[%add3A_222, %broadcast_in_dim3A_421] : memref<128x16xf32, #tpu.memory_space<vmem>>[vector<16xi32>, vector<16xi32>], vector<16xf32>,
          %gather3A_423 = tpu.vector_load_idx %arg15[%add3A_222, %broadcast_in_dim3A_421] : memref<128x16xf32, #tpu.memory_space<vmem>>[vector<16xi32>, vector<16xi32>], vector<16xf32>,
          %gather3A_424 = tpu.vector_load_idx %arg16[%add3A_222, %broadcast_in_dim3A_421] : memref<128x16xf32, #tpu.memory_space<vmem>>[vector<16xi32>, vector<16xi32>], vector<16xf32>,
          %gather3A_425 = tpu.vector_load_idx %arg17[%add3A_222, %broadcast_in_dim3A_421] : memref<128x16xf32, #tpu.memory_space<vmem>>[vector<16xi32>, vector<16xi32>], vector<16xf32>,
          %mul3A_426 = arith.mulf %mul3A_209, %gather3A_422 : vector<16xf32>
          %mul3A_427 = arith.mulf %mul3A_213, %gather3A_423 : vector<16xf32>
          %add3A_428 = arith.addf %mul3A_426, %mul3A_427 : vector<16xf32>
          %mul3A_429 = arith.mulf %mul3A_217, %gather3A_424 : vector<16xf32>
          %add3A_430 = arith.addf %add3A_428, %mul3A_429 : vector<16xf32>
          %mul3A_431 = arith.mulf %mul3A_218, %gather3A_425 : vector<16xf32>
          %add3A_432 = arith.addf %add3A_430, %mul3A_431 : vector<16xf32>
          %mul3A_433 = arith.constant 16 : i32
          %mul3A_434 = arith.muli %add3A_198, %mul3A_433 : i32
          %add3A_435 = arith.addi %mul3A_188, %mul3A_434 : i32
          %swap3A_436 = arith.constant 10 : i32
          %swap3A_437 = arith.index_cast %swap3A_436 : i32 to index
          %swap3A_438 = arith.index_cast %add3A_435 : i32 to index
          %swap3A_439 = tpu.vector_load %arg18[%swap3A_437, %swap3A_438] {strides = array<i32>} : memref<16x2048xf32, #tpu.memory_space<vmem>>, vector<16xf32>,
          tpu.vector_store %arg18[%swap3A_437, %swap3A_438], %add3A_432 {strides = array<i32>} : memref<16x2048xf32, #tpu.memory_space<vmem>>, vector<16xf32>,
          %broadcast_in_dim3A_440 = arith.constant 11 : i32
          %broadcast_in_dim3A_441 = vector.broadcast %broadcast_in_dim3A_440 : i32 to vector<16xi32>
          %gather3A_442 = tpu.vector_load_idx %arg14[%add3A_222, %broadcast_in_dim3A_441] : memref<128x16xf32, #tpu.memory_space<vmem>>[vector<16xi32>, vector<16xi32>], vector<16xf32>,
          %gather3A_443 = tpu.vector_load_idx %arg15[%add3A_222, %broadcast_in_dim3A_441] : memref<128x16xf32, #tpu.memory_space<vmem>>[vector<16xi32>, vector<16xi32>], vector<16xf32>,
          %gather3A_444 = tpu.vector_load_idx %arg16[%add3A_222, %broadcast_in_dim3A_441] : memref<128x16xf32, #tpu.memory_space<vmem>>[vector<16xi32>, vector<16xi32>], vector<16xf32>,
          %gather3A_445 = tpu.vector_load_idx %arg17[%add3A_222, %broadcast_in_dim3A_441] : memref<128x16xf32, #tpu.memory_space<vmem>>[vector<16xi32>, vector<16xi32>], vector<16xf32>,
          %mul3A_446 = arith.mulf %mul3A_209, %gather3A_442 : vector<16xf32>
          %mul3A_447 = arith.mulf %mul3A_213, %gather3A_443 : vector<16xf32>
          %add3A_448 = arith.addf %mul3A_446, %mul3A_447 : vector<16xf32>
          %mul3A_449 = arith.mulf %mul3A_217, %gather3A_444 : vector<16xf32>
          %add3A_450 = arith.addf %add3A_448, %mul3A_449 : vector<16xf32>
          %mul3A_451 = arith.mulf %mul3A_218, %gather3A_445 : vector<16xf32>
          %add3A_452 = arith.addf %add3A_450, %mul3A_451 : vector<16xf32>
          %mul3A_453 = arith.constant 16 : i32
          %mul3A_454 = arith.muli %add3A_198, %mul3A_453 : i32
          %add3A_455 = arith.addi %mul3A_188, %mul3A_454 : i32
          %swap3A_456 = arith.constant 11 : i32
          %swap3A_457 = arith.index_cast %swap3A_456 : i32 to index
          %swap3A_458 = arith.index_cast %add3A_455 : i32 to index
          %swap3A_459 = tpu.vector_load %arg18[%swap3A_457, %swap3A_458] {strides = array<i32>} : memref<16x2048xf32, #tpu.memory_space<vmem>>, vector<16xf32>,
          tpu.vector_store %arg18[%swap3A_457, %swap3A_458], %add3A_452 {strides = array<i32>} : memref<16x2048xf32, #tpu.memory_space<vmem>>, vector<16xf32>,
          %broadcast_in_dim3A_460 = arith.constant 12 : i32
          %broadcast_in_dim3A_461 = vector.broadcast %broadcast_in_dim3A_460 : i32 to vector<16xi32>
          %gather3A_462 = tpu.vector_load_idx %arg14[%add3A_222, %broadcast_in_dim3A_461] : memref<128x16xf32, #tpu.memory_space<vmem>>[vector<16xi32>, vector<16xi32>], vector<16xf32>,
          %gather3A_463 = tpu.vector_load_idx %arg15[%add3A_222, %broadcast_in_dim3A_461] : memref<128x16xf32, #tpu.memory_space<vmem>>[vector<16xi32>, vector<16xi32>], vector<16xf32>,
          %gather3A_464 = tpu.vector_load_idx %arg16[%add3A_222, %broadcast_in_dim3A_461] : memref<128x16xf32, #tpu.memory_space<vmem>>[vector<16xi32>, vector<16xi32>], vector<16xf32>,
          %gather3A_465 = tpu.vector_load_idx %arg17[%add3A_222, %broadcast_in_dim3A_461] : memref<128x16xf32, #tpu.memory_space<vmem>>[vector<16xi32>, vector<16xi32>], vector<16xf32>,
          %mul3A_466 = arith.mulf %mul3A_209, %gather3A_462 : vector<16xf32>
          %mul3A_467 = arith.mulf %mul3A_213, %gather3A_463 : vector<16xf32>
          %add3A_468 = arith.addf %mul3A_466, %mul3A_467 : vector<16xf32>
          %mul3A_469 = arith.mulf %mul3A_217, %gather3A_464 : vector<16xf32>
          %add3A_470 = arith.addf %add3A_468, %mul3A_469 : vector<16xf32>
          %mul3A_471 = arith.mulf %mul3A_218, %gather3A_465 : vector<16xf32>
          %add3A_472 = arith.addf %add3A_470, %mul3A_471 : vector<16xf32>
          %mul3A_473 = arith.constant 16 : i32
          %mul3A_474 = arith.muli %add3A_198, %mul3A_473 : i32
          %add3A_475 = arith.addi %mul3A_188, %mul3A_474 : i32
          %swap3A_476 = arith.constant 12 : i32
          %swap3A_477 = arith.index_cast %swap3A_476 : i32 to index
          %swap3A_478 = arith.index_cast %add3A_475 : i32 to index
          %swap3A_479 = tpu.vector_load %arg18[%swap3A_477, %swap3A_478] {strides = array<i32>} : memref<16x2048xf32, #tpu.memory_space<vmem>>, vector<16xf32>,
          tpu.vector_store %arg18[%swap3A_477, %swap3A_478], %add3A_472 {strides = array<i32>} : memref<16x2048xf32, #tpu.memory_space<vmem>>, vector<16xf32>,
          %broadcast_in_dim3A_480 = arith.constant 13 : i32
          %broadcast_in_dim3A_481 = vector.broadcast %broadcast_in_dim3A_480 : i32 to vector<16xi32>
          %gather3A_482 = tpu.vector_load_idx %arg14[%add3A_222, %broadcast_in_dim3A_481] : memref<128x16xf32, #tpu.memory_space<vmem>>[vector<16xi32>, vector<16xi32>], vector<16xf32>,
          %gather3A_483 = tpu.vector_load_idx %arg15[%add3A_222, %broadcast_in_dim3A_481] : memref<128x16xf32, #tpu.memory_space<vmem>>[vector<16xi32>, vector<16xi32>], vector<16xf32>,
          %gather3A_484 = tpu.vector_load_idx %arg16[%add3A_222, %broadcast_in_dim3A_481] : memref<128x16xf32, #tpu.memory_space<vmem>>[vector<16xi32>, vector<16xi32>], vector<16xf32>,
          %gather3A_485 = tpu.vector_load_idx %arg17[%add3A_222, %broadcast_in_dim3A_481] : memref<128x16xf32, #tpu.memory_space<vmem>>[vector<16xi32>, vector<16xi32>], vector<16xf32>,
          %mul3A_486 = arith.mulf %mul3A_209, %gather3A_482 : vector<16xf32>
          %mul3A_487 = arith.mulf %mul3A_213, %gather3A_483 : vector<16xf32>
          %add3A_488 = arith.addf %mul3A_486, %mul3A_487 : vector<16xf32>
          %mul3A_489 = arith.mulf %mul3A_217, %gather3A_484 : vector<16xf32>
          %add3A_490 = arith.addf %add3A_488, %mul3A_489 : vector<16xf32>
          %mul3A_491 = arith.mulf %mul3A_218, %gather3A_485 : vector<16xf32>
          %add3A_492 = arith.addf %add3A_490, %mul3A_491 : vector<16xf32>
          %mul3A_493 = arith.constant 16 : i32
          %mul3A_494 = arith.muli %add3A_198, %mul3A_493 : i32
          %add3A_495 = arith.addi %mul3A_188, %mul3A_494 : i32
          %swap3A_496 = arith.constant 13 : i32
          %swap3A_497 = arith.index_cast %swap3A_496 : i32 to index
          %swap3A_498 = arith.index_cast %add3A_495 : i32 to index
          %swap3A_499 = tpu.vector_load %arg18[%swap3A_497, %swap3A_498] {strides = array<i32>} : memref<16x2048xf32, #tpu.memory_space<vmem>>, vector<16xf32>,
          tpu.vector_store %arg18[%swap3A_497, %swap3A_498], %add3A_492 {strides = array<i32>} : memref<16x2048xf32, #tpu.memory_space<vmem>>, vector<16xf32>,
          %broadcast_in_dim3A_500 = arith.constant 14 : i32
          %broadcast_in_dim3A_501 = vector.broadcast %broadcast_in_dim3A_500 : i32 to vector<16xi32>
          %gather3A_502 = tpu.vector_load_idx %arg14[%add3A_222, %broadcast_in_dim3A_501] : memref<128x16xf32, #tpu.memory_space<vmem>>[vector<16xi32>, vector<16xi32>], vector<16xf32>,
          %gather3A_503 = tpu.vector_load_idx %arg15[%add3A_222, %broadcast_in_dim3A_501] : memref<128x16xf32, #tpu.memory_space<vmem>>[vector<16xi32>, vector<16xi32>], vector<16xf32>,
          %gather3A_504 = tpu.vector_load_idx %arg16[%add3A_222, %broadcast_in_dim3A_501] : memref<128x16xf32, #tpu.memory_space<vmem>>[vector<16xi32>, vector<16xi32>], vector<16xf32>,
          %gather3A_505 = tpu.vector_load_idx %arg17[%add3A_222, %broadcast_in_dim3A_501] : memref<128x16xf32, #tpu.memory_space<vmem>>[vector<16xi32>, vector<16xi32>], vector<16xf32>,
          %mul3A_506 = arith.mulf %mul3A_209, %gather3A_502 : vector<16xf32>
          %mul3A_507 = arith.mulf %mul3A_213, %gather3A_503 : vector<16xf32>
          %add3A_508 = arith.addf %mul3A_506, %mul3A_507 : vector<16xf32>
          %mul3A_509 = arith.mulf %mul3A_217, %gather3A_504 : vector<16xf32>
          %add3A_510 = arith.addf %add3A_508, %mul3A_509 : vector<16xf32>
          %mul3A_511 = arith.mulf %mul3A_218, %gather3A_505 : vector<16xf32>
          %add3A_512 = arith.addf %add3A_510, %mul3A_511 : vector<16xf32>
          %mul3A_513 = arith.constant 16 : i32
          %mul3A_514 = arith.muli %add3A_198, %mul3A_513 : i32
          %add3A_515 = arith.addi %mul3A_188, %mul3A_514 : i32
          %swap3A_516 = arith.constant 14 : i32
          %swap3A_517 = arith.index_cast %swap3A_516 : i32 to index
          %swap3A_518 = arith.index_cast %add3A_515 : i32 to index
          %swap3A_519 = tpu.vector_load %arg18[%swap3A_517, %swap3A_518] {strides = array<i32>} : memref<16x2048xf32, #tpu.memory_space<vmem>>, vector<16xf32>,
          tpu.vector_store %arg18[%swap3A_517, %swap3A_518], %add3A_512 {strides = array<i32>} : memref<16x2048xf32, #tpu.memory_space<vmem>>, vector<16xf32>,
          %broadcast_in_dim3A_520 = arith.constant 15 : i32
          %broadcast_in_dim3A_521 = vector.broadcast %broadcast_in_dim3A_520 : i32 to vector<16xi32>
          %gather3A_522 = tpu.vector_load_idx %arg14[%add3A_222, %broadcast_in_dim3A_521] : memref<128x16xf32, #tpu.memory_space<vmem>>[vector<16xi32>, vector<16xi32>], vector<16xf32>,
          %gather3A_523 = tpu.vector_load_idx %arg15[%add3A_222, %broadcast_in_dim3A_521] : memref<128x16xf32, #tpu.memory_space<vmem>>[vector<16xi32>, vector<16xi32>], vector<16xf32>,
          %gather3A_524 = tpu.vector_load_idx %arg16[%add3A_222, %broadcast_in_dim3A_521] : memref<128x16xf32, #tpu.memory_space<vmem>>[vector<16xi32>, vector<16xi32>], vector<16xf32>,
          %gather3A_525 = tpu.vector_load_idx %arg17[%add3A_222, %broadcast_in_dim3A_521] : memref<128x16xf32, #tpu.memory_space<vmem>>[vector<16xi32>, vector<16xi32>], vector<16xf32>,
          %mul3A_526 = arith.mulf %mul3A_209, %gather3A_522 : vector<16xf32>
          %mul3A_527 = arith.mulf %mul3A_213, %gather3A_523 : vector<16xf32>
          %add3A_528 = arith.addf %mul3A_526, %mul3A_527 : vector<16xf32>
          %mul3A_529 = arith.mulf %mul3A_217, %gather3A_524 : vector<16xf32>
          %add3A_530 = arith.addf %add3A_528, %mul3A_529 : vector<16xf32>
          %mul3A_531 = arith.mulf %mul3A_218, %gather3A_525 : vector<16xf32>
          %add3A_532 = arith.addf %add3A_530, %mul3A_531 : vector<16xf32>
          %mul3A_533 = arith.constant 16 : i32
          %mul3A_534 = arith.muli %add3A_198, %mul3A_533 : i32
          %add3A_535 = arith.addi %mul3A_188, %mul3A_534 : i32
          %swap3A_536 = arith.constant 15 : i32
          %swap3A_537 = arith.index_cast %swap3A_536 : i32 to index
          %swap3A_538 = arith.index_cast %add3A_535 : i32 to index
          %swap3A_539 = tpu.vector_load %arg18[%swap3A_537, %swap3A_538] {strides = array<i32>} : memref<16x2048xf32, #tpu.memory_space<vmem>>, vector<16xf32>,
          tpu.vector_store %arg18[%swap3A_537, %swap3A_538], %add3A_532 {strides = array<i32>} : memref<16x2048xf32, #tpu.memory_space<vmem>>, vector<16xf32>,
        }
        %scan3A_193 = arith.constant 8 : i32
      }
      %scan3A_19 = arith.constant 16 : i32
      %mul3A_20 = arith.constant 32 : i32
      %mul3A_21 = arith.muli %add3A, %mul3A_20 : i32
      %mul3A_22 = arith.constant 2 : i32
      %mul3A_23 = arith.muli %add3A_11, %mul3A_22 : i32
      %add3A_24 = arith.addi %mul3A_21, %mul3A_23 : i32
      %run_scoped3A = arith.constant 0 : i32
      %run_scoped3A_25 = arith.constant 0 : i32
      %run_scoped3A_26 = arith.constant 0 : i32
      "tpu.region"() ({
        %run_scoped3A_152 = tpu.sem_alloc : memref<!tpu.dma_semaphore, #tpu.memory_space<semaphore_mem>>
        %dma_start3A = arith.constant 0 : i32
        %dma_start3A_153 = tpu.memref_slice %arg18[%run_scoped3A, %dma_start3A] : memref<16x2048xf32, #tpu.memory_space<vmem>> -> memref<1x1024xf32, #tpu.memory_space<vmem>>
        %dma_start3A_154 = tpu.memref_squeeze %dma_start3A_153 : memref<1x1024xf32, #tpu.memory_space<vmem>> -> memref<1024xf32, #tpu.memory_space<vmem>>
        %dma_start3A_155 = arith.constant 0 : i32
        %dma_start3A_156 = tpu.memref_slice %arg5[%run_scoped3A_25, %run_scoped3A_26, %add3A_24, %dma_start3A_155] : memref<2x8x1024x1024xf32, #tpu.memory_space<hbm>> -> memref<1x1x1x1024xf32, #tpu.memory_space<hbm>>
        %dma_start3A_157 = tpu.memref_squeeze %dma_start3A_156 : memref<1x1x1x1024xf32, #tpu.memory_space<hbm>> -> memref<1024xf32, #tpu.memory_space<hbm>>
        %dma_start3A_158 = arith.constant 0 : i32
        %dma_start3A_159 = tpu.memref_slice %arg5[%run_scoped3A_25, %run_scoped3A_26, %add3A_24, %dma_start3A_158] : memref<2x8x1024x1024xf32, #tpu.memory_space<hbm>> -> memref<1x1x1x1024xf32, #tpu.memory_space<hbm>>
        %dma_start3A_160 = tpu.memref_squeeze %dma_start3A_159 : memref<1x1x1x1024xf32, #tpu.memory_space<hbm>> -> memref<1024xf32, #tpu.memory_space<hbm>>
        %dma_start3A_161 = arith.constant 0 : i32
        %dma_start3A_162 = tpu.memref_slice %arg18[%run_scoped3A, %dma_start3A_161] : memref<16x2048xf32, #tpu.memory_space<vmem>> -> memref<1x1024xf32, #tpu.memory_space<vmem>>
        %dma_start3A_163 = tpu.memref_squeeze %dma_start3A_162 : memref<1x1024xf32, #tpu.memory_space<vmem>> -> memref<1024xf32, #tpu.memory_space<vmem>>
        tpu.enqueue_dma source(%dma_start3A_163 : memref<1024xf32, #tpu.memory_space<vmem>>) target(%dma_start3A_160 : memref<1024xf32, #tpu.memory_space<hbm>>) target_semaphore(%run_scoped3A_152 : memref<!tpu.dma_semaphore, #tpu.memory_space<semaphore_mem>>)
        %dma_wait3A = arith.constant 0 : i32
        %dma_wait3A_164 = tpu.memref_slice %arg18[%run_scoped3A, %dma_wait3A] : memref<16x2048xf32, #tpu.memory_space<vmem>> -> memref<1x1024xf32, #tpu.memory_space<vmem>>
        %dma_wait3A_165 = tpu.memref_squeeze %dma_wait3A_164 : memref<1x1024xf32, #tpu.memory_space<vmem>> -> memref<1024xf32, #tpu.memory_space<vmem>>
        %dma_wait3A_166 = arith.constant 0 : i32
        %dma_wait3A_167 = tpu.memref_slice %arg5[%run_scoped3A_25, %run_scoped3A_26, %add3A_24, %dma_wait3A_166] : memref<2x8x1024x1024xf32, #tpu.memory_space<hbm>> -> memref<1x1x1x1024xf32, #tpu.memory_space<hbm>>
        %dma_wait3A_168 = tpu.memref_squeeze %dma_wait3A_167 : memref<1x1x1x1024xf32, #tpu.memory_space<hbm>> -> memref<1024xf32, #tpu.memory_space<hbm>>
        %dma_wait3A_169 = arith.constant 0 : i32
        %dma_wait3A_170 = tpu.memref_slice %arg5[%run_scoped3A_25, %run_scoped3A_26, %add3A_24, %dma_wait3A_169] : memref<2x8x1024x1024xf32, #tpu.memory_space<hbm>> -> memref<1x1x1x1024xf32, #tpu.memory_space<hbm>>
        %dma_wait3A_171 = tpu.memref_squeeze %dma_wait3A_170 : memref<1x1x1x1024xf32, #tpu.memory_space<hbm>> -> memref<1024xf32, #tpu.memory_space<hbm>>
        %dma_wait3A_172 = arith.constant 0 : i32
        %dma_wait3A_173 = tpu.memref_slice %arg18[%run_scoped3A, %dma_wait3A_172] : memref<16x2048xf32, #tpu.memory_space<vmem>> -> memref<1x1024xf32, #tpu.memory_space<vmem>>
        %dma_wait3A_174 = tpu.memref_squeeze %dma_wait3A_173 : memref<1x1024xf32, #tpu.memory_space<vmem>> -> memref<1024xf32, #tpu.memory_space<vmem>>
        tpu.wait_dma2 semaphore(%run_scoped3A_152 : memref<!tpu.dma_semaphore, #tpu.memory_space<semaphore_mem>>) src(%dma_wait3A_174 : memref<1024xf32, #tpu.memory_space<vmem>>) dst(%dma_wait3A_171 : memref<1024xf32, #tpu.memory_space<hbm>>)
        tpu.yield
      }) : () -> ()
      %add3A_27 = arith.constant 1 : i32
      %add3A_28 = arith.addi %add3A_24, %add3A_27 : i32
      %run_scoped3A_29 = arith.constant 0 : i32
      %run_scoped3A_30 = arith.constant 0 : i32
      %run_scoped3A_31 = arith.constant 0 : i32
      "tpu.region"() ({
        %run_scoped3A_152 = tpu.sem_alloc : memref<!tpu.dma_semaphore, #tpu.memory_space<semaphore_mem>>
        %dma_start3A = arith.constant 1024 : i32
        %dma_start3A_153 = tpu.memref_slice %arg18[%run_scoped3A_29, %dma_start3A] : memref<16x2048xf32, #tpu.memory_space<vmem>> -> memref<1x1024xf32, #tpu.memory_space<vmem>>
        %dma_start3A_154 = tpu.memref_squeeze %dma_start3A_153 : memref<1x1024xf32, #tpu.memory_space<vmem>> -> memref<1024xf32, #tpu.memory_space<vmem>>
        %dma_start3A_155 = arith.constant 0 : i32
        %dma_start3A_156 = tpu.memref_slice %arg5[%run_scoped3A_30, %run_scoped3A_31, %add3A_28, %dma_start3A_155] : memref<2x8x1024x1024xf32, #tpu.memory_space<hbm>> -> memref<1x1x1x1024xf32, #tpu.memory_space<hbm>>
        %dma_start3A_157 = tpu.memref_squeeze %dma_start3A_156 : memref<1x1x1x1024xf32, #tpu.memory_space<hbm>> -> memref<1024xf32, #tpu.memory_space<hbm>>
        %dma_start3A_158 = arith.constant 0 : i32
        %dma_start3A_159 = tpu.memref_slice %arg5[%run_scoped3A_30, %run_scoped3A_31, %add3A_28, %dma_start3A_158] : memref<2x8x1024x1024xf32, #tpu.memory_space<hbm>> -> memref<1x1x1x1024xf32, #tpu.memory_space<hbm>>
        %dma_start3A_160 = tpu.memref_squeeze %dma_start3A_159 : memref<1x1x1x1024xf32, #tpu.memory_space<hbm>> -> memref<1024xf32, #tpu.memory_space<hbm>>
        %dma_start3A_161 = arith.constant 1024 : i32
        %dma_start3A_162 = tpu.memref_slice %arg18[%run_scoped3A_29, %dma_start3A_161] : memref<16x2048xf32, #tpu.memory_space<vmem>> -> memref<1x1024xf32, #tpu.memory_space<vmem>>
        %dma_start3A_163 = tpu.memref_squeeze %dma_start3A_162 : memref<1x1024xf32, #tpu.memory_space<vmem>> -> memref<1024xf32, #tpu.memory_space<vmem>>
        tpu.enqueue_dma source(%dma_start3A_163 : memref<1024xf32, #tpu.memory_space<vmem>>) target(%dma_start3A_160 : memref<1024xf32, #tpu.memory_space<hbm>>) target_semaphore(%run_scoped3A_152 : memref<!tpu.dma_semaphore, #tpu.memory_space<semaphore_mem>>)
        %dma_wait3A = arith.constant 1024 : i32
        %dma_wait3A_164 = tpu.memref_slice %arg18[%run_scoped3A_29, %dma_wait3A] : memref<16x2048xf32, #tpu.memory_space<vmem>> -> memref<1x1024xf32, #tpu.memory_space<vmem>>
        %dma_wait3A_165 = tpu.memref_squeeze %dma_wait3A_164 : memref<1x1024xf32, #tpu.memory_space<vmem>> -> memref<1024xf32, #tpu.memory_space<vmem>>
        %dma_wait3A_166 = arith.constant 0 : i32
        %dma_wait3A_167 = tpu.memref_slice %arg5[%run_scoped3A_30, %run_scoped3A_31, %add3A_28, %dma_wait3A_166] : memref<2x8x1024x1024xf32, #tpu.memory_space<hbm>> -> memref<1x1x1x1024xf32, #tpu.memory_space<hbm>>
        %dma_wait3A_168 = tpu.memref_squeeze %dma_wait3A_167 : memref<1x1x1x1024xf32, #tpu.memory_space<hbm>> -> memref<1024xf32, #tpu.memory_space<hbm>>
        %dma_wait3A_169 = arith.constant 0 : i32
        %dma_wait3A_170 = tpu.memref_slice %arg5[%run_scoped3A_30, %run_scoped3A_31, %add3A_28, %dma_wait3A_169] : memref<2x8x1024x1024xf32, #tpu.memory_space<hbm>> -> memref<1x1x1x1024xf32, #tpu.memory_space<hbm>>
        %dma_wait3A_171 = tpu.memref_squeeze %dma_wait3A_170 : memref<1x1x1x1024xf32, #tpu.memory_space<hbm>> -> memref<1024xf32, #tpu.memory_space<hbm>>
        %dma_wait3A_172 = arith.constant 1024 : i32
        %dma_wait3A_173 = tpu.memref_slice %arg18[%run_scoped3A_29, %dma_wait3A_172] : memref<16x2048xf32, #tpu.memory_space<vmem>> -> memref<1x1024xf32, #tpu.memory_space<vmem>>
        %dma_wait3A_174 = tpu.memref_squeeze %dma_wait3A_173 : memref<1x1024xf32, #tpu.memory_space<vmem>> -> memref<1024xf32, #tpu.memory_space<vmem>>
        tpu.wait_dma2 semaphore(%run_scoped3A_152 : memref<!tpu.dma_semaphore, #tpu.memory_space<semaphore_mem>>) src(%dma_wait3A_174 : memref<1024xf32, #tpu.memory_space<vmem>>) dst(%dma_wait3A_171 : memref<1024xf32, #tpu.memory_space<hbm>>)
        tpu.yield
      }) : () -> ()
      %run_scoped3A_32 = arith.constant 1 : i32
      %run_scoped3A_33 = arith.constant 0 : i32
      %run_scoped3A_34 = arith.constant 1 : i32
      "tpu.region"() ({
        %run_scoped3A_152 = tpu.sem_alloc : memref<!tpu.dma_semaphore, #tpu.memory_space<semaphore_mem>>
        %dma_start3A = arith.constant 0 : i32
        %dma_start3A_153 = tpu.memref_slice %arg18[%run_scoped3A_32, %dma_start3A] : memref<16x2048xf32, #tpu.memory_space<vmem>> -> memref<1x1024xf32, #tpu.memory_space<vmem>>
        %dma_start3A_154 = tpu.memref_squeeze %dma_start3A_153 : memref<1x1024xf32, #tpu.memory_space<vmem>> -> memref<1024xf32, #tpu.memory_space<vmem>>
        %dma_start3A_155 = arith.constant 0 : i32
        %dma_start3A_156 = tpu.memref_slice %arg5[%run_scoped3A_33, %run_scoped3A_34, %add3A_24, %dma_start3A_155] : memref<2x8x1024x1024xf32, #tpu.memory_space<hbm>> -> memref<1x1x1x1024xf32, #tpu.memory_space<hbm>>
        %dma_start3A_157 = tpu.memref_squeeze %dma_start3A_156 : memref<1x1x1x1024xf32, #tpu.memory_space<hbm>> -> memref<1024xf32, #tpu.memory_space<hbm>>
        %dma_start3A_158 = arith.constant 0 : i32
        %dma_start3A_159 = tpu.memref_slice %arg5[%run_scoped3A_33, %run_scoped3A_34, %add3A_24, %dma_start3A_158] : memref<2x8x1024x1024xf32, #tpu.memory_space<hbm>> -> memref<1x1x1x1024xf32, #tpu.memory_space<hbm>>
        %dma_start3A_160 = tpu.memref_squeeze %dma_start3A_159 : memref<1x1x1x1024xf32, #tpu.memory_space<hbm>> -> memref<1024xf32, #tpu.memory_space<hbm>>
        %dma_start3A_161 = arith.constant 0 : i32
        %dma_start3A_162 = tpu.memref_slice %arg18[%run_scoped3A_32, %dma_start3A_161] : memref<16x2048xf32, #tpu.memory_space<vmem>> -> memref<1x1024xf32, #tpu.memory_space<vmem>>
        %dma_start3A_163 = tpu.memref_squeeze %dma_start3A_162 : memref<1x1024xf32, #tpu.memory_space<vmem>> -> memref<1024xf32, #tpu.memory_space<vmem>>
        tpu.enqueue_dma source(%dma_start3A_163 : memref<1024xf32, #tpu.memory_space<vmem>>) target(%dma_start3A_160 : memref<1024xf32, #tpu.memory_space<hbm>>) target_semaphore(%run_scoped3A_152 : memref<!tpu.dma_semaphore, #tpu.memory_space<semaphore_mem>>)
        %dma_wait3A = arith.constant 0 : i32
        %dma_wait3A_164 = tpu.memref_slice %arg18[%run_scoped3A_32, %dma_wait3A] : memref<16x2048xf32, #tpu.memory_space<vmem>> -> memref<1x1024xf32, #tpu.memory_space<vmem>>
        %dma_wait3A_165 = tpu.memref_squeeze %dma_wait3A_164 : memref<1x1024xf32, #tpu.memory_space<vmem>> -> memref<1024xf32, #tpu.memory_space<vmem>>
        %dma_wait3A_166 = arith.constant 0 : i32
        %dma_wait3A_167 = tpu.memref_slice %arg5[%run_scoped3A_33, %run_scoped3A_34, %add3A_24, %dma_wait3A_166] : memref<2x8x1024x1024xf32, #tpu.memory_space<hbm>> -> memref<1x1x1x1024xf32, #tpu.memory_space<hbm>>
        %dma_wait3A_168 = tpu.memref_squeeze %dma_wait3A_167 : memref<1x1x1x1024xf32, #tpu.memory_space<hbm>> -> memref<1024xf32, #tpu.memory_space<hbm>>
        %dma_wait3A_169 = arith.constant 0 : i32
        %dma_wait3A_170 = tpu.memref_slice %arg5[%run_scoped3A_33, %run_scoped3A_34, %add3A_24, %dma_wait3A_169] : memref<2x8x1024x1024xf32, #tpu.memory_space<hbm>> -> memref<1x1x1x1024xf32, #tpu.memory_space<hbm>>
        %dma_wait3A_171 = tpu.memref_squeeze %dma_wait3A_170 : memref<1x1x1x1024xf32, #tpu.memory_space<hbm>> -> memref<1024xf32, #tpu.memory_space<hbm>>
        %dma_wait3A_172 = arith.constant 0 : i32
        %dma_wait3A_173 = tpu.memref_slice %arg18[%run_scoped3A_32, %dma_wait3A_172] : memref<16x2048xf32, #tpu.memory_space<vmem>> -> memref<1x1024xf32, #tpu.memory_space<vmem>>
        %dma_wait3A_174 = tpu.memref_squeeze %dma_wait3A_173 : memref<1x1024xf32, #tpu.memory_space<vmem>> -> memref<1024xf32, #tpu.memory_space<vmem>>
        tpu.wait_dma2 semaphore(%run_scoped3A_152 : memref<!tpu.dma_semaphore, #tpu.memory_space<semaphore_mem>>) src(%dma_wait3A_174 : memref<1024xf32, #tpu.memory_space<vmem>>) dst(%dma_wait3A_171 : memref<1024xf32, #tpu.memory_space<hbm>>)
        tpu.yield
      }) : () -> ()
      %add3A_35 = arith.constant 1 : i32
      %add3A_36 = arith.addi %add3A_24, %add3A_35 : i32
      %run_scoped3A_37 = arith.constant 1 : i32
      %run_scoped3A_38 = arith.constant 0 : i32
      %run_scoped3A_39 = arith.constant 1 : i32
      "tpu.region"() ({
        %run_scoped3A_152 = tpu.sem_alloc : memref<!tpu.dma_semaphore, #tpu.memory_space<semaphore_mem>>
        %dma_start3A = arith.constant 1024 : i32
        %dma_start3A_153 = tpu.memref_slice %arg18[%run_scoped3A_37, %dma_start3A] : memref<16x2048xf32, #tpu.memory_space<vmem>> -> memref<1x1024xf32, #tpu.memory_space<vmem>>
        %dma_start3A_154 = tpu.memref_squeeze %dma_start3A_153 : memref<1x1024xf32, #tpu.memory_space<vmem>> -> memref<1024xf32, #tpu.memory_space<vmem>>
        %dma_start3A_155 = arith.constant 0 : i32
        %dma_start3A_156 = tpu.memref_slice %arg5[%run_scoped3A_38, %run_scoped3A_39, %add3A_36, %dma_start3A_155] : memref<2x8x1024x1024xf32, #tpu.memory_space<hbm>> -> memref<1x1x1x1024xf32, #tpu.memory_space<hbm>>
        %dma_start3A_157 = tpu.memref_squeeze %dma_start3A_156 : memref<1x1x1x1024xf32, #tpu.memory_space<hbm>> -> memref<1024xf32, #tpu.memory_space<hbm>>
        %dma_start3A_158 = arith.constant 0 : i32
        %dma_start3A_159 = tpu.memref_slice %arg5[%run_scoped3A_38, %run_scoped3A_39, %add3A_36, %dma_start3A_158] : memref<2x8x1024x1024xf32, #tpu.memory_space<hbm>> -> memref<1x1x1x1024xf32, #tpu.memory_space<hbm>>
        %dma_start3A_160 = tpu.memref_squeeze %dma_start3A_159 : memref<1x1x1x1024xf32, #tpu.memory_space<hbm>> -> memref<1024xf32, #tpu.memory_space<hbm>>
        %dma_start3A_161 = arith.constant 1024 : i32
        %dma_start3A_162 = tpu.memref_slice %arg18[%run_scoped3A_37, %dma_start3A_161] : memref<16x2048xf32, #tpu.memory_space<vmem>> -> memref<1x1024xf32, #tpu.memory_space<vmem>>
        %dma_start3A_163 = tpu.memref_squeeze %dma_start3A_162 : memref<1x1024xf32, #tpu.memory_space<vmem>> -> memref<1024xf32, #tpu.memory_space<vmem>>
        tpu.enqueue_dma source(%dma_start3A_163 : memref<1024xf32, #tpu.memory_space<vmem>>) target(%dma_start3A_160 : memref<1024xf32, #tpu.memory_space<hbm>>) target_semaphore(%run_scoped3A_152 : memref<!tpu.dma_semaphore, #tpu.memory_space<semaphore_mem>>)
        %dma_wait3A = arith.constant 1024 : i32
        %dma_wait3A_164 = tpu.memref_slice %arg18[%run_scoped3A_37, %dma_wait3A] : memref<16x2048xf32, #tpu.memory_space<vmem>> -> memref<1x1024xf32, #tpu.memory_space<vmem>>
        %dma_wait3A_165 = tpu.memref_squeeze %dma_wait3A_164 : memref<1x1024xf32, #tpu.memory_space<vmem>> -> memref<1024xf32, #tpu.memory_space<vmem>>
        %dma_wait3A_166 = arith.constant 0 : i32
        %dma_wait3A_167 = tpu.memref_slice %arg5[%run_scoped3A_38, %run_scoped3A_39, %add3A_36, %dma_wait3A_166] : memref<2x8x1024x1024xf32, #tpu.memory_space<hbm>> -> memref<1x1x1x1024xf32, #tpu.memory_space<hbm>>
        %dma_wait3A_168 = tpu.memref_squeeze %dma_wait3A_167 : memref<1x1x1x1024xf32, #tpu.memory_space<hbm>> -> memref<1024xf32, #tpu.memory_space<hbm>>
        %dma_wait3A_169 = arith.constant 0 : i32
        %dma_wait3A_170 = tpu.memref_slice %arg5[%run_scoped3A_38, %run_scoped3A_39, %add3A_36, %dma_wait3A_169] : memref<2x8x1024x1024xf32, #tpu.memory_space<hbm>> -> memref<1x1x1x1024xf32, #tpu.memory_space<hbm>>
        %dma_wait3A_171 = tpu.memref_squeeze %dma_wait3A_170 : memref<1x1x1x1024xf32, #tpu.memory_space<hbm>> -> memref<1024xf32, #tpu.memory_space<hbm>>
        %dma_wait3A_172 = arith.constant 1024 : i32
        %dma_wait3A_173 = tpu.memref_slice %arg18[%run_scoped3A_37, %dma_wait3A_172] : memref<16x2048xf32, #tpu.memory_space<vmem>> -> memref<1x1024xf32, #tpu.memory_space<vmem>>
        %dma_wait3A_174 = tpu.memref_squeeze %dma_wait3A_173 : memref<1x1024xf32, #tpu.memory_space<vmem>> -> memref<1024xf32, #tpu.memory_space<vmem>>
        tpu.wait_dma2 semaphore(%run_scoped3A_152 : memref<!tpu.dma_semaphore, #tpu.memory_space<semaphore_mem>>) src(%dma_wait3A_174 : memref<1024xf32, #tpu.memory_space<vmem>>) dst(%dma_wait3A_171 : memref<1024xf32, #tpu.memory_space<hbm>>)
        tpu.yield
      }) : () -> ()
      %run_scoped3A_40 = arith.constant 2 : i32
      %run_scoped3A_41 = arith.constant 0 : i32
      %run_scoped3A_42 = arith.constant 2 : i32
      "tpu.region"() ({
        %run_scoped3A_152 = tpu.sem_alloc : memref<!tpu.dma_semaphore, #tpu.memory_space<semaphore_mem>>
        %dma_start3A = arith.constant 0 : i32
        %dma_start3A_153 = tpu.memref_slice %arg18[%run_scoped3A_40, %dma_start3A] : memref<16x2048xf32, #tpu.memory_space<vmem>> -> memref<1x1024xf32, #tpu.memory_space<vmem>>
        %dma_start3A_154 = tpu.memref_squeeze %dma_start3A_153 : memref<1x1024xf32, #tpu.memory_space<vmem>> -> memref<1024xf32, #tpu.memory_space<vmem>>
        %dma_start3A_155 = arith.constant 0 : i32
        %dma_start3A_156 = tpu.memref_slice %arg5[%run_scoped3A_41, %run_scoped3A_42, %add3A_24, %dma_start3A_155] : memref<2x8x1024x1024xf32, #tpu.memory_space<hbm>> -> memref<1x1x1x1024xf32, #tpu.memory_space<hbm>>
        %dma_start3A_157 = tpu.memref_squeeze %dma_start3A_156 : memref<1x1x1x1024xf32, #tpu.memory_space<hbm>> -> memref<1024xf32, #tpu.memory_space<hbm>>
        %dma_start3A_158 = arith.constant 0 : i32
        %dma_start3A_159 = tpu.memref_slice %arg5[%run_scoped3A_41, %run_scoped3A_42, %add3A_24, %dma_start3A_158] : memref<2x8x1024x1024xf32, #tpu.memory_space<hbm>> -> memref<1x1x1x1024xf32, #tpu.memory_space<hbm>>
        %dma_start3A_160 = tpu.memref_squeeze %dma_start3A_159 : memref<1x1x1x1024xf32, #tpu.memory_space<hbm>> -> memref<1024xf32, #tpu.memory_space<hbm>>
        %dma_start3A_161 = arith.constant 0 : i32
        %dma_start3A_162 = tpu.memref_slice %arg18[%run_scoped3A_40, %dma_start3A_161] : memref<16x2048xf32, #tpu.memory_space<vmem>> -> memref<1x1024xf32, #tpu.memory_space<vmem>>
        %dma_start3A_163 = tpu.memref_squeeze %dma_start3A_162 : memref<1x1024xf32, #tpu.memory_space<vmem>> -> memref<1024xf32, #tpu.memory_space<vmem>>
        tpu.enqueue_dma source(%dma_start3A_163 : memref<1024xf32, #tpu.memory_space<vmem>>) target(%dma_start3A_160 : memref<1024xf32, #tpu.memory_space<hbm>>) target_semaphore(%run_scoped3A_152 : memref<!tpu.dma_semaphore, #tpu.memory_space<semaphore_mem>>)
        %dma_wait3A = arith.constant 0 : i32
        %dma_wait3A_164 = tpu.memref_slice %arg18[%run_scoped3A_40, %dma_wait3A] : memref<16x2048xf32, #tpu.memory_space<vmem>> -> memref<1x1024xf32, #tpu.memory_space<vmem>>
        %dma_wait3A_165 = tpu.memref_squeeze %dma_wait3A_164 : memref<1x1024xf32, #tpu.memory_space<vmem>> -> memref<1024xf32, #tpu.memory_space<vmem>>
        %dma_wait3A_166 = arith.constant 0 : i32
        %dma_wait3A_167 = tpu.memref_slice %arg5[%run_scoped3A_41, %run_scoped3A_42, %add3A_24, %dma_wait3A_166] : memref<2x8x1024x1024xf32, #tpu.memory_space<hbm>> -> memref<1x1x1x1024xf32, #tpu.memory_space<hbm>>
        %dma_wait3A_168 = tpu.memref_squeeze %dma_wait3A_167 : memref<1x1x1x1024xf32, #tpu.memory_space<hbm>> -> memref<1024xf32, #tpu.memory_space<hbm>>
        %dma_wait3A_169 = arith.constant 0 : i32
        %dma_wait3A_170 = tpu.memref_slice %arg5[%run_scoped3A_41, %run_scoped3A_42, %add3A_24, %dma_wait3A_169] : memref<2x8x1024x1024xf32, #tpu.memory_space<hbm>> -> memref<1x1x1x1024xf32, #tpu.memory_space<hbm>>
        %dma_wait3A_171 = tpu.memref_squeeze %dma_wait3A_170 : memref<1x1x1x1024xf32, #tpu.memory_space<hbm>> -> memref<1024xf32, #tpu.memory_space<hbm>>
        %dma_wait3A_172 = arith.constant 0 : i32
        %dma_wait3A_173 = tpu.memref_slice %arg18[%run_scoped3A_40, %dma_wait3A_172] : memref<16x2048xf32, #tpu.memory_space<vmem>> -> memref<1x1024xf32, #tpu.memory_space<vmem>>
        %dma_wait3A_174 = tpu.memref_squeeze %dma_wait3A_173 : memref<1x1024xf32, #tpu.memory_space<vmem>> -> memref<1024xf32, #tpu.memory_space<vmem>>
        tpu.wait_dma2 semaphore(%run_scoped3A_152 : memref<!tpu.dma_semaphore, #tpu.memory_space<semaphore_mem>>) src(%dma_wait3A_174 : memref<1024xf32, #tpu.memory_space<vmem>>) dst(%dma_wait3A_171 : memref<1024xf32, #tpu.memory_space<hbm>>)
        tpu.yield
      }) : () -> ()
      %add3A_43 = arith.constant 1 : i32
      %add3A_44 = arith.addi %add3A_24, %add3A_43 : i32
      %run_scoped3A_45 = arith.constant 2 : i32
      %run_scoped3A_46 = arith.constant 0 : i32
      %run_scoped3A_47 = arith.constant 2 : i32
      "tpu.region"() ({
        %run_scoped3A_152 = tpu.sem_alloc : memref<!tpu.dma_semaphore, #tpu.memory_space<semaphore_mem>>
        %dma_start3A = arith.constant 1024 : i32
        %dma_start3A_153 = tpu.memref_slice %arg18[%run_scoped3A_45, %dma_start3A] : memref<16x2048xf32, #tpu.memory_space<vmem>> -> memref<1x1024xf32, #tpu.memory_space<vmem>>
        %dma_start3A_154 = tpu.memref_squeeze %dma_start3A_153 : memref<1x1024xf32, #tpu.memory_space<vmem>> -> memref<1024xf32, #tpu.memory_space<vmem>>
        %dma_start3A_155 = arith.constant 0 : i32
        %dma_start3A_156 = tpu.memref_slice %arg5[%run_scoped3A_46, %run_scoped3A_47, %add3A_44, %dma_start3A_155] : memref<2x8x1024x1024xf32, #tpu.memory_space<hbm>> -> memref<1x1x1x1024xf32, #tpu.memory_space<hbm>>
        %dma_start3A_157 = tpu.memref_squeeze %dma_start3A_156 : memref<1x1x1x1024xf32, #tpu.memory_space<hbm>> -> memref<1024xf32, #tpu.memory_space<hbm>>
        %dma_start3A_158 = arith.constant 0 : i32
        %dma_start3A_159 = tpu.memref_slice %arg5[%run_scoped3A_46, %run_scoped3A_47, %add3A_44, %dma_start3A_158] : memref<2x8x1024x1024xf32, #tpu.memory_space<hbm>> -> memref<1x1x1x1024xf32, #tpu.memory_space<hbm>>
        %dma_start3A_160 = tpu.memref_squeeze %dma_start3A_159 : memref<1x1x1x1024xf32, #tpu.memory_space<hbm>> -> memref<1024xf32, #tpu.memory_space<hbm>>
        %dma_start3A_161 = arith.constant 1024 : i32
        %dma_start3A_162 = tpu.memref_slice %arg18[%run_scoped3A_45, %dma_start3A_161] : memref<16x2048xf32, #tpu.memory_space<vmem>> -> memref<1x1024xf32, #tpu.memory_space<vmem>>
        %dma_start3A_163 = tpu.memref_squeeze %dma_start3A_162 : memref<1x1024xf32, #tpu.memory_space<vmem>> -> memref<1024xf32, #tpu.memory_space<vmem>>
        tpu.enqueue_dma source(%dma_start3A_163 : memref<1024xf32, #tpu.memory_space<vmem>>) target(%dma_start3A_160 : memref<1024xf32, #tpu.memory_space<hbm>>) target_semaphore(%run_scoped3A_152 : memref<!tpu.dma_semaphore, #tpu.memory_space<semaphore_mem>>)
        %dma_wait3A = arith.constant 1024 : i32
        %dma_wait3A_164 = tpu.memref_slice %arg18[%run_scoped3A_45, %dma_wait3A] : memref<16x2048xf32, #tpu.memory_space<vmem>> -> memref<1x1024xf32, #tpu.memory_space<vmem>>
        %dma_wait3A_165 = tpu.memref_squeeze %dma_wait3A_164 : memref<1x1024xf32, #tpu.memory_space<vmem>> -> memref<1024xf32, #tpu.memory_space<vmem>>
        %dma_wait3A_166 = arith.constant 0 : i32
        %dma_wait3A_167 = tpu.memref_slice %arg5[%run_scoped3A_46, %run_scoped3A_47, %add3A_44, %dma_wait3A_166] : memref<2x8x1024x1024xf32, #tpu.memory_space<hbm>> -> memref<1x1x1x1024xf32, #tpu.memory_space<hbm>>
        %dma_wait3A_168 = tpu.memref_squeeze %dma_wait3A_167 : memref<1x1x1x1024xf32, #tpu.memory_space<hbm>> -> memref<1024xf32, #tpu.memory_space<hbm>>
        %dma_wait3A_169 = arith.constant 0 : i32
        %dma_wait3A_170 = tpu.memref_slice %arg5[%run_scoped3A_46, %run_scoped3A_47, %add3A_44, %dma_wait3A_169] : memref<2x8x1024x1024xf32, #tpu.memory_space<hbm>> -> memref<1x1x1x1024xf32, #tpu.memory_space<hbm>>
        %dma_wait3A_171 = tpu.memref_squeeze %dma_wait3A_170 : memref<1x1x1x1024xf32, #tpu.memory_space<hbm>> -> memref<1024xf32, #tpu.memory_space<hbm>>
        %dma_wait3A_172 = arith.constant 1024 : i32
        %dma_wait3A_173 = tpu.memref_slice %arg18[%run_scoped3A_45, %dma_wait3A_172] : memref<16x2048xf32, #tpu.memory_space<vmem>> -> memref<1x1024xf32, #tpu.memory_space<vmem>>
        %dma_wait3A_174 = tpu.memref_squeeze %dma_wait3A_173 : memref<1x1024xf32, #tpu.memory_space<vmem>> -> memref<1024xf32, #tpu.memory_space<vmem>>
        tpu.wait_dma2 semaphore(%run_scoped3A_152 : memref<!tpu.dma_semaphore, #tpu.memory_space<semaphore_mem>>) src(%dma_wait3A_174 : memref<1024xf32, #tpu.memory_space<vmem>>) dst(%dma_wait3A_171 : memref<1024xf32, #tpu.memory_space<hbm>>)
        tpu.yield
      }) : () -> ()
      %run_scoped3A_48 = arith.constant 3 : i32
      %run_scoped3A_49 = arith.constant 0 : i32
      %run_scoped3A_50 = arith.constant 3 : i32
      "tpu.region"() ({
        %run_scoped3A_152 = tpu.sem_alloc : memref<!tpu.dma_semaphore, #tpu.memory_space<semaphore_mem>>
        %dma_start3A = arith.constant 0 : i32
        %dma_start3A_153 = tpu.memref_slice %arg18[%run_scoped3A_48, %dma_start3A] : memref<16x2048xf32, #tpu.memory_space<vmem>> -> memref<1x1024xf32, #tpu.memory_space<vmem>>
        %dma_start3A_154 = tpu.memref_squeeze %dma_start3A_153 : memref<1x1024xf32, #tpu.memory_space<vmem>> -> memref<1024xf32, #tpu.memory_space<vmem>>
        %dma_start3A_155 = arith.constant 0 : i32
        %dma_start3A_156 = tpu.memref_slice %arg5[%run_scoped3A_49, %run_scoped3A_50, %add3A_24, %dma_start3A_155] : memref<2x8x1024x1024xf32, #tpu.memory_space<hbm>> -> memref<1x1x1x1024xf32, #tpu.memory_space<hbm>>
        %dma_start3A_157 = tpu.memref_squeeze %dma_start3A_156 : memref<1x1x1x1024xf32, #tpu.memory_space<hbm>> -> memref<1024xf32, #tpu.memory_space<hbm>>
        %dma_start3A_158 = arith.constant 0 : i32
        %dma_start3A_159 = tpu.memref_slice %arg5[%run_scoped3A_49, %run_scoped3A_50, %add3A_24, %dma_start3A_158] : memref<2x8x1024x1024xf32, #tpu.memory_space<hbm>> -> memref<1x1x1x1024xf32, #tpu.memory_space<hbm>>
        %dma_start3A_160 = tpu.memref_squeeze %dma_start3A_159 : memref<1x1x1x1024xf32, #tpu.memory_space<hbm>> -> memref<1024xf32, #tpu.memory_space<hbm>>
        %dma_start3A_161 = arith.constant 0 : i32
        %dma_start3A_162 = tpu.memref_slice %arg18[%run_scoped3A_48, %dma_start3A_161] : memref<16x2048xf32, #tpu.memory_space<vmem>> -> memref<1x1024xf32, #tpu.memory_space<vmem>>
        %dma_start3A_163 = tpu.memref_squeeze %dma_start3A_162 : memref<1x1024xf32, #tpu.memory_space<vmem>> -> memref<1024xf32, #tpu.memory_space<vmem>>
        tpu.enqueue_dma source(%dma_start3A_163 : memref<1024xf32, #tpu.memory_space<vmem>>) target(%dma_start3A_160 : memref<1024xf32, #tpu.memory_space<hbm>>) target_semaphore(%run_scoped3A_152 : memref<!tpu.dma_semaphore, #tpu.memory_space<semaphore_mem>>)
        %dma_wait3A = arith.constant 0 : i32
        %dma_wait3A_164 = tpu.memref_slice %arg18[%run_scoped3A_48, %dma_wait3A] : memref<16x2048xf32, #tpu.memory_space<vmem>> -> memref<1x1024xf32, #tpu.memory_space<vmem>>
        %dma_wait3A_165 = tpu.memref_squeeze %dma_wait3A_164 : memref<1x1024xf32, #tpu.memory_space<vmem>> -> memref<1024xf32, #tpu.memory_space<vmem>>
        %dma_wait3A_166 = arith.constant 0 : i32
        %dma_wait3A_167 = tpu.memref_slice %arg5[%run_scoped3A_49, %run_scoped3A_50, %add3A_24, %dma_wait3A_166] : memref<2x8x1024x1024xf32, #tpu.memory_space<hbm>> -> memref<1x1x1x1024xf32, #tpu.memory_space<hbm>>
        %dma_wait3A_168 = tpu.memref_squeeze %dma_wait3A_167 : memref<1x1x1x1024xf32, #tpu.memory_space<hbm>> -> memref<1024xf32, #tpu.memory_space<hbm>>
        %dma_wait3A_169 = arith.constant 0 : i32
        %dma_wait3A_170 = tpu.memref_slice %arg5[%run_scoped3A_49, %run_scoped3A_50, %add3A_24, %dma_wait3A_169] : memref<2x8x1024x1024xf32, #tpu.memory_space<hbm>> -> memref<1x1x1x1024xf32, #tpu.memory_space<hbm>>
        %dma_wait3A_171 = tpu.memref_squeeze %dma_wait3A_170 : memref<1x1x1x1024xf32, #tpu.memory_space<hbm>> -> memref<1024xf32, #tpu.memory_space<hbm>>
        %dma_wait3A_172 = arith.constant 0 : i32
        %dma_wait3A_173 = tpu.memref_slice %arg18[%run_scoped3A_48, %dma_wait3A_172] : memref<16x2048xf32, #tpu.memory_space<vmem>> -> memref<1x1024xf32, #tpu.memory_space<vmem>>
        %dma_wait3A_174 = tpu.memref_squeeze %dma_wait3A_173 : memref<1x1024xf32, #tpu.memory_space<vmem>> -> memref<1024xf32, #tpu.memory_space<vmem>>
        tpu.wait_dma2 semaphore(%run_scoped3A_152 : memref<!tpu.dma_semaphore, #tpu.memory_space<semaphore_mem>>) src(%dma_wait3A_174 : memref<1024xf32, #tpu.memory_space<vmem>>) dst(%dma_wait3A_171 : memref<1024xf32, #tpu.memory_space<hbm>>)
        tpu.yield
      }) : () -> ()
      %add3A_51 = arith.constant 1 : i32
      %add3A_52 = arith.addi %add3A_24, %add3A_51 : i32
      %run_scoped3A_53 = arith.constant 3 : i32
      %run_scoped3A_54 = arith.constant 0 : i32
      %run_scoped3A_55 = arith.constant 3 : i32
      "tpu.region"() ({
        %run_scoped3A_152 = tpu.sem_alloc : memref<!tpu.dma_semaphore, #tpu.memory_space<semaphore_mem>>
        %dma_start3A = arith.constant 1024 : i32
        %dma_start3A_153 = tpu.memref_slice %arg18[%run_scoped3A_53, %dma_start3A] : memref<16x2048xf32, #tpu.memory_space<vmem>> -> memref<1x1024xf32, #tpu.memory_space<vmem>>
        %dma_start3A_154 = tpu.memref_squeeze %dma_start3A_153 : memref<1x1024xf32, #tpu.memory_space<vmem>> -> memref<1024xf32, #tpu.memory_space<vmem>>
        %dma_start3A_155 = arith.constant 0 : i32
        %dma_start3A_156 = tpu.memref_slice %arg5[%run_scoped3A_54, %run_scoped3A_55, %add3A_52, %dma_start3A_155] : memref<2x8x1024x1024xf32, #tpu.memory_space<hbm>> -> memref<1x1x1x1024xf32, #tpu.memory_space<hbm>>
        %dma_start3A_157 = tpu.memref_squeeze %dma_start3A_156 : memref<1x1x1x1024xf32, #tpu.memory_space<hbm>> -> memref<1024xf32, #tpu.memory_space<hbm>>
        %dma_start3A_158 = arith.constant 0 : i32
        %dma_start3A_159 = tpu.memref_slice %arg5[%run_scoped3A_54, %run_scoped3A_55, %add3A_52, %dma_start3A_158] : memref<2x8x1024x1024xf32, #tpu.memory_space<hbm>> -> memref<1x1x1x1024xf32, #tpu.memory_space<hbm>>
        %dma_start3A_160 = tpu.memref_squeeze %dma_start3A_159 : memref<1x1x1x1024xf32, #tpu.memory_space<hbm>> -> memref<1024xf32, #tpu.memory_space<hbm>>
        %dma_start3A_161 = arith.constant 1024 : i32
        %dma_start3A_162 = tpu.memref_slice %arg18[%run_scoped3A_53, %dma_start3A_161] : memref<16x2048xf32, #tpu.memory_space<vmem>> -> memref<1x1024xf32, #tpu.memory_space<vmem>>
        %dma_start3A_163 = tpu.memref_squeeze %dma_start3A_162 : memref<1x1024xf32, #tpu.memory_space<vmem>> -> memref<1024xf32, #tpu.memory_space<vmem>>
        tpu.enqueue_dma source(%dma_start3A_163 : memref<1024xf32, #tpu.memory_space<vmem>>) target(%dma_start3A_160 : memref<1024xf32, #tpu.memory_space<hbm>>) target_semaphore(%run_scoped3A_152 : memref<!tpu.dma_semaphore, #tpu.memory_space<semaphore_mem>>)
        %dma_wait3A = arith.constant 1024 : i32
        %dma_wait3A_164 = tpu.memref_slice %arg18[%run_scoped3A_53, %dma_wait3A] : memref<16x2048xf32, #tpu.memory_space<vmem>> -> memref<1x1024xf32, #tpu.memory_space<vmem>>
        %dma_wait3A_165 = tpu.memref_squeeze %dma_wait3A_164 : memref<1x1024xf32, #tpu.memory_space<vmem>> -> memref<1024xf32, #tpu.memory_space<vmem>>
        %dma_wait3A_166 = arith.constant 0 : i32
        %dma_wait3A_167 = tpu.memref_slice %arg5[%run_scoped3A_54, %run_scoped3A_55, %add3A_52, %dma_wait3A_166] : memref<2x8x1024x1024xf32, #tpu.memory_space<hbm>> -> memref<1x1x1x1024xf32, #tpu.memory_space<hbm>>
        %dma_wait3A_168 = tpu.memref_squeeze %dma_wait3A_167 : memref<1x1x1x1024xf32, #tpu.memory_space<hbm>> -> memref<1024xf32, #tpu.memory_space<hbm>>
        %dma_wait3A_169 = arith.constant 0 : i32
        %dma_wait3A_170 = tpu.memref_slice %arg5[%run_scoped3A_54, %run_scoped3A_55, %add3A_52, %dma_wait3A_169] : memref<2x8x1024x1024xf32, #tpu.memory_space<hbm>> -> memref<1x1x1x1024xf32, #tpu.memory_space<hbm>>
        %dma_wait3A_171 = tpu.memref_squeeze %dma_wait3A_170 : memref<1x1x1x1024xf32, #tpu.memory_space<hbm>> -> memref<1024xf32, #tpu.memory_space<hbm>>
        %dma_wait3A_172 = arith.constant 1024 : i32
        %dma_wait3A_173 = tpu.memref_slice %arg18[%run_scoped3A_53, %dma_wait3A_172] : memref<16x2048xf32, #tpu.memory_space<vmem>> -> memref<1x1024xf32, #tpu.memory_space<vmem>>
        %dma_wait3A_174 = tpu.memref_squeeze %dma_wait3A_173 : memref<1x1024xf32, #tpu.memory_space<vmem>> -> memref<1024xf32, #tpu.memory_space<vmem>>
        tpu.wait_dma2 semaphore(%run_scoped3A_152 : memref<!tpu.dma_semaphore, #tpu.memory_space<semaphore_mem>>) src(%dma_wait3A_174 : memref<1024xf32, #tpu.memory_space<vmem>>) dst(%dma_wait3A_171 : memref<1024xf32, #tpu.memory_space<hbm>>)
        tpu.yield
      }) : () -> ()
      %run_scoped3A_56 = arith.constant 4 : i32
      %run_scoped3A_57 = arith.constant 0 : i32
      %run_scoped3A_58 = arith.constant 4 : i32
      "tpu.region"() ({
        %run_scoped3A_152 = tpu.sem_alloc : memref<!tpu.dma_semaphore, #tpu.memory_space<semaphore_mem>>
        %dma_start3A = arith.constant 0 : i32
        %dma_start3A_153 = tpu.memref_slice %arg18[%run_scoped3A_56, %dma_start3A] : memref<16x2048xf32, #tpu.memory_space<vmem>> -> memref<1x1024xf32, #tpu.memory_space<vmem>>
        %dma_start3A_154 = tpu.memref_squeeze %dma_start3A_153 : memref<1x1024xf32, #tpu.memory_space<vmem>> -> memref<1024xf32, #tpu.memory_space<vmem>>
        %dma_start3A_155 = arith.constant 0 : i32
        %dma_start3A_156 = tpu.memref_slice %arg5[%run_scoped3A_57, %run_scoped3A_58, %add3A_24, %dma_start3A_155] : memref<2x8x1024x1024xf32, #tpu.memory_space<hbm>> -> memref<1x1x1x1024xf32, #tpu.memory_space<hbm>>
        %dma_start3A_157 = tpu.memref_squeeze %dma_start3A_156 : memref<1x1x1x1024xf32, #tpu.memory_space<hbm>> -> memref<1024xf32, #tpu.memory_space<hbm>>
        %dma_start3A_158 = arith.constant 0 : i32
        %dma_start3A_159 = tpu.memref_slice %arg5[%run_scoped3A_57, %run_scoped3A_58, %add3A_24, %dma_start3A_158] : memref<2x8x1024x1024xf32, #tpu.memory_space<hbm>> -> memref<1x1x1x1024xf32, #tpu.memory_space<hbm>>
        %dma_start3A_160 = tpu.memref_squeeze %dma_start3A_159 : memref<1x1x1x1024xf32, #tpu.memory_space<hbm>> -> memref<1024xf32, #tpu.memory_space<hbm>>
        %dma_start3A_161 = arith.constant 0 : i32
        %dma_start3A_162 = tpu.memref_slice %arg18[%run_scoped3A_56, %dma_start3A_161] : memref<16x2048xf32, #tpu.memory_space<vmem>> -> memref<1x1024xf32, #tpu.memory_space<vmem>>
        %dma_start3A_163 = tpu.memref_squeeze %dma_start3A_162 : memref<1x1024xf32, #tpu.memory_space<vmem>> -> memref<1024xf32, #tpu.memory_space<vmem>>
        tpu.enqueue_dma source(%dma_start3A_163 : memref<1024xf32, #tpu.memory_space<vmem>>) target(%dma_start3A_160 : memref<1024xf32, #tpu.memory_space<hbm>>) target_semaphore(%run_scoped3A_152 : memref<!tpu.dma_semaphore, #tpu.memory_space<semaphore_mem>>)
        %dma_wait3A = arith.constant 0 : i32
        %dma_wait3A_164 = tpu.memref_slice %arg18[%run_scoped3A_56, %dma_wait3A] : memref<16x2048xf32, #tpu.memory_space<vmem>> -> memref<1x1024xf32, #tpu.memory_space<vmem>>
        %dma_wait3A_165 = tpu.memref_squeeze %dma_wait3A_164 : memref<1x1024xf32, #tpu.memory_space<vmem>> -> memref<1024xf32, #tpu.memory_space<vmem>>
        %dma_wait3A_166 = arith.constant 0 : i32
        %dma_wait3A_167 = tpu.memref_slice %arg5[%run_scoped3A_57, %run_scoped3A_58, %add3A_24, %dma_wait3A_166] : memref<2x8x1024x1024xf32, #tpu.memory_space<hbm>> -> memref<1x1x1x1024xf32, #tpu.memory_space<hbm>>
        %dma_wait3A_168 = tpu.memref_squeeze %dma_wait3A_167 : memref<1x1x1x1024xf32, #tpu.memory_space<hbm>> -> memref<1024xf32, #tpu.memory_space<hbm>>
        %dma_wait3A_169 = arith.constant 0 : i32
        %dma_wait3A_170 = tpu.memref_slice %arg5[%run_scoped3A_57, %run_scoped3A_58, %add3A_24, %dma_wait3A_169] : memref<2x8x1024x1024xf32, #tpu.memory_space<hbm>> -> memref<1x1x1x1024xf32, #tpu.memory_space<hbm>>
        %dma_wait3A_171 = tpu.memref_squeeze %dma_wait3A_170 : memref<1x1x1x1024xf32, #tpu.memory_space<hbm>> -> memref<1024xf32, #tpu.memory_space<hbm>>
        %dma_wait3A_172 = arith.constant 0 : i32
        %dma_wait3A_173 = tpu.memref_slice %arg18[%run_scoped3A_56, %dma_wait3A_172] : memref<16x2048xf32, #tpu.memory_space<vmem>> -> memref<1x1024xf32, #tpu.memory_space<vmem>>
        %dma_wait3A_174 = tpu.memref_squeeze %dma_wait3A_173 : memref<1x1024xf32, #tpu.memory_space<vmem>> -> memref<1024xf32, #tpu.memory_space<vmem>>
        tpu.wait_dma2 semaphore(%run_scoped3A_152 : memref<!tpu.dma_semaphore, #tpu.memory_space<semaphore_mem>>) src(%dma_wait3A_174 : memref<1024xf32, #tpu.memory_space<vmem>>) dst(%dma_wait3A_171 : memref<1024xf32, #tpu.memory_space<hbm>>)
        tpu.yield
      }) : () -> ()
      %add3A_59 = arith.constant 1 : i32
      %add3A_60 = arith.addi %add3A_24, %add3A_59 : i32
      %run_scoped3A_61 = arith.constant 4 : i32
      %run_scoped3A_62 = arith.constant 0 : i32
      %run_scoped3A_63 = arith.constant 4 : i32
      "tpu.region"() ({
        %run_scoped3A_152 = tpu.sem_alloc : memref<!tpu.dma_semaphore, #tpu.memory_space<semaphore_mem>>
        %dma_start3A = arith.constant 1024 : i32
        %dma_start3A_153 = tpu.memref_slice %arg18[%run_scoped3A_61, %dma_start3A] : memref<16x2048xf32, #tpu.memory_space<vmem>> -> memref<1x1024xf32, #tpu.memory_space<vmem>>
        %dma_start3A_154 = tpu.memref_squeeze %dma_start3A_153 : memref<1x1024xf32, #tpu.memory_space<vmem>> -> memref<1024xf32, #tpu.memory_space<vmem>>
        %dma_start3A_155 = arith.constant 0 : i32
        %dma_start3A_156 = tpu.memref_slice %arg5[%run_scoped3A_62, %run_scoped3A_63, %add3A_60, %dma_start3A_155] : memref<2x8x1024x1024xf32, #tpu.memory_space<hbm>> -> memref<1x1x1x1024xf32, #tpu.memory_space<hbm>>
        %dma_start3A_157 = tpu.memref_squeeze %dma_start3A_156 : memref<1x1x1x1024xf32, #tpu.memory_space<hbm>> -> memref<1024xf32, #tpu.memory_space<hbm>>
        %dma_start3A_158 = arith.constant 0 : i32
        %dma_start3A_159 = tpu.memref_slice %arg5[%run_scoped3A_62, %run_scoped3A_63, %add3A_60, %dma_start3A_158] : memref<2x8x1024x1024xf32, #tpu.memory_space<hbm>> -> memref<1x1x1x1024xf32, #tpu.memory_space<hbm>>
        %dma_start3A_160 = tpu.memref_squeeze %dma_start3A_159 : memref<1x1x1x1024xf32, #tpu.memory_space<hbm>> -> memref<1024xf32, #tpu.memory_space<hbm>>
        %dma_start3A_161 = arith.constant 1024 : i32
        %dma_start3A_162 = tpu.memref_slice %arg18[%run_scoped3A_61, %dma_start3A_161] : memref<16x2048xf32, #tpu.memory_space<vmem>> -> memref<1x1024xf32, #tpu.memory_space<vmem>>
        %dma_start3A_163 = tpu.memref_squeeze %dma_start3A_162 : memref<1x1024xf32, #tpu.memory_space<vmem>> -> memref<1024xf32, #tpu.memory_space<vmem>>
        tpu.enqueue_dma source(%dma_start3A_163 : memref<1024xf32, #tpu.memory_space<vmem>>) target(%dma_start3A_160 : memref<1024xf32, #tpu.memory_space<hbm>>) target_semaphore(%run_scoped3A_152 : memref<!tpu.dma_semaphore, #tpu.memory_space<semaphore_mem>>)
        %dma_wait3A = arith.constant 1024 : i32
        %dma_wait3A_164 = tpu.memref_slice %arg18[%run_scoped3A_61, %dma_wait3A] : memref<16x2048xf32, #tpu.memory_space<vmem>> -> memref<1x1024xf32, #tpu.memory_space<vmem>>
        %dma_wait3A_165 = tpu.memref_squeeze %dma_wait3A_164 : memref<1x1024xf32, #tpu.memory_space<vmem>> -> memref<1024xf32, #tpu.memory_space<vmem>>
        %dma_wait3A_166 = arith.constant 0 : i32
        %dma_wait3A_167 = tpu.memref_slice %arg5[%run_scoped3A_62, %run_scoped3A_63, %add3A_60, %dma_wait3A_166] : memref<2x8x1024x1024xf32, #tpu.memory_space<hbm>> -> memref<1x1x1x1024xf32, #tpu.memory_space<hbm>>
        %dma_wait3A_168 = tpu.memref_squeeze %dma_wait3A_167 : memref<1x1x1x1024xf32, #tpu.memory_space<hbm>> -> memref<1024xf32, #tpu.memory_space<hbm>>
        %dma_wait3A_169 = arith.constant 0 : i32
        %dma_wait3A_170 = tpu.memref_slice %arg5[%run_scoped3A_62, %run_scoped3A_63, %add3A_60, %dma_wait3A_169] : memref<2x8x1024x1024xf32, #tpu.memory_space<hbm>> -> memref<1x1x1x1024xf32, #tpu.memory_space<hbm>>
        %dma_wait3A_171 = tpu.memref_squeeze %dma_wait3A_170 : memref<1x1x1x1024xf32, #tpu.memory_space<hbm>> -> memref<1024xf32, #tpu.memory_space<hbm>>
        %dma_wait3A_172 = arith.constant 1024 : i32
        %dma_wait3A_173 = tpu.memref_slice %arg18[%run_scoped3A_61, %dma_wait3A_172] : memref<16x2048xf32, #tpu.memory_space<vmem>> -> memref<1x1024xf32, #tpu.memory_space<vmem>>
        %dma_wait3A_174 = tpu.memref_squeeze %dma_wait3A_173 : memref<1x1024xf32, #tpu.memory_space<vmem>> -> memref<1024xf32, #tpu.memory_space<vmem>>
        tpu.wait_dma2 semaphore(%run_scoped3A_152 : memref<!tpu.dma_semaphore, #tpu.memory_space<semaphore_mem>>) src(%dma_wait3A_174 : memref<1024xf32, #tpu.memory_space<vmem>>) dst(%dma_wait3A_171 : memref<1024xf32, #tpu.memory_space<hbm>>)
        tpu.yield
      }) : () -> ()
      %run_scoped3A_64 = arith.constant 5 : i32
      %run_scoped3A_65 = arith.constant 0 : i32
      %run_scoped3A_66 = arith.constant 5 : i32
      "tpu.region"() ({
        %run_scoped3A_152 = tpu.sem_alloc : memref<!tpu.dma_semaphore, #tpu.memory_space<semaphore_mem>>
        %dma_start3A = arith.constant 0 : i32
        %dma_start3A_153 = tpu.memref_slice %arg18[%run_scoped3A_64, %dma_start3A] : memref<16x2048xf32, #tpu.memory_space<vmem>> -> memref<1x1024xf32, #tpu.memory_space<vmem>>
        %dma_start3A_154 = tpu.memref_squeeze %dma_start3A_153 : memref<1x1024xf32, #tpu.memory_space<vmem>> -> memref<1024xf32, #tpu.memory_space<vmem>>
        %dma_start3A_155 = arith.constant 0 : i32
        %dma_start3A_156 = tpu.memref_slice %arg5[%run_scoped3A_65, %run_scoped3A_66, %add3A_24, %dma_start3A_155] : memref<2x8x1024x1024xf32, #tpu.memory_space<hbm>> -> memref<1x1x1x1024xf32, #tpu.memory_space<hbm>>
        %dma_start3A_157 = tpu.memref_squeeze %dma_start3A_156 : memref<1x1x1x1024xf32, #tpu.memory_space<hbm>> -> memref<1024xf32, #tpu.memory_space<hbm>>
        %dma_start3A_158 = arith.constant 0 : i32
        %dma_start3A_159 = tpu.memref_slice %arg5[%run_scoped3A_65, %run_scoped3A_66, %add3A_24, %dma_start3A_158] : memref<2x8x1024x1024xf32, #tpu.memory_space<hbm>> -> memref<1x1x1x1024xf32, #tpu.memory_space<hbm>>
        %dma_start3A_160 = tpu.memref_squeeze %dma_start3A_159 : memref<1x1x1x1024xf32, #tpu.memory_space<hbm>> -> memref<1024xf32, #tpu.memory_space<hbm>>
        %dma_start3A_161 = arith.constant 0 : i32
        %dma_start3A_162 = tpu.memref_slice %arg18[%run_scoped3A_64, %dma_start3A_161] : memref<16x2048xf32, #tpu.memory_space<vmem>> -> memref<1x1024xf32, #tpu.memory_space<vmem>>
        %dma_start3A_163 = tpu.memref_squeeze %dma_start3A_162 : memref<1x1024xf32, #tpu.memory_space<vmem>> -> memref<1024xf32, #tpu.memory_space<vmem>>
        tpu.enqueue_dma source(%dma_start3A_163 : memref<1024xf32, #tpu.memory_space<vmem>>) target(%dma_start3A_160 : memref<1024xf32, #tpu.memory_space<hbm>>) target_semaphore(%run_scoped3A_152 : memref<!tpu.dma_semaphore, #tpu.memory_space<semaphore_mem>>)
        %dma_wait3A = arith.constant 0 : i32
        %dma_wait3A_164 = tpu.memref_slice %arg18[%run_scoped3A_64, %dma_wait3A] : memref<16x2048xf32, #tpu.memory_space<vmem>> -> memref<1x1024xf32, #tpu.memory_space<vmem>>
        %dma_wait3A_165 = tpu.memref_squeeze %dma_wait3A_164 : memref<1x1024xf32, #tpu.memory_space<vmem>> -> memref<1024xf32, #tpu.memory_space<vmem>>
        %dma_wait3A_166 = arith.constant 0 : i32
        %dma_wait3A_167 = tpu.memref_slice %arg5[%run_scoped3A_65, %run_scoped3A_66, %add3A_24, %dma_wait3A_166] : memref<2x8x1024x1024xf32, #tpu.memory_space<hbm>> -> memref<1x1x1x1024xf32, #tpu.memory_space<hbm>>
        %dma_wait3A_168 = tpu.memref_squeeze %dma_wait3A_167 : memref<1x1x1x1024xf32, #tpu.memory_space<hbm>> -> memref<1024xf32, #tpu.memory_space<hbm>>
        %dma_wait3A_169 = arith.constant 0 : i32
        %dma_wait3A_170 = tpu.memref_slice %arg5[%run_scoped3A_65, %run_scoped3A_66, %add3A_24, %dma_wait3A_169] : memref<2x8x1024x1024xf32, #tpu.memory_space<hbm>> -> memref<1x1x1x1024xf32, #tpu.memory_space<hbm>>
        %dma_wait3A_171 = tpu.memref_squeeze %dma_wait3A_170 : memref<1x1x1x1024xf32, #tpu.memory_space<hbm>> -> memref<1024xf32, #tpu.memory_space<hbm>>
        %dma_wait3A_172 = arith.constant 0 : i32
        %dma_wait3A_173 = tpu.memref_slice %arg18[%run_scoped3A_64, %dma_wait3A_172] : memref<16x2048xf32, #tpu.memory_space<vmem>> -> memref<1x1024xf32, #tpu.memory_space<vmem>>
        %dma_wait3A_174 = tpu.memref_squeeze %dma_wait3A_173 : memref<1x1024xf32, #tpu.memory_space<vmem>> -> memref<1024xf32, #tpu.memory_space<vmem>>
        tpu.wait_dma2 semaphore(%run_scoped3A_152 : memref<!tpu.dma_semaphore, #tpu.memory_space<semaphore_mem>>) src(%dma_wait3A_174 : memref<1024xf32, #tpu.memory_space<vmem>>) dst(%dma_wait3A_171 : memref<1024xf32, #tpu.memory_space<hbm>>)
        tpu.yield
      }) : () -> ()
      %add3A_67 = arith.constant 1 : i32
      %add3A_68 = arith.addi %add3A_24, %add3A_67 : i32
      %run_scoped3A_69 = arith.constant 5 : i32
      %run_scoped3A_70 = arith.constant 0 : i32
      %run_scoped3A_71 = arith.constant 5 : i32
      "tpu.region"() ({
        %run_scoped3A_152 = tpu.sem_alloc : memref<!tpu.dma_semaphore, #tpu.memory_space<semaphore_mem>>
        %dma_start3A = arith.constant 1024 : i32
        %dma_start3A_153 = tpu.memref_slice %arg18[%run_scoped3A_69, %dma_start3A] : memref<16x2048xf32, #tpu.memory_space<vmem>> -> memref<1x1024xf32, #tpu.memory_space<vmem>>
        %dma_start3A_154 = tpu.memref_squeeze %dma_start3A_153 : memref<1x1024xf32, #tpu.memory_space<vmem>> -> memref<1024xf32, #tpu.memory_space<vmem>>
        %dma_start3A_155 = arith.constant 0 : i32
        %dma_start3A_156 = tpu.memref_slice %arg5[%run_scoped3A_70, %run_scoped3A_71, %add3A_68, %dma_start3A_155] : memref<2x8x1024x1024xf32, #tpu.memory_space<hbm>> -> memref<1x1x1x1024xf32, #tpu.memory_space<hbm>>
        %dma_start3A_157 = tpu.memref_squeeze %dma_start3A_156 : memref<1x1x1x1024xf32, #tpu.memory_space<hbm>> -> memref<1024xf32, #tpu.memory_space<hbm>>
        %dma_start3A_158 = arith.constant 0 : i32
        %dma_start3A_159 = tpu.memref_slice %arg5[%run_scoped3A_70, %run_scoped3A_71, %add3A_68, %dma_start3A_158] : memref<2x8x1024x1024xf32, #tpu.memory_space<hbm>> -> memref<1x1x1x1024xf32, #tpu.memory_space<hbm>>
        %dma_start3A_160 = tpu.memref_squeeze %dma_start3A_159 : memref<1x1x1x1024xf32, #tpu.memory_space<hbm>> -> memref<1024xf32, #tpu.memory_space<hbm>>
        %dma_start3A_161 = arith.constant 1024 : i32
        %dma_start3A_162 = tpu.memref_slice %arg18[%run_scoped3A_69, %dma_start3A_161] : memref<16x2048xf32, #tpu.memory_space<vmem>> -> memref<1x1024xf32, #tpu.memory_space<vmem>>
        %dma_start3A_163 = tpu.memref_squeeze %dma_start3A_162 : memref<1x1024xf32, #tpu.memory_space<vmem>> -> memref<1024xf32, #tpu.memory_space<vmem>>
        tpu.enqueue_dma source(%dma_start3A_163 : memref<1024xf32, #tpu.memory_space<vmem>>) target(%dma_start3A_160 : memref<1024xf32, #tpu.memory_space<hbm>>) target_semaphore(%run_scoped3A_152 : memref<!tpu.dma_semaphore, #tpu.memory_space<semaphore_mem>>)
        %dma_wait3A = arith.constant 1024 : i32
        %dma_wait3A_164 = tpu.memref_slice %arg18[%run_scoped3A_69, %dma_wait3A] : memref<16x2048xf32, #tpu.memory_space<vmem>> -> memref<1x1024xf32, #tpu.memory_space<vmem>>
        %dma_wait3A_165 = tpu.memref_squeeze %dma_wait3A_164 : memref<1x1024xf32, #tpu.memory_space<vmem>> -> memref<1024xf32, #tpu.memory_space<vmem>>
        %dma_wait3A_166 = arith.constant 0 : i32
        %dma_wait3A_167 = tpu.memref_slice %arg5[%run_scoped3A_70, %run_scoped3A_71, %add3A_68, %dma_wait3A_166] : memref<2x8x1024x1024xf32, #tpu.memory_space<hbm>> -> memref<1x1x1x1024xf32, #tpu.memory_space<hbm>>
        %dma_wait3A_168 = tpu.memref_squeeze %dma_wait3A_167 : memref<1x1x1x1024xf32, #tpu.memory_space<hbm>> -> memref<1024xf32, #tpu.memory_space<hbm>>
        %dma_wait3A_169 = arith.constant 0 : i32
        %dma_wait3A_170 = tpu.memref_slice %arg5[%run_scoped3A_70, %run_scoped3A_71, %add3A_68, %dma_wait3A_169] : memref<2x8x1024x1024xf32, #tpu.memory_space<hbm>> -> memref<1x1x1x1024xf32, #tpu.memory_space<hbm>>
        %dma_wait3A_171 = tpu.memref_squeeze %dma_wait3A_170 : memref<1x1x1x1024xf32, #tpu.memory_space<hbm>> -> memref<1024xf32, #tpu.memory_space<hbm>>
        %dma_wait3A_172 = arith.constant 1024 : i32
        %dma_wait3A_173 = tpu.memref_slice %arg18[%run_scoped3A_69, %dma_wait3A_172] : memref<16x2048xf32, #tpu.memory_space<vmem>> -> memref<1x1024xf32, #tpu.memory_space<vmem>>
        %dma_wait3A_174 = tpu.memref_squeeze %dma_wait3A_173 : memref<1x1024xf32, #tpu.memory_space<vmem>> -> memref<1024xf32, #tpu.memory_space<vmem>>
        tpu.wait_dma2 semaphore(%run_scoped3A_152 : memref<!tpu.dma_semaphore, #tpu.memory_space<semaphore_mem>>) src(%dma_wait3A_174 : memref<1024xf32, #tpu.memory_space<vmem>>) dst(%dma_wait3A_171 : memref<1024xf32, #tpu.memory_space<hbm>>)
        tpu.yield
      }) : () -> ()
      %run_scoped3A_72 = arith.constant 6 : i32
      %run_scoped3A_73 = arith.constant 0 : i32
      %run_scoped3A_74 = arith.constant 6 : i32
      "tpu.region"() ({
        %run_scoped3A_152 = tpu.sem_alloc : memref<!tpu.dma_semaphore, #tpu.memory_space<semaphore_mem>>
        %dma_start3A = arith.constant 0 : i32
        %dma_start3A_153 = tpu.memref_slice %arg18[%run_scoped3A_72, %dma_start3A] : memref<16x2048xf32, #tpu.memory_space<vmem>> -> memref<1x1024xf32, #tpu.memory_space<vmem>>
        %dma_start3A_154 = tpu.memref_squeeze %dma_start3A_153 : memref<1x1024xf32, #tpu.memory_space<vmem>> -> memref<1024xf32, #tpu.memory_space<vmem>>
        %dma_start3A_155 = arith.constant 0 : i32
        %dma_start3A_156 = tpu.memref_slice %arg5[%run_scoped3A_73, %run_scoped3A_74, %add3A_24, %dma_start3A_155] : memref<2x8x1024x1024xf32, #tpu.memory_space<hbm>> -> memref<1x1x1x1024xf32, #tpu.memory_space<hbm>>
        %dma_start3A_157 = tpu.memref_squeeze %dma_start3A_156 : memref<1x1x1x1024xf32, #tpu.memory_space<hbm>> -> memref<1024xf32, #tpu.memory_space<hbm>>
        %dma_start3A_158 = arith.constant 0 : i32
        %dma_start3A_159 = tpu.memref_slice %arg5[%run_scoped3A_73, %run_scoped3A_74, %add3A_24, %dma_start3A_158] : memref<2x8x1024x1024xf32, #tpu.memory_space<hbm>> -> memref<1x1x1x1024xf32, #tpu.memory_space<hbm>>
        %dma_start3A_160 = tpu.memref_squeeze %dma_start3A_159 : memref<1x1x1x1024xf32, #tpu.memory_space<hbm>> -> memref<1024xf32, #tpu.memory_space<hbm>>
        %dma_start3A_161 = arith.constant 0 : i32
        %dma_start3A_162 = tpu.memref_slice %arg18[%run_scoped3A_72, %dma_start3A_161] : memref<16x2048xf32, #tpu.memory_space<vmem>> -> memref<1x1024xf32, #tpu.memory_space<vmem>>
        %dma_start3A_163 = tpu.memref_squeeze %dma_start3A_162 : memref<1x1024xf32, #tpu.memory_space<vmem>> -> memref<1024xf32, #tpu.memory_space<vmem>>
        tpu.enqueue_dma source(%dma_start3A_163 : memref<1024xf32, #tpu.memory_space<vmem>>) target(%dma_start3A_160 : memref<1024xf32, #tpu.memory_space<hbm>>) target_semaphore(%run_scoped3A_152 : memref<!tpu.dma_semaphore, #tpu.memory_space<semaphore_mem>>)
        %dma_wait3A = arith.constant 0 : i32
        %dma_wait3A_164 = tpu.memref_slice %arg18[%run_scoped3A_72, %dma_wait3A] : memref<16x2048xf32, #tpu.memory_space<vmem>> -> memref<1x1024xf32, #tpu.memory_space<vmem>>
        %dma_wait3A_165 = tpu.memref_squeeze %dma_wait3A_164 : memref<1x1024xf32, #tpu.memory_space<vmem>> -> memref<1024xf32, #tpu.memory_space<vmem>>
        %dma_wait3A_166 = arith.constant 0 : i32
        %dma_wait3A_167 = tpu.memref_slice %arg5[%run_scoped3A_73, %run_scoped3A_74, %add3A_24, %dma_wait3A_166] : memref<2x8x1024x1024xf32, #tpu.memory_space<hbm>> -> memref<1x1x1x1024xf32, #tpu.memory_space<hbm>>
        %dma_wait3A_168 = tpu.memref_squeeze %dma_wait3A_167 : memref<1x1x1x1024xf32, #tpu.memory_space<hbm>> -> memref<1024xf32, #tpu.memory_space<hbm>>
        %dma_wait3A_169 = arith.constant 0 : i32
        %dma_wait3A_170 = tpu.memref_slice %arg5[%run_scoped3A_73, %run_scoped3A_74, %add3A_24, %dma_wait3A_169] : memref<2x8x1024x1024xf32, #tpu.memory_space<hbm>> -> memref<1x1x1x1024xf32, #tpu.memory_space<hbm>>
        %dma_wait3A_171 = tpu.memref_squeeze %dma_wait3A_170 : memref<1x1x1x1024xf32, #tpu.memory_space<hbm>> -> memref<1024xf32, #tpu.memory_space<hbm>>
        %dma_wait3A_172 = arith.constant 0 : i32
        %dma_wait3A_173 = tpu.memref_slice %arg18[%run_scoped3A_72, %dma_wait3A_172] : memref<16x2048xf32, #tpu.memory_space<vmem>> -> memref<1x1024xf32, #tpu.memory_space<vmem>>
        %dma_wait3A_174 = tpu.memref_squeeze %dma_wait3A_173 : memref<1x1024xf32, #tpu.memory_space<vmem>> -> memref<1024xf32, #tpu.memory_space<vmem>>
        tpu.wait_dma2 semaphore(%run_scoped3A_152 : memref<!tpu.dma_semaphore, #tpu.memory_space<semaphore_mem>>) src(%dma_wait3A_174 : memref<1024xf32, #tpu.memory_space<vmem>>) dst(%dma_wait3A_171 : memref<1024xf32, #tpu.memory_space<hbm>>)
        tpu.yield
      }) : () -> ()
      %add3A_75 = arith.constant 1 : i32
      %add3A_76 = arith.addi %add3A_24, %add3A_75 : i32
      %run_scoped3A_77 = arith.constant 6 : i32
      %run_scoped3A_78 = arith.constant 0 : i32
      %run_scoped3A_79 = arith.constant 6 : i32
      "tpu.region"() ({
        %run_scoped3A_152 = tpu.sem_alloc : memref<!tpu.dma_semaphore, #tpu.memory_space<semaphore_mem>>
        %dma_start3A = arith.constant 1024 : i32
        %dma_start3A_153 = tpu.memref_slice %arg18[%run_scoped3A_77, %dma_start3A] : memref<16x2048xf32, #tpu.memory_space<vmem>> -> memref<1x1024xf32, #tpu.memory_space<vmem>>
        %dma_start3A_154 = tpu.memref_squeeze %dma_start3A_153 : memref<1x1024xf32, #tpu.memory_space<vmem>> -> memref<1024xf32, #tpu.memory_space<vmem>>
        %dma_start3A_155 = arith.constant 0 : i32
        %dma_start3A_156 = tpu.memref_slice %arg5[%run_scoped3A_78, %run_scoped3A_79, %add3A_76, %dma_start3A_155] : memref<2x8x1024x1024xf32, #tpu.memory_space<hbm>> -> memref<1x1x1x1024xf32, #tpu.memory_space<hbm>>
        %dma_start3A_157 = tpu.memref_squeeze %dma_start3A_156 : memref<1x1x1x1024xf32, #tpu.memory_space<hbm>> -> memref<1024xf32, #tpu.memory_space<hbm>>
        %dma_start3A_158 = arith.constant 0 : i32
        %dma_start3A_159 = tpu.memref_slice %arg5[%run_scoped3A_78, %run_scoped3A_79, %add3A_76, %dma_start3A_158] : memref<2x8x1024x1024xf32, #tpu.memory_space<hbm>> -> memref<1x1x1x1024xf32, #tpu.memory_space<hbm>>
        %dma_start3A_160 = tpu.memref_squeeze %dma_start3A_159 : memref<1x1x1x1024xf32, #tpu.memory_space<hbm>> -> memref<1024xf32, #tpu.memory_space<hbm>>
        %dma_start3A_161 = arith.constant 1024 : i32
        %dma_start3A_162 = tpu.memref_slice %arg18[%run_scoped3A_77, %dma_start3A_161] : memref<16x2048xf32, #tpu.memory_space<vmem>> -> memref<1x1024xf32, #tpu.memory_space<vmem>>
        %dma_start3A_163 = tpu.memref_squeeze %dma_start3A_162 : memref<1x1024xf32, #tpu.memory_space<vmem>> -> memref<1024xf32, #tpu.memory_space<vmem>>
        tpu.enqueue_dma source(%dma_start3A_163 : memref<1024xf32, #tpu.memory_space<vmem>>) target(%dma_start3A_160 : memref<1024xf32, #tpu.memory_space<hbm>>) target_semaphore(%run_scoped3A_152 : memref<!tpu.dma_semaphore, #tpu.memory_space<semaphore_mem>>)
        %dma_wait3A = arith.constant 1024 : i32
        %dma_wait3A_164 = tpu.memref_slice %arg18[%run_scoped3A_77, %dma_wait3A] : memref<16x2048xf32, #tpu.memory_space<vmem>> -> memref<1x1024xf32, #tpu.memory_space<vmem>>
        %dma_wait3A_165 = tpu.memref_squeeze %dma_wait3A_164 : memref<1x1024xf32, #tpu.memory_space<vmem>> -> memref<1024xf32, #tpu.memory_space<vmem>>
        %dma_wait3A_166 = arith.constant 0 : i32
        %dma_wait3A_167 = tpu.memref_slice %arg5[%run_scoped3A_78, %run_scoped3A_79, %add3A_76, %dma_wait3A_166] : memref<2x8x1024x1024xf32, #tpu.memory_space<hbm>> -> memref<1x1x1x1024xf32, #tpu.memory_space<hbm>>
        %dma_wait3A_168 = tpu.memref_squeeze %dma_wait3A_167 : memref<1x1x1x1024xf32, #tpu.memory_space<hbm>> -> memref<1024xf32, #tpu.memory_space<hbm>>
        %dma_wait3A_169 = arith.constant 0 : i32
        %dma_wait3A_170 = tpu.memref_slice %arg5[%run_scoped3A_78, %run_scoped3A_79, %add3A_76, %dma_wait3A_169] : memref<2x8x1024x1024xf32, #tpu.memory_space<hbm>> -> memref<1x1x1x1024xf32, #tpu.memory_space<hbm>>
        %dma_wait3A_171 = tpu.memref_squeeze %dma_wait3A_170 : memref<1x1x1x1024xf32, #tpu.memory_space<hbm>> -> memref<1024xf32, #tpu.memory_space<hbm>>
        %dma_wait3A_172 = arith.constant 1024 : i32
        %dma_wait3A_173 = tpu.memref_slice %arg18[%run_scoped3A_77, %dma_wait3A_172] : memref<16x2048xf32, #tpu.memory_space<vmem>> -> memref<1x1024xf32, #tpu.memory_space<vmem>>
        %dma_wait3A_174 = tpu.memref_squeeze %dma_wait3A_173 : memref<1x1024xf32, #tpu.memory_space<vmem>> -> memref<1024xf32, #tpu.memory_space<vmem>>
        tpu.wait_dma2 semaphore(%run_scoped3A_152 : memref<!tpu.dma_semaphore, #tpu.memory_space<semaphore_mem>>) src(%dma_wait3A_174 : memref<1024xf32, #tpu.memory_space<vmem>>) dst(%dma_wait3A_171 : memref<1024xf32, #tpu.memory_space<hbm>>)
        tpu.yield
      }) : () -> ()
      %run_scoped3A_80 = arith.constant 7 : i32
      %run_scoped3A_81 = arith.constant 0 : i32
      %run_scoped3A_82 = arith.constant 7 : i32
      "tpu.region"() ({
        %run_scoped3A_152 = tpu.sem_alloc : memref<!tpu.dma_semaphore, #tpu.memory_space<semaphore_mem>>
        %dma_start3A = arith.constant 0 : i32
        %dma_start3A_153 = tpu.memref_slice %arg18[%run_scoped3A_80, %dma_start3A] : memref<16x2048xf32, #tpu.memory_space<vmem>> -> memref<1x1024xf32, #tpu.memory_space<vmem>>
        %dma_start3A_154 = tpu.memref_squeeze %dma_start3A_153 : memref<1x1024xf32, #tpu.memory_space<vmem>> -> memref<1024xf32, #tpu.memory_space<vmem>>
        %dma_start3A_155 = arith.constant 0 : i32
        %dma_start3A_156 = tpu.memref_slice %arg5[%run_scoped3A_81, %run_scoped3A_82, %add3A_24, %dma_start3A_155] : memref<2x8x1024x1024xf32, #tpu.memory_space<hbm>> -> memref<1x1x1x1024xf32, #tpu.memory_space<hbm>>
        %dma_start3A_157 = tpu.memref_squeeze %dma_start3A_156 : memref<1x1x1x1024xf32, #tpu.memory_space<hbm>> -> memref<1024xf32, #tpu.memory_space<hbm>>
        %dma_start3A_158 = arith.constant 0 : i32
        %dma_start3A_159 = tpu.memref_slice %arg5[%run_scoped3A_81, %run_scoped3A_82, %add3A_24, %dma_start3A_158] : memref<2x8x1024x1024xf32, #tpu.memory_space<hbm>> -> memref<1x1x1x1024xf32, #tpu.memory_space<hbm>>
        %dma_start3A_160 = tpu.memref_squeeze %dma_start3A_159 : memref<1x1x1x1024xf32, #tpu.memory_space<hbm>> -> memref<1024xf32, #tpu.memory_space<hbm>>
        %dma_start3A_161 = arith.constant 0 : i32
        %dma_start3A_162 = tpu.memref_slice %arg18[%run_scoped3A_80, %dma_start3A_161] : memref<16x2048xf32, #tpu.memory_space<vmem>> -> memref<1x1024xf32, #tpu.memory_space<vmem>>
        %dma_start3A_163 = tpu.memref_squeeze %dma_start3A_162 : memref<1x1024xf32, #tpu.memory_space<vmem>> -> memref<1024xf32, #tpu.memory_space<vmem>>
        tpu.enqueue_dma source(%dma_start3A_163 : memref<1024xf32, #tpu.memory_space<vmem>>) target(%dma_start3A_160 : memref<1024xf32, #tpu.memory_space<hbm>>) target_semaphore(%run_scoped3A_152 : memref<!tpu.dma_semaphore, #tpu.memory_space<semaphore_mem>>)
        %dma_wait3A = arith.constant 0 : i32
        %dma_wait3A_164 = tpu.memref_slice %arg18[%run_scoped3A_80, %dma_wait3A] : memref<16x2048xf32, #tpu.memory_space<vmem>> -> memref<1x1024xf32, #tpu.memory_space<vmem>>
        %dma_wait3A_165 = tpu.memref_squeeze %dma_wait3A_164 : memref<1x1024xf32, #tpu.memory_space<vmem>> -> memref<1024xf32, #tpu.memory_space<vmem>>
        %dma_wait3A_166 = arith.constant 0 : i32
        %dma_wait3A_167 = tpu.memref_slice %arg5[%run_scoped3A_81, %run_scoped3A_82, %add3A_24, %dma_wait3A_166] : memref<2x8x1024x1024xf32, #tpu.memory_space<hbm>> -> memref<1x1x1x1024xf32, #tpu.memory_space<hbm>>
        %dma_wait3A_168 = tpu.memref_squeeze %dma_wait3A_167 : memref<1x1x1x1024xf32, #tpu.memory_space<hbm>> -> memref<1024xf32, #tpu.memory_space<hbm>>
        %dma_wait3A_169 = arith.constant 0 : i32
        %dma_wait3A_170 = tpu.memref_slice %arg5[%run_scoped3A_81, %run_scoped3A_82, %add3A_24, %dma_wait3A_169] : memref<2x8x1024x1024xf32, #tpu.memory_space<hbm>> -> memref<1x1x1x1024xf32, #tpu.memory_space<hbm>>
        %dma_wait3A_171 = tpu.memref_squeeze %dma_wait3A_170 : memref<1x1x1x1024xf32, #tpu.memory_space<hbm>> -> memref<1024xf32, #tpu.memory_space<hbm>>
        %dma_wait3A_172 = arith.constant 0 : i32
        %dma_wait3A_173 = tpu.memref_slice %arg18[%run_scoped3A_80, %dma_wait3A_172] : memref<16x2048xf32, #tpu.memory_space<vmem>> -> memref<1x1024xf32, #tpu.memory_space<vmem>>
        %dma_wait3A_174 = tpu.memref_squeeze %dma_wait3A_173 : memref<1x1024xf32, #tpu.memory_space<vmem>> -> memref<1024xf32, #tpu.memory_space<vmem>>
        tpu.wait_dma2 semaphore(%run_scoped3A_152 : memref<!tpu.dma_semaphore, #tpu.memory_space<semaphore_mem>>) src(%dma_wait3A_174 : memref<1024xf32, #tpu.memory_space<vmem>>) dst(%dma_wait3A_171 : memref<1024xf32, #tpu.memory_space<hbm>>)
        tpu.yield
      }) : () -> ()
      %add3A_83 = arith.constant 1 : i32
      %add3A_84 = arith.addi %add3A_24, %add3A_83 : i32
      %run_scoped3A_85 = arith.constant 7 : i32
      %run_scoped3A_86 = arith.constant 0 : i32
      %run_scoped3A_87 = arith.constant 7 : i32
      "tpu.region"() ({
        %run_scoped3A_152 = tpu.sem_alloc : memref<!tpu.dma_semaphore, #tpu.memory_space<semaphore_mem>>
        %dma_start3A = arith.constant 1024 : i32
        %dma_start3A_153 = tpu.memref_slice %arg18[%run_scoped3A_85, %dma_start3A] : memref<16x2048xf32, #tpu.memory_space<vmem>> -> memref<1x1024xf32, #tpu.memory_space<vmem>>
        %dma_start3A_154 = tpu.memref_squeeze %dma_start3A_153 : memref<1x1024xf32, #tpu.memory_space<vmem>> -> memref<1024xf32, #tpu.memory_space<vmem>>
        %dma_start3A_155 = arith.constant 0 : i32
        %dma_start3A_156 = tpu.memref_slice %arg5[%run_scoped3A_86, %run_scoped3A_87, %add3A_84, %dma_start3A_155] : memref<2x8x1024x1024xf32, #tpu.memory_space<hbm>> -> memref<1x1x1x1024xf32, #tpu.memory_space<hbm>>
        %dma_start3A_157 = tpu.memref_squeeze %dma_start3A_156 : memref<1x1x1x1024xf32, #tpu.memory_space<hbm>> -> memref<1024xf32, #tpu.memory_space<hbm>>
        %dma_start3A_158 = arith.constant 0 : i32
        %dma_start3A_159 = tpu.memref_slice %arg5[%run_scoped3A_86, %run_scoped3A_87, %add3A_84, %dma_start3A_158] : memref<2x8x1024x1024xf32, #tpu.memory_space<hbm>> -> memref<1x1x1x1024xf32, #tpu.memory_space<hbm>>
        %dma_start3A_160 = tpu.memref_squeeze %dma_start3A_159 : memref<1x1x1x1024xf32, #tpu.memory_space<hbm>> -> memref<1024xf32, #tpu.memory_space<hbm>>
        %dma_start3A_161 = arith.constant 1024 : i32
        %dma_start3A_162 = tpu.memref_slice %arg18[%run_scoped3A_85, %dma_start3A_161] : memref<16x2048xf32, #tpu.memory_space<vmem>> -> memref<1x1024xf32, #tpu.memory_space<vmem>>
        %dma_start3A_163 = tpu.memref_squeeze %dma_start3A_162 : memref<1x1024xf32, #tpu.memory_space<vmem>> -> memref<1024xf32, #tpu.memory_space<vmem>>
        tpu.enqueue_dma source(%dma_start3A_163 : memref<1024xf32, #tpu.memory_space<vmem>>) target(%dma_start3A_160 : memref<1024xf32, #tpu.memory_space<hbm>>) target_semaphore(%run_scoped3A_152 : memref<!tpu.dma_semaphore, #tpu.memory_space<semaphore_mem>>)
        %dma_wait3A = arith.constant 1024 : i32
        %dma_wait3A_164 = tpu.memref_slice %arg18[%run_scoped3A_85, %dma_wait3A] : memref<16x2048xf32, #tpu.memory_space<vmem>> -> memref<1x1024xf32, #tpu.memory_space<vmem>>
        %dma_wait3A_165 = tpu.memref_squeeze %dma_wait3A_164 : memref<1x1024xf32, #tpu.memory_space<vmem>> -> memref<1024xf32, #tpu.memory_space<vmem>>
        %dma_wait3A_166 = arith.constant 0 : i32
        %dma_wait3A_167 = tpu.memref_slice %arg5[%run_scoped3A_86, %run_scoped3A_87, %add3A_84, %dma_wait3A_166] : memref<2x8x1024x1024xf32, #tpu.memory_space<hbm>> -> memref<1x1x1x1024xf32, #tpu.memory_space<hbm>>
        %dma_wait3A_168 = tpu.memref_squeeze %dma_wait3A_167 : memref<1x1x1x1024xf32, #tpu.memory_space<hbm>> -> memref<1024xf32, #tpu.memory_space<hbm>>
        %dma_wait3A_169 = arith.constant 0 : i32
        %dma_wait3A_170 = tpu.memref_slice %arg5[%run_scoped3A_86, %run_scoped3A_87, %add3A_84, %dma_wait3A_169] : memref<2x8x1024x1024xf32, #tpu.memory_space<hbm>> -> memref<1x1x1x1024xf32, #tpu.memory_space<hbm>>
        %dma_wait3A_171 = tpu.memref_squeeze %dma_wait3A_170 : memref<1x1x1x1024xf32, #tpu.memory_space<hbm>> -> memref<1024xf32, #tpu.memory_space<hbm>>
        %dma_wait3A_172 = arith.constant 1024 : i32
        %dma_wait3A_173 = tpu.memref_slice %arg18[%run_scoped3A_85, %dma_wait3A_172] : memref<16x2048xf32, #tpu.memory_space<vmem>> -> memref<1x1024xf32, #tpu.memory_space<vmem>>
        %dma_wait3A_174 = tpu.memref_squeeze %dma_wait3A_173 : memref<1x1024xf32, #tpu.memory_space<vmem>> -> memref<1024xf32, #tpu.memory_space<vmem>>
        tpu.wait_dma2 semaphore(%run_scoped3A_152 : memref<!tpu.dma_semaphore, #tpu.memory_space<semaphore_mem>>) src(%dma_wait3A_174 : memref<1024xf32, #tpu.memory_space<vmem>>) dst(%dma_wait3A_171 : memref<1024xf32, #tpu.memory_space<hbm>>)
        tpu.yield
      }) : () -> ()
      %run_scoped3A_88 = arith.constant 8 : i32
      %run_scoped3A_89 = arith.constant 1 : i32
      %run_scoped3A_90 = arith.constant 0 : i32
      "tpu.region"() ({
        %run_scoped3A_152 = tpu.sem_alloc : memref<!tpu.dma_semaphore, #tpu.memory_space<semaphore_mem>>
        %dma_start3A = arith.constant 0 : i32
        %dma_start3A_153 = tpu.memref_slice %arg18[%run_scoped3A_88, %dma_start3A] : memref<16x2048xf32, #tpu.memory_space<vmem>> -> memref<1x1024xf32, #tpu.memory_space<vmem>>
        %dma_start3A_154 = tpu.memref_squeeze %dma_start3A_153 : memref<1x1024xf32, #tpu.memory_space<vmem>> -> memref<1024xf32, #tpu.memory_space<vmem>>
        %dma_start3A_155 = arith.constant 0 : i32
        %dma_start3A_156 = tpu.memref_slice %arg5[%run_scoped3A_89, %run_scoped3A_90, %add3A_24, %dma_start3A_155] : memref<2x8x1024x1024xf32, #tpu.memory_space<hbm>> -> memref<1x1x1x1024xf32, #tpu.memory_space<hbm>>
        %dma_start3A_157 = tpu.memref_squeeze %dma_start3A_156 : memref<1x1x1x1024xf32, #tpu.memory_space<hbm>> -> memref<1024xf32, #tpu.memory_space<hbm>>
        %dma_start3A_158 = arith.constant 0 : i32
        %dma_start3A_159 = tpu.memref_slice %arg5[%run_scoped3A_89, %run_scoped3A_90, %add3A_24, %dma_start3A_158] : memref<2x8x1024x1024xf32, #tpu.memory_space<hbm>> -> memref<1x1x1x1024xf32, #tpu.memory_space<hbm>>
        %dma_start3A_160 = tpu.memref_squeeze %dma_start3A_159 : memref<1x1x1x1024xf32, #tpu.memory_space<hbm>> -> memref<1024xf32, #tpu.memory_space<hbm>>
        %dma_start3A_161 = arith.constant 0 : i32
        %dma_start3A_162 = tpu.memref_slice %arg18[%run_scoped3A_88, %dma_start3A_161] : memref<16x2048xf32, #tpu.memory_space<vmem>> -> memref<1x1024xf32, #tpu.memory_space<vmem>>
        %dma_start3A_163 = tpu.memref_squeeze %dma_start3A_162 : memref<1x1024xf32, #tpu.memory_space<vmem>> -> memref<1024xf32, #tpu.memory_space<vmem>>
        tpu.enqueue_dma source(%dma_start3A_163 : memref<1024xf32, #tpu.memory_space<vmem>>) target(%dma_start3A_160 : memref<1024xf32, #tpu.memory_space<hbm>>) target_semaphore(%run_scoped3A_152 : memref<!tpu.dma_semaphore, #tpu.memory_space<semaphore_mem>>)
        %dma_wait3A = arith.constant 0 : i32
        %dma_wait3A_164 = tpu.memref_slice %arg18[%run_scoped3A_88, %dma_wait3A] : memref<16x2048xf32, #tpu.memory_space<vmem>> -> memref<1x1024xf32, #tpu.memory_space<vmem>>
        %dma_wait3A_165 = tpu.memref_squeeze %dma_wait3A_164 : memref<1x1024xf32, #tpu.memory_space<vmem>> -> memref<1024xf32, #tpu.memory_space<vmem>>
        %dma_wait3A_166 = arith.constant 0 : i32
        %dma_wait3A_167 = tpu.memref_slice %arg5[%run_scoped3A_89, %run_scoped3A_90, %add3A_24, %dma_wait3A_166] : memref<2x8x1024x1024xf32, #tpu.memory_space<hbm>> -> memref<1x1x1x1024xf32, #tpu.memory_space<hbm>>
        %dma_wait3A_168 = tpu.memref_squeeze %dma_wait3A_167 : memref<1x1x1x1024xf32, #tpu.memory_space<hbm>> -> memref<1024xf32, #tpu.memory_space<hbm>>
        %dma_wait3A_169 = arith.constant 0 : i32
        %dma_wait3A_170 = tpu.memref_slice %arg5[%run_scoped3A_89, %run_scoped3A_90, %add3A_24, %dma_wait3A_169] : memref<2x8x1024x1024xf32, #tpu.memory_space<hbm>> -> memref<1x1x1x1024xf32, #tpu.memory_space<hbm>>
        %dma_wait3A_171 = tpu.memref_squeeze %dma_wait3A_170 : memref<1x1x1x1024xf32, #tpu.memory_space<hbm>> -> memref<1024xf32, #tpu.memory_space<hbm>>
        %dma_wait3A_172 = arith.constant 0 : i32
        %dma_wait3A_173 = tpu.memref_slice %arg18[%run_scoped3A_88, %dma_wait3A_172] : memref<16x2048xf32, #tpu.memory_space<vmem>> -> memref<1x1024xf32, #tpu.memory_space<vmem>>
        %dma_wait3A_174 = tpu.memref_squeeze %dma_wait3A_173 : memref<1x1024xf32, #tpu.memory_space<vmem>> -> memref<1024xf32, #tpu.memory_space<vmem>>
        tpu.wait_dma2 semaphore(%run_scoped3A_152 : memref<!tpu.dma_semaphore, #tpu.memory_space<semaphore_mem>>) src(%dma_wait3A_174 : memref<1024xf32, #tpu.memory_space<vmem>>) dst(%dma_wait3A_171 : memref<1024xf32, #tpu.memory_space<hbm>>)
        tpu.yield
      }) : () -> ()
      %add3A_91 = arith.constant 1 : i32
      %add3A_92 = arith.addi %add3A_24, %add3A_91 : i32
      %run_scoped3A_93 = arith.constant 8 : i32
      %run_scoped3A_94 = arith.constant 1 : i32
      %run_scoped3A_95 = arith.constant 0 : i32
      "tpu.region"() ({
        %run_scoped3A_152 = tpu.sem_alloc : memref<!tpu.dma_semaphore, #tpu.memory_space<semaphore_mem>>
        %dma_start3A = arith.constant 1024 : i32
        %dma_start3A_153 = tpu.memref_slice %arg18[%run_scoped3A_93, %dma_start3A] : memref<16x2048xf32, #tpu.memory_space<vmem>> -> memref<1x1024xf32, #tpu.memory_space<vmem>>
        %dma_start3A_154 = tpu.memref_squeeze %dma_start3A_153 : memref<1x1024xf32, #tpu.memory_space<vmem>> -> memref<1024xf32, #tpu.memory_space<vmem>>
        %dma_start3A_155 = arith.constant 0 : i32
        %dma_start3A_156 = tpu.memref_slice %arg5[%run_scoped3A_94, %run_scoped3A_95, %add3A_92, %dma_start3A_155] : memref<2x8x1024x1024xf32, #tpu.memory_space<hbm>> -> memref<1x1x1x1024xf32, #tpu.memory_space<hbm>>
        %dma_start3A_157 = tpu.memref_squeeze %dma_start3A_156 : memref<1x1x1x1024xf32, #tpu.memory_space<hbm>> -> memref<1024xf32, #tpu.memory_space<hbm>>
        %dma_start3A_158 = arith.constant 0 : i32
        %dma_start3A_159 = tpu.memref_slice %arg5[%run_scoped3A_94, %run_scoped3A_95, %add3A_92, %dma_start3A_158] : memref<2x8x1024x1024xf32, #tpu.memory_space<hbm>> -> memref<1x1x1x1024xf32, #tpu.memory_space<hbm>>
        %dma_start3A_160 = tpu.memref_squeeze %dma_start3A_159 : memref<1x1x1x1024xf32, #tpu.memory_space<hbm>> -> memref<1024xf32, #tpu.memory_space<hbm>>
        %dma_start3A_161 = arith.constant 1024 : i32
        %dma_start3A_162 = tpu.memref_slice %arg18[%run_scoped3A_93, %dma_start3A_161] : memref<16x2048xf32, #tpu.memory_space<vmem>> -> memref<1x1024xf32, #tpu.memory_space<vmem>>
        %dma_start3A_163 = tpu.memref_squeeze %dma_start3A_162 : memref<1x1024xf32, #tpu.memory_space<vmem>> -> memref<1024xf32, #tpu.memory_space<vmem>>
        tpu.enqueue_dma source(%dma_start3A_163 : memref<1024xf32, #tpu.memory_space<vmem>>) target(%dma_start3A_160 : memref<1024xf32, #tpu.memory_space<hbm>>) target_semaphore(%run_scoped3A_152 : memref<!tpu.dma_semaphore, #tpu.memory_space<semaphore_mem>>)
        %dma_wait3A = arith.constant 1024 : i32
        %dma_wait3A_164 = tpu.memref_slice %arg18[%run_scoped3A_93, %dma_wait3A] : memref<16x2048xf32, #tpu.memory_space<vmem>> -> memref<1x1024xf32, #tpu.memory_space<vmem>>
        %dma_wait3A_165 = tpu.memref_squeeze %dma_wait3A_164 : memref<1x1024xf32, #tpu.memory_space<vmem>> -> memref<1024xf32, #tpu.memory_space<vmem>>
        %dma_wait3A_166 = arith.constant 0 : i32
        %dma_wait3A_167 = tpu.memref_slice %arg5[%run_scoped3A_94, %run_scoped3A_95, %add3A_92, %dma_wait3A_166] : memref<2x8x1024x1024xf32, #tpu.memory_space<hbm>> -> memref<1x1x1x1024xf32, #tpu.memory_space<hbm>>
        %dma_wait3A_168 = tpu.memref_squeeze %dma_wait3A_167 : memref<1x1x1x1024xf32, #tpu.memory_space<hbm>> -> memref<1024xf32, #tpu.memory_space<hbm>>
        %dma_wait3A_169 = arith.constant 0 : i32
        %dma_wait3A_170 = tpu.memref_slice %arg5[%run_scoped3A_94, %run_scoped3A_95, %add3A_92, %dma_wait3A_169] : memref<2x8x1024x1024xf32, #tpu.memory_space<hbm>> -> memref<1x1x1x1024xf32, #tpu.memory_space<hbm>>
        %dma_wait3A_171 = tpu.memref_squeeze %dma_wait3A_170 : memref<1x1x1x1024xf32, #tpu.memory_space<hbm>> -> memref<1024xf32, #tpu.memory_space<hbm>>
        %dma_wait3A_172 = arith.constant 1024 : i32
        %dma_wait3A_173 = tpu.memref_slice %arg18[%run_scoped3A_93, %dma_wait3A_172] : memref<16x2048xf32, #tpu.memory_space<vmem>> -> memref<1x1024xf32, #tpu.memory_space<vmem>>
        %dma_wait3A_174 = tpu.memref_squeeze %dma_wait3A_173 : memref<1x1024xf32, #tpu.memory_space<vmem>> -> memref<1024xf32, #tpu.memory_space<vmem>>
        tpu.wait_dma2 semaphore(%run_scoped3A_152 : memref<!tpu.dma_semaphore, #tpu.memory_space<semaphore_mem>>) src(%dma_wait3A_174 : memref<1024xf32, #tpu.memory_space<vmem>>) dst(%dma_wait3A_171 : memref<1024xf32, #tpu.memory_space<hbm>>)
        tpu.yield
      }) : () -> ()
      %run_scoped3A_96 = arith.constant 9 : i32
      %run_scoped3A_97 = arith.constant 1 : i32
      %run_scoped3A_98 = arith.constant 1 : i32
      "tpu.region"() ({
        %run_scoped3A_152 = tpu.sem_alloc : memref<!tpu.dma_semaphore, #tpu.memory_space<semaphore_mem>>
        %dma_start3A = arith.constant 0 : i32
        %dma_start3A_153 = tpu.memref_slice %arg18[%run_scoped3A_96, %dma_start3A] : memref<16x2048xf32, #tpu.memory_space<vmem>> -> memref<1x1024xf32, #tpu.memory_space<vmem>>
        %dma_start3A_154 = tpu.memref_squeeze %dma_start3A_153 : memref<1x1024xf32, #tpu.memory_space<vmem>> -> memref<1024xf32, #tpu.memory_space<vmem>>
        %dma_start3A_155 = arith.constant 0 : i32
        %dma_start3A_156 = tpu.memref_slice %arg5[%run_scoped3A_97, %run_scoped3A_98, %add3A_24, %dma_start3A_155] : memref<2x8x1024x1024xf32, #tpu.memory_space<hbm>> -> memref<1x1x1x1024xf32, #tpu.memory_space<hbm>>
        %dma_start3A_157 = tpu.memref_squeeze %dma_start3A_156 : memref<1x1x1x1024xf32, #tpu.memory_space<hbm>> -> memref<1024xf32, #tpu.memory_space<hbm>>
        %dma_start3A_158 = arith.constant 0 : i32
        %dma_start3A_159 = tpu.memref_slice %arg5[%run_scoped3A_97, %run_scoped3A_98, %add3A_24, %dma_start3A_158] : memref<2x8x1024x1024xf32, #tpu.memory_space<hbm>> -> memref<1x1x1x1024xf32, #tpu.memory_space<hbm>>
        %dma_start3A_160 = tpu.memref_squeeze %dma_start3A_159 : memref<1x1x1x1024xf32, #tpu.memory_space<hbm>> -> memref<1024xf32, #tpu.memory_space<hbm>>
        %dma_start3A_161 = arith.constant 0 : i32
        %dma_start3A_162 = tpu.memref_slice %arg18[%run_scoped3A_96, %dma_start3A_161] : memref<16x2048xf32, #tpu.memory_space<vmem>> -> memref<1x1024xf32, #tpu.memory_space<vmem>>
        %dma_start3A_163 = tpu.memref_squeeze %dma_start3A_162 : memref<1x1024xf32, #tpu.memory_space<vmem>> -> memref<1024xf32, #tpu.memory_space<vmem>>
        tpu.enqueue_dma source(%dma_start3A_163 : memref<1024xf32, #tpu.memory_space<vmem>>) target(%dma_start3A_160 : memref<1024xf32, #tpu.memory_space<hbm>>) target_semaphore(%run_scoped3A_152 : memref<!tpu.dma_semaphore, #tpu.memory_space<semaphore_mem>>)
        %dma_wait3A = arith.constant 0 : i32
        %dma_wait3A_164 = tpu.memref_slice %arg18[%run_scoped3A_96, %dma_wait3A] : memref<16x2048xf32, #tpu.memory_space<vmem>> -> memref<1x1024xf32, #tpu.memory_space<vmem>>
        %dma_wait3A_165 = tpu.memref_squeeze %dma_wait3A_164 : memref<1x1024xf32, #tpu.memory_space<vmem>> -> memref<1024xf32, #tpu.memory_space<vmem>>
        %dma_wait3A_166 = arith.constant 0 : i32
        %dma_wait3A_167 = tpu.memref_slice %arg5[%run_scoped3A_97, %run_scoped3A_98, %add3A_24, %dma_wait3A_166] : memref<2x8x1024x1024xf32, #tpu.memory_space<hbm>> -> memref<1x1x1x1024xf32, #tpu.memory_space<hbm>>
        %dma_wait3A_168 = tpu.memref_squeeze %dma_wait3A_167 : memref<1x1x1x1024xf32, #tpu.memory_space<hbm>> -> memref<1024xf32, #tpu.memory_space<hbm>>
        %dma_wait3A_169 = arith.constant 0 : i32
        %dma_wait3A_170 = tpu.memref_slice %arg5[%run_scoped3A_97, %run_scoped3A_98, %add3A_24, %dma_wait3A_169] : memref<2x8x1024x1024xf32, #tpu.memory_space<hbm>> -> memref<1x1x1x1024xf32, #tpu.memory_space<hbm>>
        %dma_wait3A_171 = tpu.memref_squeeze %dma_wait3A_170 : memref<1x1x1x1024xf32, #tpu.memory_space<hbm>> -> memref<1024xf32, #tpu.memory_space<hbm>>
        %dma_wait3A_172 = arith.constant 0 : i32
        %dma_wait3A_173 = tpu.memref_slice %arg18[%run_scoped3A_96, %dma_wait3A_172] : memref<16x2048xf32, #tpu.memory_space<vmem>> -> memref<1x1024xf32, #tpu.memory_space<vmem>>
        %dma_wait3A_174 = tpu.memref_squeeze %dma_wait3A_173 : memref<1x1024xf32, #tpu.memory_space<vmem>> -> memref<1024xf32, #tpu.memory_space<vmem>>
        tpu.wait_dma2 semaphore(%run_scoped3A_152 : memref<!tpu.dma_semaphore, #tpu.memory_space<semaphore_mem>>) src(%dma_wait3A_174 : memref<1024xf32, #tpu.memory_space<vmem>>) dst(%dma_wait3A_171 : memref<1024xf32, #tpu.memory_space<hbm>>)
        tpu.yield
      }) : () -> ()
      %add3A_99 = arith.constant 1 : i32
      %add3A_100 = arith.addi %add3A_24, %add3A_99 : i32
      %run_scoped3A_101 = arith.constant 9 : i32
      %run_scoped3A_102 = arith.constant 1 : i32
      %run_scoped3A_103 = arith.constant 1 : i32
      "tpu.region"() ({
        %run_scoped3A_152 = tpu.sem_alloc : memref<!tpu.dma_semaphore, #tpu.memory_space<semaphore_mem>>
        %dma_start3A = arith.constant 1024 : i32
        %dma_start3A_153 = tpu.memref_slice %arg18[%run_scoped3A_101, %dma_start3A] : memref<16x2048xf32, #tpu.memory_space<vmem>> -> memref<1x1024xf32, #tpu.memory_space<vmem>>
        %dma_start3A_154 = tpu.memref_squeeze %dma_start3A_153 : memref<1x1024xf32, #tpu.memory_space<vmem>> -> memref<1024xf32, #tpu.memory_space<vmem>>
        %dma_start3A_155 = arith.constant 0 : i32
        %dma_start3A_156 = tpu.memref_slice %arg5[%run_scoped3A_102, %run_scoped3A_103, %add3A_100, %dma_start3A_155] : memref<2x8x1024x1024xf32, #tpu.memory_space<hbm>> -> memref<1x1x1x1024xf32, #tpu.memory_space<hbm>>
        %dma_start3A_157 = tpu.memref_squeeze %dma_start3A_156 : memref<1x1x1x1024xf32, #tpu.memory_space<hbm>> -> memref<1024xf32, #tpu.memory_space<hbm>>
        %dma_start3A_158 = arith.constant 0 : i32
        %dma_start3A_159 = tpu.memref_slice %arg5[%run_scoped3A_102, %run_scoped3A_103, %add3A_100, %dma_start3A_158] : memref<2x8x1024x1024xf32, #tpu.memory_space<hbm>> -> memref<1x1x1x1024xf32, #tpu.memory_space<hbm>>
        %dma_start3A_160 = tpu.memref_squeeze %dma_start3A_159 : memref<1x1x1x1024xf32, #tpu.memory_space<hbm>> -> memref<1024xf32, #tpu.memory_space<hbm>>
        %dma_start3A_161 = arith.constant 1024 : i32
        %dma_start3A_162 = tpu.memref_slice %arg18[%run_scoped3A_101, %dma_start3A_161] : memref<16x2048xf32, #tpu.memory_space<vmem>> -> memref<1x1024xf32, #tpu.memory_space<vmem>>
        %dma_start3A_163 = tpu.memref_squeeze %dma_start3A_162 : memref<1x1024xf32, #tpu.memory_space<vmem>> -> memref<1024xf32, #tpu.memory_space<vmem>>
        tpu.enqueue_dma source(%dma_start3A_163 : memref<1024xf32, #tpu.memory_space<vmem>>) target(%dma_start3A_160 : memref<1024xf32, #tpu.memory_space<hbm>>) target_semaphore(%run_scoped3A_152 : memref<!tpu.dma_semaphore, #tpu.memory_space<semaphore_mem>>)
        %dma_wait3A = arith.constant 1024 : i32
        %dma_wait3A_164 = tpu.memref_slice %arg18[%run_scoped3A_101, %dma_wait3A] : memref<16x2048xf32, #tpu.memory_space<vmem>> -> memref<1x1024xf32, #tpu.memory_space<vmem>>
        %dma_wait3A_165 = tpu.memref_squeeze %dma_wait3A_164 : memref<1x1024xf32, #tpu.memory_space<vmem>> -> memref<1024xf32, #tpu.memory_space<vmem>>
        %dma_wait3A_166 = arith.constant 0 : i32
        %dma_wait3A_167 = tpu.memref_slice %arg5[%run_scoped3A_102, %run_scoped3A_103, %add3A_100, %dma_wait3A_166] : memref<2x8x1024x1024xf32, #tpu.memory_space<hbm>> -> memref<1x1x1x1024xf32, #tpu.memory_space<hbm>>
        %dma_wait3A_168 = tpu.memref_squeeze %dma_wait3A_167 : memref<1x1x1x1024xf32, #tpu.memory_space<hbm>> -> memref<1024xf32, #tpu.memory_space<hbm>>
        %dma_wait3A_169 = arith.constant 0 : i32
        %dma_wait3A_170 = tpu.memref_slice %arg5[%run_scoped3A_102, %run_scoped3A_103, %add3A_100, %dma_wait3A_169] : memref<2x8x1024x1024xf32, #tpu.memory_space<hbm>> -> memref<1x1x1x1024xf32, #tpu.memory_space<hbm>>
        %dma_wait3A_171 = tpu.memref_squeeze %dma_wait3A_170 : memref<1x1x1x1024xf32, #tpu.memory_space<hbm>> -> memref<1024xf32, #tpu.memory_space<hbm>>
        %dma_wait3A_172 = arith.constant 1024 : i32
        %dma_wait3A_173 = tpu.memref_slice %arg18[%run_scoped3A_101, %dma_wait3A_172] : memref<16x2048xf32, #tpu.memory_space<vmem>> -> memref<1x1024xf32, #tpu.memory_space<vmem>>
        %dma_wait3A_174 = tpu.memref_squeeze %dma_wait3A_173 : memref<1x1024xf32, #tpu.memory_space<vmem>> -> memref<1024xf32, #tpu.memory_space<vmem>>
        tpu.wait_dma2 semaphore(%run_scoped3A_152 : memref<!tpu.dma_semaphore, #tpu.memory_space<semaphore_mem>>) src(%dma_wait3A_174 : memref<1024xf32, #tpu.memory_space<vmem>>) dst(%dma_wait3A_171 : memref<1024xf32, #tpu.memory_space<hbm>>)
        tpu.yield
      }) : () -> ()
      %run_scoped3A_104 = arith.constant 10 : i32
      %run_scoped3A_105 = arith.constant 1 : i32
      %run_scoped3A_106 = arith.constant 2 : i32
      "tpu.region"() ({
        %run_scoped3A_152 = tpu.sem_alloc : memref<!tpu.dma_semaphore, #tpu.memory_space<semaphore_mem>>
        %dma_start3A = arith.constant 0 : i32
        %dma_start3A_153 = tpu.memref_slice %arg18[%run_scoped3A_104, %dma_start3A] : memref<16x2048xf32, #tpu.memory_space<vmem>> -> memref<1x1024xf32, #tpu.memory_space<vmem>>
        %dma_start3A_154 = tpu.memref_squeeze %dma_start3A_153 : memref<1x1024xf32, #tpu.memory_space<vmem>> -> memref<1024xf32, #tpu.memory_space<vmem>>
        %dma_start3A_155 = arith.constant 0 : i32
        %dma_start3A_156 = tpu.memref_slice %arg5[%run_scoped3A_105, %run_scoped3A_106, %add3A_24, %dma_start3A_155] : memref<2x8x1024x1024xf32, #tpu.memory_space<hbm>> -> memref<1x1x1x1024xf32, #tpu.memory_space<hbm>>
        %dma_start3A_157 = tpu.memref_squeeze %dma_start3A_156 : memref<1x1x1x1024xf32, #tpu.memory_space<hbm>> -> memref<1024xf32, #tpu.memory_space<hbm>>
        %dma_start3A_158 = arith.constant 0 : i32
        %dma_start3A_159 = tpu.memref_slice %arg5[%run_scoped3A_105, %run_scoped3A_106, %add3A_24, %dma_start3A_158] : memref<2x8x1024x1024xf32, #tpu.memory_space<hbm>> -> memref<1x1x1x1024xf32, #tpu.memory_space<hbm>>
        %dma_start3A_160 = tpu.memref_squeeze %dma_start3A_159 : memref<1x1x1x1024xf32, #tpu.memory_space<hbm>> -> memref<1024xf32, #tpu.memory_space<hbm>>
        %dma_start3A_161 = arith.constant 0 : i32
        %dma_start3A_162 = tpu.memref_slice %arg18[%run_scoped3A_104, %dma_start3A_161] : memref<16x2048xf32, #tpu.memory_space<vmem>> -> memref<1x1024xf32, #tpu.memory_space<vmem>>
        %dma_start3A_163 = tpu.memref_squeeze %dma_start3A_162 : memref<1x1024xf32, #tpu.memory_space<vmem>> -> memref<1024xf32, #tpu.memory_space<vmem>>
        tpu.enqueue_dma source(%dma_start3A_163 : memref<1024xf32, #tpu.memory_space<vmem>>) target(%dma_start3A_160 : memref<1024xf32, #tpu.memory_space<hbm>>) target_semaphore(%run_scoped3A_152 : memref<!tpu.dma_semaphore, #tpu.memory_space<semaphore_mem>>)
        %dma_wait3A = arith.constant 0 : i32
        %dma_wait3A_164 = tpu.memref_slice %arg18[%run_scoped3A_104, %dma_wait3A] : memref<16x2048xf32, #tpu.memory_space<vmem>> -> memref<1x1024xf32, #tpu.memory_space<vmem>>
        %dma_wait3A_165 = tpu.memref_squeeze %dma_wait3A_164 : memref<1x1024xf32, #tpu.memory_space<vmem>> -> memref<1024xf32, #tpu.memory_space<vmem>>
        %dma_wait3A_166 = arith.constant 0 : i32
        %dma_wait3A_167 = tpu.memref_slice %arg5[%run_scoped3A_105, %run_scoped3A_106, %add3A_24, %dma_wait3A_166] : memref<2x8x1024x1024xf32, #tpu.memory_space<hbm>> -> memref<1x1x1x1024xf32, #tpu.memory_space<hbm>>
        %dma_wait3A_168 = tpu.memref_squeeze %dma_wait3A_167 : memref<1x1x1x1024xf32, #tpu.memory_space<hbm>> -> memref<1024xf32, #tpu.memory_space<hbm>>
        %dma_wait3A_169 = arith.constant 0 : i32
        %dma_wait3A_170 = tpu.memref_slice %arg5[%run_scoped3A_105, %run_scoped3A_106, %add3A_24, %dma_wait3A_169] : memref<2x8x1024x1024xf32, #tpu.memory_space<hbm>> -> memref<1x1x1x1024xf32, #tpu.memory_space<hbm>>
        %dma_wait3A_171 = tpu.memref_squeeze %dma_wait3A_170 : memref<1x1x1x1024xf32, #tpu.memory_space<hbm>> -> memref<1024xf32, #tpu.memory_space<hbm>>
        %dma_wait3A_172 = arith.constant 0 : i32
        %dma_wait3A_173 = tpu.memref_slice %arg18[%run_scoped3A_104, %dma_wait3A_172] : memref<16x2048xf32, #tpu.memory_space<vmem>> -> memref<1x1024xf32, #tpu.memory_space<vmem>>
        %dma_wait3A_174 = tpu.memref_squeeze %dma_wait3A_173 : memref<1x1024xf32, #tpu.memory_space<vmem>> -> memref<1024xf32, #tpu.memory_space<vmem>>
        tpu.wait_dma2 semaphore(%run_scoped3A_152 : memref<!tpu.dma_semaphore, #tpu.memory_space<semaphore_mem>>) src(%dma_wait3A_174 : memref<1024xf32, #tpu.memory_space<vmem>>) dst(%dma_wait3A_171 : memref<1024xf32, #tpu.memory_space<hbm>>)
        tpu.yield
      }) : () -> ()
      %add3A_107 = arith.constant 1 : i32
      %add3A_108 = arith.addi %add3A_24, %add3A_107 : i32
      %run_scoped3A_109 = arith.constant 10 : i32
      %run_scoped3A_110 = arith.constant 1 : i32
      %run_scoped3A_111 = arith.constant 2 : i32
      "tpu.region"() ({
        %run_scoped3A_152 = tpu.sem_alloc : memref<!tpu.dma_semaphore, #tpu.memory_space<semaphore_mem>>
        %dma_start3A = arith.constant 1024 : i32
        %dma_start3A_153 = tpu.memref_slice %arg18[%run_scoped3A_109, %dma_start3A] : memref<16x2048xf32, #tpu.memory_space<vmem>> -> memref<1x1024xf32, #tpu.memory_space<vmem>>
        %dma_start3A_154 = tpu.memref_squeeze %dma_start3A_153 : memref<1x1024xf32, #tpu.memory_space<vmem>> -> memref<1024xf32, #tpu.memory_space<vmem>>
        %dma_start3A_155 = arith.constant 0 : i32
        %dma_start3A_156 = tpu.memref_slice %arg5[%run_scoped3A_110, %run_scoped3A_111, %add3A_108, %dma_start3A_155] : memref<2x8x1024x1024xf32, #tpu.memory_space<hbm>> -> memref<1x1x1x1024xf32, #tpu.memory_space<hbm>>
        %dma_start3A_157 = tpu.memref_squeeze %dma_start3A_156 : memref<1x1x1x1024xf32, #tpu.memory_space<hbm>> -> memref<1024xf32, #tpu.memory_space<hbm>>
        %dma_start3A_158 = arith.constant 0 : i32
        %dma_start3A_159 = tpu.memref_slice %arg5[%run_scoped3A_110, %run_scoped3A_111, %add3A_108, %dma_start3A_158] : memref<2x8x1024x1024xf32, #tpu.memory_space<hbm>> -> memref<1x1x1x1024xf32, #tpu.memory_space<hbm>>
        %dma_start3A_160 = tpu.memref_squeeze %dma_start3A_159 : memref<1x1x1x1024xf32, #tpu.memory_space<hbm>> -> memref<1024xf32, #tpu.memory_space<hbm>>
        %dma_start3A_161 = arith.constant 1024 : i32
        %dma_start3A_162 = tpu.memref_slice %arg18[%run_scoped3A_109, %dma_start3A_161] : memref<16x2048xf32, #tpu.memory_space<vmem>> -> memref<1x1024xf32, #tpu.memory_space<vmem>>
        %dma_start3A_163 = tpu.memref_squeeze %dma_start3A_162 : memref<1x1024xf32, #tpu.memory_space<vmem>> -> memref<1024xf32, #tpu.memory_space<vmem>>
        tpu.enqueue_dma source(%dma_start3A_163 : memref<1024xf32, #tpu.memory_space<vmem>>) target(%dma_start3A_160 : memref<1024xf32, #tpu.memory_space<hbm>>) target_semaphore(%run_scoped3A_152 : memref<!tpu.dma_semaphore, #tpu.memory_space<semaphore_mem>>)
        %dma_wait3A = arith.constant 1024 : i32
        %dma_wait3A_164 = tpu.memref_slice %arg18[%run_scoped3A_109, %dma_wait3A] : memref<16x2048xf32, #tpu.memory_space<vmem>> -> memref<1x1024xf32, #tpu.memory_space<vmem>>
        %dma_wait3A_165 = tpu.memref_squeeze %dma_wait3A_164 : memref<1x1024xf32, #tpu.memory_space<vmem>> -> memref<1024xf32, #tpu.memory_space<vmem>>
        %dma_wait3A_166 = arith.constant 0 : i32
        %dma_wait3A_167 = tpu.memref_slice %arg5[%run_scoped3A_110, %run_scoped3A_111, %add3A_108, %dma_wait3A_166] : memref<2x8x1024x1024xf32, #tpu.memory_space<hbm>> -> memref<1x1x1x1024xf32, #tpu.memory_space<hbm>>
        %dma_wait3A_168 = tpu.memref_squeeze %dma_wait3A_167 : memref<1x1x1x1024xf32, #tpu.memory_space<hbm>> -> memref<1024xf32, #tpu.memory_space<hbm>>
        %dma_wait3A_169 = arith.constant 0 : i32
        %dma_wait3A_170 = tpu.memref_slice %arg5[%run_scoped3A_110, %run_scoped3A_111, %add3A_108, %dma_wait3A_169] : memref<2x8x1024x1024xf32, #tpu.memory_space<hbm>> -> memref<1x1x1x1024xf32, #tpu.memory_space<hbm>>
        %dma_wait3A_171 = tpu.memref_squeeze %dma_wait3A_170 : memref<1x1x1x1024xf32, #tpu.memory_space<hbm>> -> memref<1024xf32, #tpu.memory_space<hbm>>
        %dma_wait3A_172 = arith.constant 1024 : i32
        %dma_wait3A_173 = tpu.memref_slice %arg18[%run_scoped3A_109, %dma_wait3A_172] : memref<16x2048xf32, #tpu.memory_space<vmem>> -> memref<1x1024xf32, #tpu.memory_space<vmem>>
        %dma_wait3A_174 = tpu.memref_squeeze %dma_wait3A_173 : memref<1x1024xf32, #tpu.memory_space<vmem>> -> memref<1024xf32, #tpu.memory_space<vmem>>
        tpu.wait_dma2 semaphore(%run_scoped3A_152 : memref<!tpu.dma_semaphore, #tpu.memory_space<semaphore_mem>>) src(%dma_wait3A_174 : memref<1024xf32, #tpu.memory_space<vmem>>) dst(%dma_wait3A_171 : memref<1024xf32, #tpu.memory_space<hbm>>)
        tpu.yield
      }) : () -> ()
      %run_scoped3A_112 = arith.constant 11 : i32
      %run_scoped3A_113 = arith.constant 1 : i32
      %run_scoped3A_114 = arith.constant 3 : i32
      "tpu.region"() ({
        %run_scoped3A_152 = tpu.sem_alloc : memref<!tpu.dma_semaphore, #tpu.memory_space<semaphore_mem>>
        %dma_start3A = arith.constant 0 : i32
        %dma_start3A_153 = tpu.memref_slice %arg18[%run_scoped3A_112, %dma_start3A] : memref<16x2048xf32, #tpu.memory_space<vmem>> -> memref<1x1024xf32, #tpu.memory_space<vmem>>
        %dma_start3A_154 = tpu.memref_squeeze %dma_start3A_153 : memref<1x1024xf32, #tpu.memory_space<vmem>> -> memref<1024xf32, #tpu.memory_space<vmem>>
        %dma_start3A_155 = arith.constant 0 : i32
        %dma_start3A_156 = tpu.memref_slice %arg5[%run_scoped3A_113, %run_scoped3A_114, %add3A_24, %dma_start3A_155] : memref<2x8x1024x1024xf32, #tpu.memory_space<hbm>> -> memref<1x1x1x1024xf32, #tpu.memory_space<hbm>>
        %dma_start3A_157 = tpu.memref_squeeze %dma_start3A_156 : memref<1x1x1x1024xf32, #tpu.memory_space<hbm>> -> memref<1024xf32, #tpu.memory_space<hbm>>
        %dma_start3A_158 = arith.constant 0 : i32
        %dma_start3A_159 = tpu.memref_slice %arg5[%run_scoped3A_113, %run_scoped3A_114, %add3A_24, %dma_start3A_158] : memref<2x8x1024x1024xf32, #tpu.memory_space<hbm>> -> memref<1x1x1x1024xf32, #tpu.memory_space<hbm>>
        %dma_start3A_160 = tpu.memref_squeeze %dma_start3A_159 : memref<1x1x1x1024xf32, #tpu.memory_space<hbm>> -> memref<1024xf32, #tpu.memory_space<hbm>>
        %dma_start3A_161 = arith.constant 0 : i32
        %dma_start3A_162 = tpu.memref_slice %arg18[%run_scoped3A_112, %dma_start3A_161] : memref<16x2048xf32, #tpu.memory_space<vmem>> -> memref<1x1024xf32, #tpu.memory_space<vmem>>
        %dma_start3A_163 = tpu.memref_squeeze %dma_start3A_162 : memref<1x1024xf32, #tpu.memory_space<vmem>> -> memref<1024xf32, #tpu.memory_space<vmem>>
        tpu.enqueue_dma source(%dma_start3A_163 : memref<1024xf32, #tpu.memory_space<vmem>>) target(%dma_start3A_160 : memref<1024xf32, #tpu.memory_space<hbm>>) target_semaphore(%run_scoped3A_152 : memref<!tpu.dma_semaphore, #tpu.memory_space<semaphore_mem>>)
        %dma_wait3A = arith.constant 0 : i32
        %dma_wait3A_164 = tpu.memref_slice %arg18[%run_scoped3A_112, %dma_wait3A] : memref<16x2048xf32, #tpu.memory_space<vmem>> -> memref<1x1024xf32, #tpu.memory_space<vmem>>
        %dma_wait3A_165 = tpu.memref_squeeze %dma_wait3A_164 : memref<1x1024xf32, #tpu.memory_space<vmem>> -> memref<1024xf32, #tpu.memory_space<vmem>>
        %dma_wait3A_166 = arith.constant 0 : i32
        %dma_wait3A_167 = tpu.memref_slice %arg5[%run_scoped3A_113, %run_scoped3A_114, %add3A_24, %dma_wait3A_166] : memref<2x8x1024x1024xf32, #tpu.memory_space<hbm>> -> memref<1x1x1x1024xf32, #tpu.memory_space<hbm>>
        %dma_wait3A_168 = tpu.memref_squeeze %dma_wait3A_167 : memref<1x1x1x1024xf32, #tpu.memory_space<hbm>> -> memref<1024xf32, #tpu.memory_space<hbm>>
        %dma_wait3A_169 = arith.constant 0 : i32
        %dma_wait3A_170 = tpu.memref_slice %arg5[%run_scoped3A_113, %run_scoped3A_114, %add3A_24, %dma_wait3A_169] : memref<2x8x1024x1024xf32, #tpu.memory_space<hbm>> -> memref<1x1x1x1024xf32, #tpu.memory_space<hbm>>
        %dma_wait3A_171 = tpu.memref_squeeze %dma_wait3A_170 : memref<1x1x1x1024xf32, #tpu.memory_space<hbm>> -> memref<1024xf32, #tpu.memory_space<hbm>>
        %dma_wait3A_172 = arith.constant 0 : i32
        %dma_wait3A_173 = tpu.memref_slice %arg18[%run_scoped3A_112, %dma_wait3A_172] : memref<16x2048xf32, #tpu.memory_space<vmem>> -> memref<1x1024xf32, #tpu.memory_space<vmem>>
        %dma_wait3A_174 = tpu.memref_squeeze %dma_wait3A_173 : memref<1x1024xf32, #tpu.memory_space<vmem>> -> memref<1024xf32, #tpu.memory_space<vmem>>
        tpu.wait_dma2 semaphore(%run_scoped3A_152 : memref<!tpu.dma_semaphore, #tpu.memory_space<semaphore_mem>>) src(%dma_wait3A_174 : memref<1024xf32, #tpu.memory_space<vmem>>) dst(%dma_wait3A_171 : memref<1024xf32, #tpu.memory_space<hbm>>)
        tpu.yield
      }) : () -> ()
      %add3A_115 = arith.constant 1 : i32
      %add3A_116 = arith.addi %add3A_24, %add3A_115 : i32
      %run_scoped3A_117 = arith.constant 11 : i32
      %run_scoped3A_118 = arith.constant 1 : i32
      %run_scoped3A_119 = arith.constant 3 : i32
      "tpu.region"() ({
        %run_scoped3A_152 = tpu.sem_alloc : memref<!tpu.dma_semaphore, #tpu.memory_space<semaphore_mem>>
        %dma_start3A = arith.constant 1024 : i32
        %dma_start3A_153 = tpu.memref_slice %arg18[%run_scoped3A_117, %dma_start3A] : memref<16x2048xf32, #tpu.memory_space<vmem>> -> memref<1x1024xf32, #tpu.memory_space<vmem>>
        %dma_start3A_154 = tpu.memref_squeeze %dma_start3A_153 : memref<1x1024xf32, #tpu.memory_space<vmem>> -> memref<1024xf32, #tpu.memory_space<vmem>>
        %dma_start3A_155 = arith.constant 0 : i32
        %dma_start3A_156 = tpu.memref_slice %arg5[%run_scoped3A_118, %run_scoped3A_119, %add3A_116, %dma_start3A_155] : memref<2x8x1024x1024xf32, #tpu.memory_space<hbm>> -> memref<1x1x1x1024xf32, #tpu.memory_space<hbm>>
        %dma_start3A_157 = tpu.memref_squeeze %dma_start3A_156 : memref<1x1x1x1024xf32, #tpu.memory_space<hbm>> -> memref<1024xf32, #tpu.memory_space<hbm>>
        %dma_start3A_158 = arith.constant 0 : i32
        %dma_start3A_159 = tpu.memref_slice %arg5[%run_scoped3A_118, %run_scoped3A_119, %add3A_116, %dma_start3A_158] : memref<2x8x1024x1024xf32, #tpu.memory_space<hbm>> -> memref<1x1x1x1024xf32, #tpu.memory_space<hbm>>
        %dma_start3A_160 = tpu.memref_squeeze %dma_start3A_159 : memref<1x1x1x1024xf32, #tpu.memory_space<hbm>> -> memref<1024xf32, #tpu.memory_space<hbm>>
        %dma_start3A_161 = arith.constant 1024 : i32
        %dma_start3A_162 = tpu.memref_slice %arg18[%run_scoped3A_117, %dma_start3A_161] : memref<16x2048xf32, #tpu.memory_space<vmem>> -> memref<1x1024xf32, #tpu.memory_space<vmem>>
        %dma_start3A_163 = tpu.memref_squeeze %dma_start3A_162 : memref<1x1024xf32, #tpu.memory_space<vmem>> -> memref<1024xf32, #tpu.memory_space<vmem>>
        tpu.enqueue_dma source(%dma_start3A_163 : memref<1024xf32, #tpu.memory_space<vmem>>) target(%dma_start3A_160 : memref<1024xf32, #tpu.memory_space<hbm>>) target_semaphore(%run_scoped3A_152 : memref<!tpu.dma_semaphore, #tpu.memory_space<semaphore_mem>>)
        %dma_wait3A = arith.constant 1024 : i32
        %dma_wait3A_164 = tpu.memref_slice %arg18[%run_scoped3A_117, %dma_wait3A] : memref<16x2048xf32, #tpu.memory_space<vmem>> -> memref<1x1024xf32, #tpu.memory_space<vmem>>
        %dma_wait3A_165 = tpu.memref_squeeze %dma_wait3A_164 : memref<1x1024xf32, #tpu.memory_space<vmem>> -> memref<1024xf32, #tpu.memory_space<vmem>>
        %dma_wait3A_166 = arith.constant 0 : i32
        %dma_wait3A_167 = tpu.memref_slice %arg5[%run_scoped3A_118, %run_scoped3A_119, %add3A_116, %dma_wait3A_166] : memref<2x8x1024x1024xf32, #tpu.memory_space<hbm>> -> memref<1x1x1x1024xf32, #tpu.memory_space<hbm>>
        %dma_wait3A_168 = tpu.memref_squeeze %dma_wait3A_167 : memref<1x1x1x1024xf32, #tpu.memory_space<hbm>> -> memref<1024xf32, #tpu.memory_space<hbm>>
        %dma_wait3A_169 = arith.constant 0 : i32
        %dma_wait3A_170 = tpu.memref_slice %arg5[%run_scoped3A_118, %run_scoped3A_119, %add3A_116, %dma_wait3A_169] : memref<2x8x1024x1024xf32, #tpu.memory_space<hbm>> -> memref<1x1x1x1024xf32, #tpu.memory_space<hbm>>
        %dma_wait3A_171 = tpu.memref_squeeze %dma_wait3A_170 : memref<1x1x1x1024xf32, #tpu.memory_space<hbm>> -> memref<1024xf32, #tpu.memory_space<hbm>>
        %dma_wait3A_172 = arith.constant 1024 : i32
        %dma_wait3A_173 = tpu.memref_slice %arg18[%run_scoped3A_117, %dma_wait3A_172] : memref<16x2048xf32, #tpu.memory_space<vmem>> -> memref<1x1024xf32, #tpu.memory_space<vmem>>
        %dma_wait3A_174 = tpu.memref_squeeze %dma_wait3A_173 : memref<1x1024xf32, #tpu.memory_space<vmem>> -> memref<1024xf32, #tpu.memory_space<vmem>>
        tpu.wait_dma2 semaphore(%run_scoped3A_152 : memref<!tpu.dma_semaphore, #tpu.memory_space<semaphore_mem>>) src(%dma_wait3A_174 : memref<1024xf32, #tpu.memory_space<vmem>>) dst(%dma_wait3A_171 : memref<1024xf32, #tpu.memory_space<hbm>>)
        tpu.yield
      }) : () -> ()
      %run_scoped3A_120 = arith.constant 12 : i32
      %run_scoped3A_121 = arith.constant 1 : i32
      %run_scoped3A_122 = arith.constant 4 : i32
      "tpu.region"() ({
        %run_scoped3A_152 = tpu.sem_alloc : memref<!tpu.dma_semaphore, #tpu.memory_space<semaphore_mem>>
        %dma_start3A = arith.constant 0 : i32
        %dma_start3A_153 = tpu.memref_slice %arg18[%run_scoped3A_120, %dma_start3A] : memref<16x2048xf32, #tpu.memory_space<vmem>> -> memref<1x1024xf32, #tpu.memory_space<vmem>>
        %dma_start3A_154 = tpu.memref_squeeze %dma_start3A_153 : memref<1x1024xf32, #tpu.memory_space<vmem>> -> memref<1024xf32, #tpu.memory_space<vmem>>
        %dma_start3A_155 = arith.constant 0 : i32
        %dma_start3A_156 = tpu.memref_slice %arg5[%run_scoped3A_121, %run_scoped3A_122, %add3A_24, %dma_start3A_155] : memref<2x8x1024x1024xf32, #tpu.memory_space<hbm>> -> memref<1x1x1x1024xf32, #tpu.memory_space<hbm>>
        %dma_start3A_157 = tpu.memref_squeeze %dma_start3A_156 : memref<1x1x1x1024xf32, #tpu.memory_space<hbm>> -> memref<1024xf32, #tpu.memory_space<hbm>>
        %dma_start3A_158 = arith.constant 0 : i32
        %dma_start3A_159 = tpu.memref_slice %arg5[%run_scoped3A_121, %run_scoped3A_122, %add3A_24, %dma_start3A_158] : memref<2x8x1024x1024xf32, #tpu.memory_space<hbm>> -> memref<1x1x1x1024xf32, #tpu.memory_space<hbm>>
        %dma_start3A_160 = tpu.memref_squeeze %dma_start3A_159 : memref<1x1x1x1024xf32, #tpu.memory_space<hbm>> -> memref<1024xf32, #tpu.memory_space<hbm>>
        %dma_start3A_161 = arith.constant 0 : i32
        %dma_start3A_162 = tpu.memref_slice %arg18[%run_scoped3A_120, %dma_start3A_161] : memref<16x2048xf32, #tpu.memory_space<vmem>> -> memref<1x1024xf32, #tpu.memory_space<vmem>>
        %dma_start3A_163 = tpu.memref_squeeze %dma_start3A_162 : memref<1x1024xf32, #tpu.memory_space<vmem>> -> memref<1024xf32, #tpu.memory_space<vmem>>
        tpu.enqueue_dma source(%dma_start3A_163 : memref<1024xf32, #tpu.memory_space<vmem>>) target(%dma_start3A_160 : memref<1024xf32, #tpu.memory_space<hbm>>) target_semaphore(%run_scoped3A_152 : memref<!tpu.dma_semaphore, #tpu.memory_space<semaphore_mem>>)
        %dma_wait3A = arith.constant 0 : i32
        %dma_wait3A_164 = tpu.memref_slice %arg18[%run_scoped3A_120, %dma_wait3A] : memref<16x2048xf32, #tpu.memory_space<vmem>> -> memref<1x1024xf32, #tpu.memory_space<vmem>>
        %dma_wait3A_165 = tpu.memref_squeeze %dma_wait3A_164 : memref<1x1024xf32, #tpu.memory_space<vmem>> -> memref<1024xf32, #tpu.memory_space<vmem>>
        %dma_wait3A_166 = arith.constant 0 : i32
        %dma_wait3A_167 = tpu.memref_slice %arg5[%run_scoped3A_121, %run_scoped3A_122, %add3A_24, %dma_wait3A_166] : memref<2x8x1024x1024xf32, #tpu.memory_space<hbm>> -> memref<1x1x1x1024xf32, #tpu.memory_space<hbm>>
        %dma_wait3A_168 = tpu.memref_squeeze %dma_wait3A_167 : memref<1x1x1x1024xf32, #tpu.memory_space<hbm>> -> memref<1024xf32, #tpu.memory_space<hbm>>
        %dma_wait3A_169 = arith.constant 0 : i32
        %dma_wait3A_170 = tpu.memref_slice %arg5[%run_scoped3A_121, %run_scoped3A_122, %add3A_24, %dma_wait3A_169] : memref<2x8x1024x1024xf32, #tpu.memory_space<hbm>> -> memref<1x1x1x1024xf32, #tpu.memory_space<hbm>>
        %dma_wait3A_171 = tpu.memref_squeeze %dma_wait3A_170 : memref<1x1x1x1024xf32, #tpu.memory_space<hbm>> -> memref<1024xf32, #tpu.memory_space<hbm>>
        %dma_wait3A_172 = arith.constant 0 : i32
        %dma_wait3A_173 = tpu.memref_slice %arg18[%run_scoped3A_120, %dma_wait3A_172] : memref<16x2048xf32, #tpu.memory_space<vmem>> -> memref<1x1024xf32, #tpu.memory_space<vmem>>
        %dma_wait3A_174 = tpu.memref_squeeze %dma_wait3A_173 : memref<1x1024xf32, #tpu.memory_space<vmem>> -> memref<1024xf32, #tpu.memory_space<vmem>>
        tpu.wait_dma2 semaphore(%run_scoped3A_152 : memref<!tpu.dma_semaphore, #tpu.memory_space<semaphore_mem>>) src(%dma_wait3A_174 : memref<1024xf32, #tpu.memory_space<vmem>>) dst(%dma_wait3A_171 : memref<1024xf32, #tpu.memory_space<hbm>>)
        tpu.yield
      }) : () -> ()
      %add3A_123 = arith.constant 1 : i32
      %add3A_124 = arith.addi %add3A_24, %add3A_123 : i32
      %run_scoped3A_125 = arith.constant 12 : i32
      %run_scoped3A_126 = arith.constant 1 : i32
      %run_scoped3A_127 = arith.constant 4 : i32
      "tpu.region"() ({
        %run_scoped3A_152 = tpu.sem_alloc : memref<!tpu.dma_semaphore, #tpu.memory_space<semaphore_mem>>
        %dma_start3A = arith.constant 1024 : i32
        %dma_start3A_153 = tpu.memref_slice %arg18[%run_scoped3A_125, %dma_start3A] : memref<16x2048xf32, #tpu.memory_space<vmem>> -> memref<1x1024xf32, #tpu.memory_space<vmem>>
        %dma_start3A_154 = tpu.memref_squeeze %dma_start3A_153 : memref<1x1024xf32, #tpu.memory_space<vmem>> -> memref<1024xf32, #tpu.memory_space<vmem>>
        %dma_start3A_155 = arith.constant 0 : i32
        %dma_start3A_156 = tpu.memref_slice %arg5[%run_scoped3A_126, %run_scoped3A_127, %add3A_124, %dma_start3A_155] : memref<2x8x1024x1024xf32, #tpu.memory_space<hbm>> -> memref<1x1x1x1024xf32, #tpu.memory_space<hbm>>
        %dma_start3A_157 = tpu.memref_squeeze %dma_start3A_156 : memref<1x1x1x1024xf32, #tpu.memory_space<hbm>> -> memref<1024xf32, #tpu.memory_space<hbm>>
        %dma_start3A_158 = arith.constant 0 : i32
        %dma_start3A_159 = tpu.memref_slice %arg5[%run_scoped3A_126, %run_scoped3A_127, %add3A_124, %dma_start3A_158] : memref<2x8x1024x1024xf32, #tpu.memory_space<hbm>> -> memref<1x1x1x1024xf32, #tpu.memory_space<hbm>>
        %dma_start3A_160 = tpu.memref_squeeze %dma_start3A_159 : memref<1x1x1x1024xf32, #tpu.memory_space<hbm>> -> memref<1024xf32, #tpu.memory_space<hbm>>
        %dma_start3A_161 = arith.constant 1024 : i32
        %dma_start3A_162 = tpu.memref_slice %arg18[%run_scoped3A_125, %dma_start3A_161] : memref<16x2048xf32, #tpu.memory_space<vmem>> -> memref<1x1024xf32, #tpu.memory_space<vmem>>
        %dma_start3A_163 = tpu.memref_squeeze %dma_start3A_162 : memref<1x1024xf32, #tpu.memory_space<vmem>> -> memref<1024xf32, #tpu.memory_space<vmem>>
        tpu.enqueue_dma source(%dma_start3A_163 : memref<1024xf32, #tpu.memory_space<vmem>>) target(%dma_start3A_160 : memref<1024xf32, #tpu.memory_space<hbm>>) target_semaphore(%run_scoped3A_152 : memref<!tpu.dma_semaphore, #tpu.memory_space<semaphore_mem>>)
        %dma_wait3A = arith.constant 1024 : i32
        %dma_wait3A_164 = tpu.memref_slice %arg18[%run_scoped3A_125, %dma_wait3A] : memref<16x2048xf32, #tpu.memory_space<vmem>> -> memref<1x1024xf32, #tpu.memory_space<vmem>>
        %dma_wait3A_165 = tpu.memref_squeeze %dma_wait3A_164 : memref<1x1024xf32, #tpu.memory_space<vmem>> -> memref<1024xf32, #tpu.memory_space<vmem>>
        %dma_wait3A_166 = arith.constant 0 : i32
        %dma_wait3A_167 = tpu.memref_slice %arg5[%run_scoped3A_126, %run_scoped3A_127, %add3A_124, %dma_wait3A_166] : memref<2x8x1024x1024xf32, #tpu.memory_space<hbm>> -> memref<1x1x1x1024xf32, #tpu.memory_space<hbm>>
        %dma_wait3A_168 = tpu.memref_squeeze %dma_wait3A_167 : memref<1x1x1x1024xf32, #tpu.memory_space<hbm>> -> memref<1024xf32, #tpu.memory_space<hbm>>
        %dma_wait3A_169 = arith.constant 0 : i32
        %dma_wait3A_170 = tpu.memref_slice %arg5[%run_scoped3A_126, %run_scoped3A_127, %add3A_124, %dma_wait3A_169] : memref<2x8x1024x1024xf32, #tpu.memory_space<hbm>> -> memref<1x1x1x1024xf32, #tpu.memory_space<hbm>>
        %dma_wait3A_171 = tpu.memref_squeeze %dma_wait3A_170 : memref<1x1x1x1024xf32, #tpu.memory_space<hbm>> -> memref<1024xf32, #tpu.memory_space<hbm>>
        %dma_wait3A_172 = arith.constant 1024 : i32
        %dma_wait3A_173 = tpu.memref_slice %arg18[%run_scoped3A_125, %dma_wait3A_172] : memref<16x2048xf32, #tpu.memory_space<vmem>> -> memref<1x1024xf32, #tpu.memory_space<vmem>>
        %dma_wait3A_174 = tpu.memref_squeeze %dma_wait3A_173 : memref<1x1024xf32, #tpu.memory_space<vmem>> -> memref<1024xf32, #tpu.memory_space<vmem>>
        tpu.wait_dma2 semaphore(%run_scoped3A_152 : memref<!tpu.dma_semaphore, #tpu.memory_space<semaphore_mem>>) src(%dma_wait3A_174 : memref<1024xf32, #tpu.memory_space<vmem>>) dst(%dma_wait3A_171 : memref<1024xf32, #tpu.memory_space<hbm>>)
        tpu.yield
      }) : () -> ()
      %run_scoped3A_128 = arith.constant 13 : i32
      %run_scoped3A_129 = arith.constant 1 : i32
      %run_scoped3A_130 = arith.constant 5 : i32
      "tpu.region"() ({
        %run_scoped3A_152 = tpu.sem_alloc : memref<!tpu.dma_semaphore, #tpu.memory_space<semaphore_mem>>
        %dma_start3A = arith.constant 0 : i32
        %dma_start3A_153 = tpu.memref_slice %arg18[%run_scoped3A_128, %dma_start3A] : memref<16x2048xf32, #tpu.memory_space<vmem>> -> memref<1x1024xf32, #tpu.memory_space<vmem>>
        %dma_start3A_154 = tpu.memref_squeeze %dma_start3A_153 : memref<1x1024xf32, #tpu.memory_space<vmem>> -> memref<1024xf32, #tpu.memory_space<vmem>>
        %dma_start3A_155 = arith.constant 0 : i32
        %dma_start3A_156 = tpu.memref_slice %arg5[%run_scoped3A_129, %run_scoped3A_130, %add3A_24, %dma_start3A_155] : memref<2x8x1024x1024xf32, #tpu.memory_space<hbm>> -> memref<1x1x1x1024xf32, #tpu.memory_space<hbm>>
        %dma_start3A_157 = tpu.memref_squeeze %dma_start3A_156 : memref<1x1x1x1024xf32, #tpu.memory_space<hbm>> -> memref<1024xf32, #tpu.memory_space<hbm>>
        %dma_start3A_158 = arith.constant 0 : i32
        %dma_start3A_159 = tpu.memref_slice %arg5[%run_scoped3A_129, %run_scoped3A_130, %add3A_24, %dma_start3A_158] : memref<2x8x1024x1024xf32, #tpu.memory_space<hbm>> -> memref<1x1x1x1024xf32, #tpu.memory_space<hbm>>
        %dma_start3A_160 = tpu.memref_squeeze %dma_start3A_159 : memref<1x1x1x1024xf32, #tpu.memory_space<hbm>> -> memref<1024xf32, #tpu.memory_space<hbm>>
        %dma_start3A_161 = arith.constant 0 : i32
        %dma_start3A_162 = tpu.memref_slice %arg18[%run_scoped3A_128, %dma_start3A_161] : memref<16x2048xf32, #tpu.memory_space<vmem>> -> memref<1x1024xf32, #tpu.memory_space<vmem>>
        %dma_start3A_163 = tpu.memref_squeeze %dma_start3A_162 : memref<1x1024xf32, #tpu.memory_space<vmem>> -> memref<1024xf32, #tpu.memory_space<vmem>>
        tpu.enqueue_dma source(%dma_start3A_163 : memref<1024xf32, #tpu.memory_space<vmem>>) target(%dma_start3A_160 : memref<1024xf32, #tpu.memory_space<hbm>>) target_semaphore(%run_scoped3A_152 : memref<!tpu.dma_semaphore, #tpu.memory_space<semaphore_mem>>)
        %dma_wait3A = arith.constant 0 : i32
        %dma_wait3A_164 = tpu.memref_slice %arg18[%run_scoped3A_128, %dma_wait3A] : memref<16x2048xf32, #tpu.memory_space<vmem>> -> memref<1x1024xf32, #tpu.memory_space<vmem>>
        %dma_wait3A_165 = tpu.memref_squeeze %dma_wait3A_164 : memref<1x1024xf32, #tpu.memory_space<vmem>> -> memref<1024xf32, #tpu.memory_space<vmem>>
        %dma_wait3A_166 = arith.constant 0 : i32
        %dma_wait3A_167 = tpu.memref_slice %arg5[%run_scoped3A_129, %run_scoped3A_130, %add3A_24, %dma_wait3A_166] : memref<2x8x1024x1024xf32, #tpu.memory_space<hbm>> -> memref<1x1x1x1024xf32, #tpu.memory_space<hbm>>
        %dma_wait3A_168 = tpu.memref_squeeze %dma_wait3A_167 : memref<1x1x1x1024xf32, #tpu.memory_space<hbm>> -> memref<1024xf32, #tpu.memory_space<hbm>>
        %dma_wait3A_169 = arith.constant 0 : i32
        %dma_wait3A_170 = tpu.memref_slice %arg5[%run_scoped3A_129, %run_scoped3A_130, %add3A_24, %dma_wait3A_169] : memref<2x8x1024x1024xf32, #tpu.memory_space<hbm>> -> memref<1x1x1x1024xf32, #tpu.memory_space<hbm>>
        %dma_wait3A_171 = tpu.memref_squeeze %dma_wait3A_170 : memref<1x1x1x1024xf32, #tpu.memory_space<hbm>> -> memref<1024xf32, #tpu.memory_space<hbm>>
        %dma_wait3A_172 = arith.constant 0 : i32
        %dma_wait3A_173 = tpu.memref_slice %arg18[%run_scoped3A_128, %dma_wait3A_172] : memref<16x2048xf32, #tpu.memory_space<vmem>> -> memref<1x1024xf32, #tpu.memory_space<vmem>>
        %dma_wait3A_174 = tpu.memref_squeeze %dma_wait3A_173 : memref<1x1024xf32, #tpu.memory_space<vmem>> -> memref<1024xf32, #tpu.memory_space<vmem>>
        tpu.wait_dma2 semaphore(%run_scoped3A_152 : memref<!tpu.dma_semaphore, #tpu.memory_space<semaphore_mem>>) src(%dma_wait3A_174 : memref<1024xf32, #tpu.memory_space<vmem>>) dst(%dma_wait3A_171 : memref<1024xf32, #tpu.memory_space<hbm>>)
        tpu.yield
      }) : () -> ()
      %add3A_131 = arith.constant 1 : i32
      %add3A_132 = arith.addi %add3A_24, %add3A_131 : i32
      %run_scoped3A_133 = arith.constant 13 : i32
      %run_scoped3A_134 = arith.constant 1 : i32
      %run_scoped3A_135 = arith.constant 5 : i32
      "tpu.region"() ({
        %run_scoped3A_152 = tpu.sem_alloc : memref<!tpu.dma_semaphore, #tpu.memory_space<semaphore_mem>>
        %dma_start3A = arith.constant 1024 : i32
        %dma_start3A_153 = tpu.memref_slice %arg18[%run_scoped3A_133, %dma_start3A] : memref<16x2048xf32, #tpu.memory_space<vmem>> -> memref<1x1024xf32, #tpu.memory_space<vmem>>
        %dma_start3A_154 = tpu.memref_squeeze %dma_start3A_153 : memref<1x1024xf32, #tpu.memory_space<vmem>> -> memref<1024xf32, #tpu.memory_space<vmem>>
        %dma_start3A_155 = arith.constant 0 : i32
        %dma_start3A_156 = tpu.memref_slice %arg5[%run_scoped3A_134, %run_scoped3A_135, %add3A_132, %dma_start3A_155] : memref<2x8x1024x1024xf32, #tpu.memory_space<hbm>> -> memref<1x1x1x1024xf32, #tpu.memory_space<hbm>>
        %dma_start3A_157 = tpu.memref_squeeze %dma_start3A_156 : memref<1x1x1x1024xf32, #tpu.memory_space<hbm>> -> memref<1024xf32, #tpu.memory_space<hbm>>
        %dma_start3A_158 = arith.constant 0 : i32
        %dma_start3A_159 = tpu.memref_slice %arg5[%run_scoped3A_134, %run_scoped3A_135, %add3A_132, %dma_start3A_158] : memref<2x8x1024x1024xf32, #tpu.memory_space<hbm>> -> memref<1x1x1x1024xf32, #tpu.memory_space<hbm>>
        %dma_start3A_160 = tpu.memref_squeeze %dma_start3A_159 : memref<1x1x1x1024xf32, #tpu.memory_space<hbm>> -> memref<1024xf32, #tpu.memory_space<hbm>>
        %dma_start3A_161 = arith.constant 1024 : i32
        %dma_start3A_162 = tpu.memref_slice %arg18[%run_scoped3A_133, %dma_start3A_161] : memref<16x2048xf32, #tpu.memory_space<vmem>> -> memref<1x1024xf32, #tpu.memory_space<vmem>>
        %dma_start3A_163 = tpu.memref_squeeze %dma_start3A_162 : memref<1x1024xf32, #tpu.memory_space<vmem>> -> memref<1024xf32, #tpu.memory_space<vmem>>
        tpu.enqueue_dma source(%dma_start3A_163 : memref<1024xf32, #tpu.memory_space<vmem>>) target(%dma_start3A_160 : memref<1024xf32, #tpu.memory_space<hbm>>) target_semaphore(%run_scoped3A_152 : memref<!tpu.dma_semaphore, #tpu.memory_space<semaphore_mem>>)
        %dma_wait3A = arith.constant 1024 : i32
        %dma_wait3A_164 = tpu.memref_slice %arg18[%run_scoped3A_133, %dma_wait3A] : memref<16x2048xf32, #tpu.memory_space<vmem>> -> memref<1x1024xf32, #tpu.memory_space<vmem>>
        %dma_wait3A_165 = tpu.memref_squeeze %dma_wait3A_164 : memref<1x1024xf32, #tpu.memory_space<vmem>> -> memref<1024xf32, #tpu.memory_space<vmem>>
        %dma_wait3A_166 = arith.constant 0 : i32
        %dma_wait3A_167 = tpu.memref_slice %arg5[%run_scoped3A_134, %run_scoped3A_135, %add3A_132, %dma_wait3A_166] : memref<2x8x1024x1024xf32, #tpu.memory_space<hbm>> -> memref<1x1x1x1024xf32, #tpu.memory_space<hbm>>
        %dma_wait3A_168 = tpu.memref_squeeze %dma_wait3A_167 : memref<1x1x1x1024xf32, #tpu.memory_space<hbm>> -> memref<1024xf32, #tpu.memory_space<hbm>>
        %dma_wait3A_169 = arith.constant 0 : i32
        %dma_wait3A_170 = tpu.memref_slice %arg5[%run_scoped3A_134, %run_scoped3A_135, %add3A_132, %dma_wait3A_169] : memref<2x8x1024x1024xf32, #tpu.memory_space<hbm>> -> memref<1x1x1x1024xf32, #tpu.memory_space<hbm>>
        %dma_wait3A_171 = tpu.memref_squeeze %dma_wait3A_170 : memref<1x1x1x1024xf32, #tpu.memory_space<hbm>> -> memref<1024xf32, #tpu.memory_space<hbm>>
        %dma_wait3A_172 = arith.constant 1024 : i32
        %dma_wait3A_173 = tpu.memref_slice %arg18[%run_scoped3A_133, %dma_wait3A_172] : memref<16x2048xf32, #tpu.memory_space<vmem>> -> memref<1x1024xf32, #tpu.memory_space<vmem>>
        %dma_wait3A_174 = tpu.memref_squeeze %dma_wait3A_173 : memref<1x1024xf32, #tpu.memory_space<vmem>> -> memref<1024xf32, #tpu.memory_space<vmem>>
        tpu.wait_dma2 semaphore(%run_scoped3A_152 : memref<!tpu.dma_semaphore, #tpu.memory_space<semaphore_mem>>) src(%dma_wait3A_174 : memref<1024xf32, #tpu.memory_space<vmem>>) dst(%dma_wait3A_171 : memref<1024xf32, #tpu.memory_space<hbm>>)
        tpu.yield
      }) : () -> ()
      %run_scoped3A_136 = arith.constant 14 : i32
      %run_scoped3A_137 = arith.constant 1 : i32
      %run_scoped3A_138 = arith.constant 6 : i32
      "tpu.region"() ({
        %run_scoped3A_152 = tpu.sem_alloc : memref<!tpu.dma_semaphore, #tpu.memory_space<semaphore_mem>>
        %dma_start3A = arith.constant 0 : i32
        %dma_start3A_153 = tpu.memref_slice %arg18[%run_scoped3A_136, %dma_start3A] : memref<16x2048xf32, #tpu.memory_space<vmem>> -> memref<1x1024xf32, #tpu.memory_space<vmem>>
        %dma_start3A_154 = tpu.memref_squeeze %dma_start3A_153 : memref<1x1024xf32, #tpu.memory_space<vmem>> -> memref<1024xf32, #tpu.memory_space<vmem>>
        %dma_start3A_155 = arith.constant 0 : i32
        %dma_start3A_156 = tpu.memref_slice %arg5[%run_scoped3A_137, %run_scoped3A_138, %add3A_24, %dma_start3A_155] : memref<2x8x1024x1024xf32, #tpu.memory_space<hbm>> -> memref<1x1x1x1024xf32, #tpu.memory_space<hbm>>
        %dma_start3A_157 = tpu.memref_squeeze %dma_start3A_156 : memref<1x1x1x1024xf32, #tpu.memory_space<hbm>> -> memref<1024xf32, #tpu.memory_space<hbm>>
        %dma_start3A_158 = arith.constant 0 : i32
        %dma_start3A_159 = tpu.memref_slice %arg5[%run_scoped3A_137, %run_scoped3A_138, %add3A_24, %dma_start3A_158] : memref<2x8x1024x1024xf32, #tpu.memory_space<hbm>> -> memref<1x1x1x1024xf32, #tpu.memory_space<hbm>>
        %dma_start3A_160 = tpu.memref_squeeze %dma_start3A_159 : memref<1x1x1x1024xf32, #tpu.memory_space<hbm>> -> memref<1024xf32, #tpu.memory_space<hbm>>
        %dma_start3A_161 = arith.constant 0 : i32
        %dma_start3A_162 = tpu.memref_slice %arg18[%run_scoped3A_136, %dma_start3A_161] : memref<16x2048xf32, #tpu.memory_space<vmem>> -> memref<1x1024xf32, #tpu.memory_space<vmem>>
        %dma_start3A_163 = tpu.memref_squeeze %dma_start3A_162 : memref<1x1024xf32, #tpu.memory_space<vmem>> -> memref<1024xf32, #tpu.memory_space<vmem>>
        tpu.enqueue_dma source(%dma_start3A_163 : memref<1024xf32, #tpu.memory_space<vmem>>) target(%dma_start3A_160 : memref<1024xf32, #tpu.memory_space<hbm>>) target_semaphore(%run_scoped3A_152 : memref<!tpu.dma_semaphore, #tpu.memory_space<semaphore_mem>>)
        %dma_wait3A = arith.constant 0 : i32
        %dma_wait3A_164 = tpu.memref_slice %arg18[%run_scoped3A_136, %dma_wait3A] : memref<16x2048xf32, #tpu.memory_space<vmem>> -> memref<1x1024xf32, #tpu.memory_space<vmem>>
        %dma_wait3A_165 = tpu.memref_squeeze %dma_wait3A_164 : memref<1x1024xf32, #tpu.memory_space<vmem>> -> memref<1024xf32, #tpu.memory_space<vmem>>
        %dma_wait3A_166 = arith.constant 0 : i32
        %dma_wait3A_167 = tpu.memref_slice %arg5[%run_scoped3A_137, %run_scoped3A_138, %add3A_24, %dma_wait3A_166] : memref<2x8x1024x1024xf32, #tpu.memory_space<hbm>> -> memref<1x1x1x1024xf32, #tpu.memory_space<hbm>>
        %dma_wait3A_168 = tpu.memref_squeeze %dma_wait3A_167 : memref<1x1x1x1024xf32, #tpu.memory_space<hbm>> -> memref<1024xf32, #tpu.memory_space<hbm>>
        %dma_wait3A_169 = arith.constant 0 : i32
        %dma_wait3A_170 = tpu.memref_slice %arg5[%run_scoped3A_137, %run_scoped3A_138, %add3A_24, %dma_wait3A_169] : memref<2x8x1024x1024xf32, #tpu.memory_space<hbm>> -> memref<1x1x1x1024xf32, #tpu.memory_space<hbm>>
        %dma_wait3A_171 = tpu.memref_squeeze %dma_wait3A_170 : memref<1x1x1x1024xf32, #tpu.memory_space<hbm>> -> memref<1024xf32, #tpu.memory_space<hbm>>
        %dma_wait3A_172 = arith.constant 0 : i32
        %dma_wait3A_173 = tpu.memref_slice %arg18[%run_scoped3A_136, %dma_wait3A_172] : memref<16x2048xf32, #tpu.memory_space<vmem>> -> memref<1x1024xf32, #tpu.memory_space<vmem>>
        %dma_wait3A_174 = tpu.memref_squeeze %dma_wait3A_173 : memref<1x1024xf32, #tpu.memory_space<vmem>> -> memref<1024xf32, #tpu.memory_space<vmem>>
        tpu.wait_dma2 semaphore(%run_scoped3A_152 : memref<!tpu.dma_semaphore, #tpu.memory_space<semaphore_mem>>) src(%dma_wait3A_174 : memref<1024xf32, #tpu.memory_space<vmem>>) dst(%dma_wait3A_171 : memref<1024xf32, #tpu.memory_space<hbm>>)
        tpu.yield
      }) : () -> ()
      %add3A_139 = arith.constant 1 : i32
      %add3A_140 = arith.addi %add3A_24, %add3A_139 : i32
      %run_scoped3A_141 = arith.constant 14 : i32
      %run_scoped3A_142 = arith.constant 1 : i32
      %run_scoped3A_143 = arith.constant 6 : i32
      "tpu.region"() ({
        %run_scoped3A_152 = tpu.sem_alloc : memref<!tpu.dma_semaphore, #tpu.memory_space<semaphore_mem>>
        %dma_start3A = arith.constant 1024 : i32
        %dma_start3A_153 = tpu.memref_slice %arg18[%run_scoped3A_141, %dma_start3A] : memref<16x2048xf32, #tpu.memory_space<vmem>> -> memref<1x1024xf32, #tpu.memory_space<vmem>>
        %dma_start3A_154 = tpu.memref_squeeze %dma_start3A_153 : memref<1x1024xf32, #tpu.memory_space<vmem>> -> memref<1024xf32, #tpu.memory_space<vmem>>
        %dma_start3A_155 = arith.constant 0 : i32
        %dma_start3A_156 = tpu.memref_slice %arg5[%run_scoped3A_142, %run_scoped3A_143, %add3A_140, %dma_start3A_155] : memref<2x8x1024x1024xf32, #tpu.memory_space<hbm>> -> memref<1x1x1x1024xf32, #tpu.memory_space<hbm>>
        %dma_start3A_157 = tpu.memref_squeeze %dma_start3A_156 : memref<1x1x1x1024xf32, #tpu.memory_space<hbm>> -> memref<1024xf32, #tpu.memory_space<hbm>>
        %dma_start3A_158 = arith.constant 0 : i32
        %dma_start3A_159 = tpu.memref_slice %arg5[%run_scoped3A_142, %run_scoped3A_143, %add3A_140, %dma_start3A_158] : memref<2x8x1024x1024xf32, #tpu.memory_space<hbm>> -> memref<1x1x1x1024xf32, #tpu.memory_space<hbm>>
        %dma_start3A_160 = tpu.memref_squeeze %dma_start3A_159 : memref<1x1x1x1024xf32, #tpu.memory_space<hbm>> -> memref<1024xf32, #tpu.memory_space<hbm>>
        %dma_start3A_161 = arith.constant 1024 : i32
        %dma_start3A_162 = tpu.memref_slice %arg18[%run_scoped3A_141, %dma_start3A_161] : memref<16x2048xf32, #tpu.memory_space<vmem>> -> memref<1x1024xf32, #tpu.memory_space<vmem>>
        %dma_start3A_163 = tpu.memref_squeeze %dma_start3A_162 : memref<1x1024xf32, #tpu.memory_space<vmem>> -> memref<1024xf32, #tpu.memory_space<vmem>>
        tpu.enqueue_dma source(%dma_start3A_163 : memref<1024xf32, #tpu.memory_space<vmem>>) target(%dma_start3A_160 : memref<1024xf32, #tpu.memory_space<hbm>>) target_semaphore(%run_scoped3A_152 : memref<!tpu.dma_semaphore, #tpu.memory_space<semaphore_mem>>)
        %dma_wait3A = arith.constant 1024 : i32
        %dma_wait3A_164 = tpu.memref_slice %arg18[%run_scoped3A_141, %dma_wait3A] : memref<16x2048xf32, #tpu.memory_space<vmem>> -> memref<1x1024xf32, #tpu.memory_space<vmem>>
        %dma_wait3A_165 = tpu.memref_squeeze %dma_wait3A_164 : memref<1x1024xf32, #tpu.memory_space<vmem>> -> memref<1024xf32, #tpu.memory_space<vmem>>
        %dma_wait3A_166 = arith.constant 0 : i32
        %dma_wait3A_167 = tpu.memref_slice %arg5[%run_scoped3A_142, %run_scoped3A_143, %add3A_140, %dma_wait3A_166] : memref<2x8x1024x1024xf32, #tpu.memory_space<hbm>> -> memref<1x1x1x1024xf32, #tpu.memory_space<hbm>>
        %dma_wait3A_168 = tpu.memref_squeeze %dma_wait3A_167 : memref<1x1x1x1024xf32, #tpu.memory_space<hbm>> -> memref<1024xf32, #tpu.memory_space<hbm>>
        %dma_wait3A_169 = arith.constant 0 : i32
        %dma_wait3A_170 = tpu.memref_slice %arg5[%run_scoped3A_142, %run_scoped3A_143, %add3A_140, %dma_wait3A_169] : memref<2x8x1024x1024xf32, #tpu.memory_space<hbm>> -> memref<1x1x1x1024xf32, #tpu.memory_space<hbm>>
        %dma_wait3A_171 = tpu.memref_squeeze %dma_wait3A_170 : memref<1x1x1x1024xf32, #tpu.memory_space<hbm>> -> memref<1024xf32, #tpu.memory_space<hbm>>
        %dma_wait3A_172 = arith.constant 1024 : i32
        %dma_wait3A_173 = tpu.memref_slice %arg18[%run_scoped3A_141, %dma_wait3A_172] : memref<16x2048xf32, #tpu.memory_space<vmem>> -> memref<1x1024xf32, #tpu.memory_space<vmem>>
        %dma_wait3A_174 = tpu.memref_squeeze %dma_wait3A_173 : memref<1x1024xf32, #tpu.memory_space<vmem>> -> memref<1024xf32, #tpu.memory_space<vmem>>
        tpu.wait_dma2 semaphore(%run_scoped3A_152 : memref<!tpu.dma_semaphore, #tpu.memory_space<semaphore_mem>>) src(%dma_wait3A_174 : memref<1024xf32, #tpu.memory_space<vmem>>) dst(%dma_wait3A_171 : memref<1024xf32, #tpu.memory_space<hbm>>)
        tpu.yield
      }) : () -> ()
      %run_scoped3A_144 = arith.constant 15 : i32
      %run_scoped3A_145 = arith.constant 1 : i32
      %run_scoped3A_146 = arith.constant 7 : i32
      "tpu.region"() ({
        %run_scoped3A_152 = tpu.sem_alloc : memref<!tpu.dma_semaphore, #tpu.memory_space<semaphore_mem>>
        %dma_start3A = arith.constant 0 : i32
        %dma_start3A_153 = tpu.memref_slice %arg18[%run_scoped3A_144, %dma_start3A] : memref<16x2048xf32, #tpu.memory_space<vmem>> -> memref<1x1024xf32, #tpu.memory_space<vmem>>
        %dma_start3A_154 = tpu.memref_squeeze %dma_start3A_153 : memref<1x1024xf32, #tpu.memory_space<vmem>> -> memref<1024xf32, #tpu.memory_space<vmem>>
        %dma_start3A_155 = arith.constant 0 : i32
        %dma_start3A_156 = tpu.memref_slice %arg5[%run_scoped3A_145, %run_scoped3A_146, %add3A_24, %dma_start3A_155] : memref<2x8x1024x1024xf32, #tpu.memory_space<hbm>> -> memref<1x1x1x1024xf32, #tpu.memory_space<hbm>>
        %dma_start3A_157 = tpu.memref_squeeze %dma_start3A_156 : memref<1x1x1x1024xf32, #tpu.memory_space<hbm>> -> memref<1024xf32, #tpu.memory_space<hbm>>
        %dma_start3A_158 = arith.constant 0 : i32
        %dma_start3A_159 = tpu.memref_slice %arg5[%run_scoped3A_145, %run_scoped3A_146, %add3A_24, %dma_start3A_158] : memref<2x8x1024x1024xf32, #tpu.memory_space<hbm>> -> memref<1x1x1x1024xf32, #tpu.memory_space<hbm>>
        %dma_start3A_160 = tpu.memref_squeeze %dma_start3A_159 : memref<1x1x1x1024xf32, #tpu.memory_space<hbm>> -> memref<1024xf32, #tpu.memory_space<hbm>>
        %dma_start3A_161 = arith.constant 0 : i32
        %dma_start3A_162 = tpu.memref_slice %arg18[%run_scoped3A_144, %dma_start3A_161] : memref<16x2048xf32, #tpu.memory_space<vmem>> -> memref<1x1024xf32, #tpu.memory_space<vmem>>
        %dma_start3A_163 = tpu.memref_squeeze %dma_start3A_162 : memref<1x1024xf32, #tpu.memory_space<vmem>> -> memref<1024xf32, #tpu.memory_space<vmem>>
        tpu.enqueue_dma source(%dma_start3A_163 : memref<1024xf32, #tpu.memory_space<vmem>>) target(%dma_start3A_160 : memref<1024xf32, #tpu.memory_space<hbm>>) target_semaphore(%run_scoped3A_152 : memref<!tpu.dma_semaphore, #tpu.memory_space<semaphore_mem>>)
        %dma_wait3A = arith.constant 0 : i32
        %dma_wait3A_164 = tpu.memref_slice %arg18[%run_scoped3A_144, %dma_wait3A] : memref<16x2048xf32, #tpu.memory_space<vmem>> -> memref<1x1024xf32, #tpu.memory_space<vmem>>
        %dma_wait3A_165 = tpu.memref_squeeze %dma_wait3A_164 : memref<1x1024xf32, #tpu.memory_space<vmem>> -> memref<1024xf32, #tpu.memory_space<vmem>>
        %dma_wait3A_166 = arith.constant 0 : i32
        %dma_wait3A_167 = tpu.memref_slice %arg5[%run_scoped3A_145, %run_scoped3A_146, %add3A_24, %dma_wait3A_166] : memref<2x8x1024x1024xf32, #tpu.memory_space<hbm>> -> memref<1x1x1x1024xf32, #tpu.memory_space<hbm>>
        %dma_wait3A_168 = tpu.memref_squeeze %dma_wait3A_167 : memref<1x1x1x1024xf32, #tpu.memory_space<hbm>> -> memref<1024xf32, #tpu.memory_space<hbm>>
        %dma_wait3A_169 = arith.constant 0 : i32
        %dma_wait3A_170 = tpu.memref_slice %arg5[%run_scoped3A_145, %run_scoped3A_146, %add3A_24, %dma_wait3A_169] : memref<2x8x1024x1024xf32, #tpu.memory_space<hbm>> -> memref<1x1x1x1024xf32, #tpu.memory_space<hbm>>
        %dma_wait3A_171 = tpu.memref_squeeze %dma_wait3A_170 : memref<1x1x1x1024xf32, #tpu.memory_space<hbm>> -> memref<1024xf32, #tpu.memory_space<hbm>>
        %dma_wait3A_172 = arith.constant 0 : i32
        %dma_wait3A_173 = tpu.memref_slice %arg18[%run_scoped3A_144, %dma_wait3A_172] : memref<16x2048xf32, #tpu.memory_space<vmem>> -> memref<1x1024xf32, #tpu.memory_space<vmem>>
        %dma_wait3A_174 = tpu.memref_squeeze %dma_wait3A_173 : memref<1x1024xf32, #tpu.memory_space<vmem>> -> memref<1024xf32, #tpu.memory_space<vmem>>
        tpu.wait_dma2 semaphore(%run_scoped3A_152 : memref<!tpu.dma_semaphore, #tpu.memory_space<semaphore_mem>>) src(%dma_wait3A_174 : memref<1024xf32, #tpu.memory_space<vmem>>) dst(%dma_wait3A_171 : memref<1024xf32, #tpu.memory_space<hbm>>)
        tpu.yield
      }) : () -> ()
      %add3A_147 = arith.constant 1 : i32
      %add3A_148 = arith.addi %add3A_24, %add3A_147 : i32
      %run_scoped3A_149 = arith.constant 15 : i32
      %run_scoped3A_150 = arith.constant 1 : i32
      %run_scoped3A_151 = arith.constant 7 : i32
      "tpu.region"() ({
        %run_scoped3A_152 = tpu.sem_alloc : memref<!tpu.dma_semaphore, #tpu.memory_space<semaphore_mem>>
        %dma_start3A = arith.constant 1024 : i32
        %dma_start3A_153 = tpu.memref_slice %arg18[%run_scoped3A_149, %dma_start3A] : memref<16x2048xf32, #tpu.memory_space<vmem>> -> memref<1x1024xf32, #tpu.memory_space<vmem>>
        %dma_start3A_154 = tpu.memref_squeeze %dma_start3A_153 : memref<1x1024xf32, #tpu.memory_space<vmem>> -> memref<1024xf32, #tpu.memory_space<vmem>>
        %dma_start3A_155 = arith.constant 0 : i32
        %dma_start3A_156 = tpu.memref_slice %arg5[%run_scoped3A_150, %run_scoped3A_151, %add3A_148, %dma_start3A_155] : memref<2x8x1024x1024xf32, #tpu.memory_space<hbm>> -> memref<1x1x1x1024xf32, #tpu.memory_space<hbm>>
        %dma_start3A_157 = tpu.memref_squeeze %dma_start3A_156 : memref<1x1x1x1024xf32, #tpu.memory_space<hbm>> -> memref<1024xf32, #tpu.memory_space<hbm>>
        %dma_start3A_158 = arith.constant 0 : i32
        %dma_start3A_159 = tpu.memref_slice %arg5[%run_scoped3A_150, %run_scoped3A_151, %add3A_148, %dma_start3A_158] : memref<2x8x1024x1024xf32, #tpu.memory_space<hbm>> -> memref<1x1x1x1024xf32, #tpu.memory_space<hbm>>
        %dma_start3A_160 = tpu.memref_squeeze %dma_start3A_159 : memref<1x1x1x1024xf32, #tpu.memory_space<hbm>> -> memref<1024xf32, #tpu.memory_space<hbm>>
        %dma_start3A_161 = arith.constant 1024 : i32
        %dma_start3A_162 = tpu.memref_slice %arg18[%run_scoped3A_149, %dma_start3A_161] : memref<16x2048xf32, #tpu.memory_space<vmem>> -> memref<1x1024xf32, #tpu.memory_space<vmem>>
        %dma_start3A_163 = tpu.memref_squeeze %dma_start3A_162 : memref<1x1024xf32, #tpu.memory_space<vmem>> -> memref<1024xf32, #tpu.memory_space<vmem>>
        tpu.enqueue_dma source(%dma_start3A_163 : memref<1024xf32, #tpu.memory_space<vmem>>) target(%dma_start3A_160 : memref<1024xf32, #tpu.memory_space<hbm>>) target_semaphore(%run_scoped3A_152 : memref<!tpu.dma_semaphore, #tpu.memory_space<semaphore_mem>>)
        %dma_wait3A = arith.constant 1024 : i32
        %dma_wait3A_164 = tpu.memref_slice %arg18[%run_scoped3A_149, %dma_wait3A] : memref<16x2048xf32, #tpu.memory_space<vmem>> -> memref<1x1024xf32, #tpu.memory_space<vmem>>
        %dma_wait3A_165 = tpu.memref_squeeze %dma_wait3A_164 : memref<1x1024xf32, #tpu.memory_space<vmem>> -> memref<1024xf32, #tpu.memory_space<vmem>>
        %dma_wait3A_166 = arith.constant 0 : i32
        %dma_wait3A_167 = tpu.memref_slice %arg5[%run_scoped3A_150, %run_scoped3A_151, %add3A_148, %dma_wait3A_166] : memref<2x8x1024x1024xf32, #tpu.memory_space<hbm>> -> memref<1x1x1x1024xf32, #tpu.memory_space<hbm>>
        %dma_wait3A_168 = tpu.memref_squeeze %dma_wait3A_167 : memref<1x1x1x1024xf32, #tpu.memory_space<hbm>> -> memref<1024xf32, #tpu.memory_space<hbm>>
        %dma_wait3A_169 = arith.constant 0 : i32
        %dma_wait3A_170 = tpu.memref_slice %arg5[%run_scoped3A_150, %run_scoped3A_151, %add3A_148, %dma_wait3A_169] : memref<2x8x1024x1024xf32, #tpu.memory_space<hbm>> -> memref<1x1x1x1024xf32, #tpu.memory_space<hbm>>
        %dma_wait3A_171 = tpu.memref_squeeze %dma_wait3A_170 : memref<1x1x1x1024xf32, #tpu.memory_space<hbm>> -> memref<1024xf32, #tpu.memory_space<hbm>>
        %dma_wait3A_172 = arith.constant 1024 : i32
        %dma_wait3A_173 = tpu.memref_slice %arg18[%run_scoped3A_149, %dma_wait3A_172] : memref<16x2048xf32, #tpu.memory_space<vmem>> -> memref<1x1024xf32, #tpu.memory_space<vmem>>
        %dma_wait3A_174 = tpu.memref_squeeze %dma_wait3A_173 : memref<1x1024xf32, #tpu.memory_space<vmem>> -> memref<1024xf32, #tpu.memory_space<vmem>>
        tpu.wait_dma2 semaphore(%run_scoped3A_152 : memref<!tpu.dma_semaphore, #tpu.memory_space<semaphore_mem>>) src(%dma_wait3A_174 : memref<1024xf32, #tpu.memory_space<vmem>>) dst(%dma_wait3A_171 : memref<1024xf32, #tpu.memory_space<hbm>>)
        tpu.yield
      }) : () -> ()
    }
    %scan3A_6 = arith.constant 16 : i32
    return
  }
}

</mosaic_0001>

<sc_bundles>
// kernel: kernel.3.cloned.1.call-start
scs
__scs_entry_jumppad:
0x0: {  	(pc) =	sbr.rel $0x88, $3  }
0x1: {  	(tag) =	ssettag $0x0;
	lr =	simm.s32 $0x1  }
0x2: {  	[smem:$0x3F9F] =	sst lr;
	_ =	strace $0xD0000000  }
0x3: {  	_ = 	snop  }
0x4: {  	_ = 	snop  }
0x5: {  	_ = 	snop  }
0x6: {  	_ = 	snop  }
0x7: {  	_ = 	snop  }
__scs_overlays_trampoline_lowered:
0x8: {  	[smem:$0x3FAE] =	sst s0  }
0x9: {  	[smem:$0x3FAF] =	sst s1  }
0xa: {  	[smem:$0x3FB0] =	sst s2  }
0xb: {  	[smem:$0x3FB1] =	sst s3  }
0xc: {  	[smem:$0x3FB2] =	sst s4  }
0xd: {  	[smem:$0x3FB3] =	sst s5  }
0xe: {  	[smem:$0x3FB4] =	sst s6  }
0xf: {  	[smem:$0x3FB5] =	sst s7  }
0x10: {  	[smem:$0x3FB6] =	sst s8  }
0x11: {  	[smem:$0x3FB7] =	sst s9;
	s0 =	simm.s32 @!p0 $0x0  }
0x12: {  	s1 =	sld [smem:$0x3F9D];
	s0 =	simm.s32 @p0 $0x1  }
0x13: {  	[smem:$0x3FB8] =	sst s0;
	s0 =	simm.s32 @!p1 $0x0  }
0x14: {  	s2 =	sld [smem:$0x3F9C];
	s0 =	simm.s32 @p1 $0x1  }
0x15: {  	[smem:$0x3FB9] =	sst s0;
	s0 =	simm.s32 @!p2 $0x0  }
0x16: {  	s3 =	sld [smem:$0x3FDB];
	s0 =	simm.s32 @p2 $0x1  }
0x17: {  	s4 =	simm.s32 $0x1BF5;
	[smem:$0x3FBB] =	sst s0  }
0x18: {  	s0 =	sld [smem:$0x3F9E];
	_ =	swait.ge [sflag:s4], $0x0  }
0x19: {  	s7 =	sld [smem:$0x3F9F]  }
0x1a: {  	s8 =	sadd.s32 $0xFFFFE003, lr  }
0x1b: {  	s9 =	sadd.s32 $0xFFFFFEF7, lr;
	s5 =	simm.s32 $0xFFFFFFFF;
	p2 =	slt.u32 s8, $0xFFFFF086  }
0x1c: {  	p1 =	slt.u32 s9, $0xF7A;
	s5 =	simm.s32 @!p2 $0x0  }
0x1d: {  	s5 =	simm.s32 @p1 $0x1;
	p0 =	seq.s32 s7, s2  }
0x1e: {  	s7 =	smul.u32 @!p0 $0xF7A, s2;
	p2 =	seq.s32 @!p0 s5, $0x0  }
0x1f: {  	s9 =	smul.u32 $0xF7A, s1;
	s8 =	simm.s32 @!p0 $0x1BF5;
	p2 =	por !p2, p0  }
0x20: {  	[sflag:s8] =	ssyncset.s32 @!p0 $0xFFFFF086;
	s6 =	sadd.s32 @!p0 s3, s7;
	s7 =	simm.s32 @!p0 $0x108  }
0x21: {  	s3 =	sadd.s32 s3, s9;
	s6 =	sadd.s32 @!p0 $0x88, s6;
	s7 =	simm.s32 @p2 $0x1082  }
0x22: {  	[simem:s7], [sflag:s8] =	dma.local @!p0 [hbm:s6], $0xF7A  }
0x23: {  	s9 =	sor.u32 $0xD0000000, s2;
	s6 =	simm.s32 $0x108;
	_ =	swait.ge @!p0 [sflag:s8], $0x0  }
0x24: {  	s3 =	sadd.s32 $0x88, s3;
	s6 =	simm.s32 @!p1 $0x1082;
	[sflag:s4] =	ssyncset.s32 $0xFFFFF086  }
0x25: {  	[simem:s6], [sflag:s4] =	dma.local [hbm:s3], $0xF7A  }
0x26: {  	[smem:$0x3F9F] =	sst s1;
	(tag) =	ssettag s2;
	_ =	strace s9  }
0x27: {  	s1 =	sld [smem:$0x3FAF]  }
0x28: {  	s2 =	sld [smem:$0x3FB0]  }
0x29: {  	s4 =	sld [smem:$0x3FB2]  }
0x2a: {  	p0 =	seq.s32 s5, $0x0;
	s5 =	sld [smem:$0x3FB3]  }
0x2b: {  	s6 =	sld [smem:$0x3FB4]  }
0x2c: {  	s7 =	sld [smem:$0x3FB5]  }
0x2d: {  	s3 =	simm.s32 $0x108;
	s8 =	sld [smem:$0x3FB6]  }
0x2e: {  	s3 =	simm.s32 @!p0 $0x1082;
	s9 =	sld [smem:$0x3FB7]  }
0x2f: {  	lr =	sadd.s32 s0, s3;
	s0 =	sld [smem:$0x3FAE]  }
0x30: {  	s3 =	sld [smem:$0x3FB1]  }
0x31: {  	[smem:$0x3FBA] =	sst s10  }
0x32: {  	s10 =	sld [smem:$0x3FB8];
	_ =	sdelay $0x3  }
0x33: {  	p0 =	seq.s32 s10, $0x1;
	s10 =	sld [smem:$0x3FBA];
	_ =	sdelay $0x3  }
0x34: {  	[smem:$0x3FBA] =	sst s10  }
0x35: {  	s10 =	sld [smem:$0x3FB9];
	_ =	sdelay $0x3  }
0x36: {  	p1 =	seq.s32 s10, $0x1;
	s10 =	sld [smem:$0x3FBA];
	_ =	sdelay $0x3  }
0x37: {  	[smem:$0x3FBA] =	sst s10  }
0x38: {  	s10 =	sld [smem:$0x3FBB]  }
0x39: {  	_ = 	snop;
	(pc) =	sbr.ind lr, $3  }
0x3a: {  	_ = 	snop  }
0x3b: {  	_ = 	snop  }
0x3c: {  	p2 =	seq.s32 s10, $0x1;
	s10 =	sld [smem:$0x3FBA]  }
0x3d: {  	_ =	shalt  }
0x3e: {  	_ =	shalt  }
0x3f: {  	_ =	shalt  }
0x40: {  	_ =	shalt  }
0x41: {  	_ =	shalt  }
0x42: {  	_ =	shalt  }
0x43: {  	_ =	shalt  }
0x44: {  	_ =	shalt  }
0x45: {  	_ =	shalt  }
0x46: {  	_ =	shalt  }
0x47: {  	_ =	shalt  }
0x48: {  	_ =	shalt  }
0x49: {  	_ =	shalt  }
0x4a: {  	_ =	shalt  }
0x4b: {  	_ =	shalt  }
0x4c: {  	_ =	shalt  }
0x4d: {  	_ =	shalt  }
0x4e: {  	_ =	shalt  }
0x4f: {  	_ =	shalt  }
0x50: {  	_ =	shalt  }
0x51: {  	_ =	shalt  }
0x52: {  	_ =	shalt  }
0x53: {  	_ =	shalt  }
0x54: {  	_ =	shalt  }
0x55: {  	_ =	shalt  }
0x56: {  	_ =	shalt  }
0x57: {  	_ =	shalt  }
0x58: {  	_ =	shalt  }
0x59: {  	_ =	shalt  }
0x5a: {  	_ =	shalt  }
0x5b: {  	_ =	shalt  }
0x5c: {  	_ =	shalt  }
0x5d: {  	_ =	shalt  }
0x5e: {  	_ =	shalt  }
0x5f: {  	_ =	shalt  }
0x60: {  	_ =	shalt  }
0x61: {  	_ =	shalt  }
0x62: {  	_ =	shalt  }
0x63: {  	_ =	shalt  }
0x64: {  	_ =	shalt  }
0x65: {  	_ =	shalt  }
0x66: {  	_ =	shalt  }
0x67: {  	_ =	shalt  }
0x68: {  	_ =	shalt  }
0x69: {  	_ =	shalt  }
0x6a: {  	_ =	shalt  }
0x6b: {  	_ =	shalt  }
0x6c: {  	_ =	shalt  }
0x6d: {  	_ =	shalt  }
0x6e: {  	_ =	shalt  }
0x6f: {  	_ =	shalt  }
0x70: {  	_ =	shalt  }
0x71: {  	_ =	shalt  }
0x72: {  	_ =	shalt  }
0x73: {  	_ =	shalt  }
0x74: {  	_ =	shalt  }
0x75: {  	_ =	shalt  }
0x76: {  	_ =	shalt  }
0x77: {  	_ =	shalt  }
0x78: {  	_ =	shalt  }
0x79: {  	_ =	shalt  }
0x7a: {  	_ =	shalt  }
0x7b: {  	_ =	shalt  }
0x7c: {  	_ =	shalt  }
0x7d: {  	_ =	shalt  }
0x7e: {  	_ =	shalt  }
0x7f: {  	_ =	shalt  }
0x80: {  	_ =	shalt  }
0x81: {  	_ =	shalt  }
0x82: {  	_ =	shalt  }
0x83: {  	_ =	shalt  }
0x84: {  	_ =	shalt  }
0x85: {  	_ =	shalt  }
0x86: {  	_ =	shalt  }
0x87: {  	_ =	shalt  }
.Lfunc_end0:
.L_simem_size_0:
called_computation_lowered:
.L_overlay_start_0:
0x88: {  	s2 =	sld [smem:$0x3FD9]  }
0x89: {  	s3 =	sld [smem:$0x3FFE];
	_ =	sdelay $0x1  }
0x8a: {  	s1 =	srdreg.scid  }
0x8b: {  	s0 =	sand.u32 $0x1, s1  }
0x8c: {  	s17 =	sshll.u32 s0, $0xA;
	s2 =	sadd.s32 s3, s2  }
0x8d: {  	s2 =	sadd.s32 s2, s17  }
0x8e: {  	[smem:$0x3FC6] =	sst s2  }
0x8f: {  	_ = 	snop  }
0x90: {  	s2 =	sld [smem:$0x3FD0];
	(tm) =	ssettm $0x1  }
0x91: {  	s18 =	sld [smem:$0x3FFB];
	_ =	sdelay $0x3  }
0x92: {  	_ =	strace s18  }
0x93: {  	s3 =	sld [smem:$0x3FFC];
	_ =	sdelay $0x3  }
0x94: {  	_ =	strace s3  }
0x95: {  	s3 =	sld [smem:$0x3FFD];
	_ =	sdelay $0x3  }
0x96: {  	_ =	strace s3  }
0x97: {  	_ =	strace $0x8FFFFFFF  }
0x98: {  	s19 =	sld [smem:$0x3FDB];
	_ =	sdelay $0x1  }
0x99: {  	s4 =	simm.s32 $_scs_section_size  }
0x9a: {  	s5 =	simm.s32 $_size__tile_overlayer_lowered;
	s6 =	simm.s32 $_tile_overlayer_lowered  }
0x9b: {  	s22 =	simm.s32 $0x1BFF;
	s21 =	sshll.u32 s6, $0x1;
	s3 =	sadd.s32 s4, s19  }
0x9c: {  	s7 =	simm.s32 $0x0;
	s20 =	sshll.u32 s5, $0x1;
	s5 =	sadd.s32 s21, s3  }
0x9d: {  	[timem:s7], [sflag:s22] =	dma.local [hbm:s5], s20  }
0x9e: {  	_ =	swait.ge [sflag:s22], s20  }
0x9f: {  	s4 =	ssub.s32 $0x0, s20;
	[sflag:s22] =	ssyncset.done $0x0  }
0xa0: {  	[sflag:s22] =	ssyncadd.s32 s4;
	_ =	sdelay $0x1  }
0xa1: {  	s23 =	simm.s32 $0x1B8B  }
0xa2: {  	_ =	swait.ge [sflag:s23], $0x1  }
0xa3: {  	[sflag:s23] =	ssyncset.done $0x0  }
0xa4: {  	s25 =	simm.s32 $0x1B8E;
	s24 =	sld [smem:$0x3FFE];
	[sflag:s23] =	ssyncadd.s32 $0xFFFFFFFF  }
0xa5: {  	s26 =	simm.s32 $execute0_lowered;
	[smem:$0x3FD2] =	sst s25  }
0xa6: {  	s5 =	sshll.u32 s26, $0x1;
	_ =	strace $0x80000046;
	[dreg:$0x1] =	wrdreg $0xFFFFFFFF  }
0xa7: {  	s28 =	simm.s32 $_size_execute0_lowered;
	s3 =	sadd.s32 s3, s5;
	[dreg:$0x0] =	wrdreg $0x0  }
0xa8: {  	s5 =	sshll.u32 s28, $0x1;
	[dreg:$0x2] =	wrdreg s3  }
0xa9: {  	[dreg:$0x3] =	wrdreg s5  }
0xaa: {  	[dreg:$0x4] =	wrdreg $0xC0  }
0xab: {  	_ =	task [dreg:s7], $0x5FFFF  }
0xac: {  	[dreg:$0x1] =	wrdreg $0xFFFFFFFF  }
0xad: {  	[dreg:$0x0] =	wrdreg $0x60  }
0xae: {  	[dreg:$0x2] =	wrdreg s2  }
0xaf: {  	[dreg:$0x3] =	wrdreg s24  }
0xb0: {  	[dreg:$0x4] =	wrdreg $0x9  }
0xb1: {  	_ =	task.clear_ibuf [dreg:s7], $0x5FFFF;
	_ =	strace $0x90000046  }
0xb2: {  	s29 =	simm.s32 $0x9;
	_ =	strace $0x80000048  }
0xb3: {  	_ =	swait.ge [sflag:s29], $0x1  }
0xb4: {  	[sflag:s29] =	ssyncadd.s32 $0xFFFFFFFF  }
0xb5: {  	_ =	strace $0x90000048  }
0xb6: {  	_ =	sfence  }
0xb7: {  	s30 =	sld [smem:$0x0];
	_ =	sdelay $0x2  }
0xb8: {  	s31 =	sshll.u32 s1, $0xD;
	s1 =	sshrl.u32 s1, $0x2  }
0xb9: {  	s3 =	sand.u32 $0x4000, s31;
	s1 =	sadd.s32 s1, s30  }
0xba: {  	s0 =	sor.u32 s3, s0;
	s1 =	sshll.u32 s1, $0x11  }
0xbb: {  	s0 =	sor.u32 s1, s0  }
0xbc: {  	s0 =	sadd.s32 $0x8F2B, s0  }
0xbd: {  	[sflag:s0] =	ssyncadd.remote.s32 $0x1  }
0xbe: {  	_ =	sfence.sel $0xFFFF  }
0xbf: {  	[dreg:$0x0] =	wrdreg $0xFFFFFFFF;
	(pc) =	sbr.abs _section_cstart, $3  }
0xc0: {  	[dreg:$0x1] =	wrdreg $0xFFFFFFFF  }
0xc1: {  	_ =	task.clear_ibuf [dreg:s7], $0x2FFFF;
	_ =	strace $0x9FFFFFFF  }
0xc2: {  	(tm) =	ssettm $0x7FFFFFFF  }
0xc3: {  	_ =	shalt  }
tec
execute0_lowered:
.L_overlay_start_1:
0x0: {  	(tag) =	ssettag $0x1  }
0x1: {  	s1 =	rddreg [dreg:$0x0]  }
0x2: {  	s11 =	rddreg [dreg:$0x1];
	s3 =	simm.s32 $0x0  }
0x3: {  	[smem:$0x7FF] =	sst s3;
	s5 =	sadd.s32 $0x40E00, s11  }
0x4: {  	s6 =	sadd.s32 $0x60E00, s11;
	_ =	strace $0x80000047;
	[dreg:$0x3] =	wrdreg s5  }
0x5: {  	s7 =	sadd.s32 $0x60E80, s11;
	[dreg:$0x7] =	wrdreg s6  }
0x6: {  	s8 =	sadd.s32 $0x80E00, s11;
	[dreg:$0x8] =	wrdreg s7  }
0x7: {  	s9 =	sadd.s32 $0x80E80, s11;
	[dreg:$0x9] =	wrdreg s8  }
0x8: {  	s10 =	sadd.s32 $0xA0E00, s11;
	[dreg:$0xa] =	wrdreg s9  }
0x9: {  	s12 =	sadd.s32 $0xA0E80, s11;
	[dreg:$0xb] =	wrdreg s10  }
0xa: {  	s13 =	sadd.s32 $0xC0E00, s11;
	[dreg:$0xc] =	wrdreg s12  }
0xb: {  	s14 =	sadd.s32 $0xC0E80, s11;
	[dreg:$0xd] =	wrdreg s13  }
0xc: {  	s15 =	sadd.s32 $0xE0E00, s11;
	[dreg:$0xe] =	wrdreg s14  }
0xd: {  	s16 =	sadd.s32 $0xE0E80, s11;
	[dreg:$0xf] =	wrdreg s15  }
0xe: {  	s17 =	sadd.s32 $0x100E00, s11;
	[dreg:$0x10] =	wrdreg s16  }
0xf: {  	s18 =	sadd.s32 $0x100E80, s11;
	[dreg:$0x11] =	wrdreg s17  }
0x10: {  	s19 =	sadd.s32 $0x120E00, s11;
	[dreg:$0x12] =	wrdreg s18  }
0x11: {  	s20 =	sadd.s32 $0x120E80, s11;
	[dreg:$0x13] =	wrdreg s19  }
0x12: {  	s21 =	sadd.s32 $0x140E00, s11;
	[dreg:$0x14] =	wrdreg s20  }
0x13: {  	s0 =	srdreg.scid;
	s22 =	sadd.s32 $0x140E80, s11;
	[dreg:$0x15] =	wrdreg s21  }
0x14: {  	s2 =	stileid.u32;
	s23 =	sadd.s32 $0x160E00, s11;
	[dreg:$0x16] =	wrdreg s22  }
0x15: {  	s0 =	sand.u32 $0x1, s0;
	s24 =	sadd.s32 $0x160E80, s11;
	[dreg:$0x17] =	wrdreg s23  }
0x16: {  	s2 =	sshll.u32 s2, $0x1;
	s25 =	sadd.s32 $0x180E00, s11;
	[dreg:$0x18] =	wrdreg s24  }
0x17: {  	s4 =	sadd.s32 $0x20E00, s11;
	s26 =	sadd.s32 $0x180E80, s11;
	[dreg:$0x19] =	wrdreg s25  }
0x18: {  	s28 =	sadd.s32 $0x1A0E00, s11;
	s29 =	sadd.s32 $0x1A0E80, s11;
	[dreg:$0x1a] =	wrdreg s26  }
0x19: {  	s30 =	sadd.s32 $0x1C0E00, s11;
	s2 =	sor.u32 s0, s2;
	[dreg:$0x1b] =	wrdreg s28  }
0x1a: {  	s5 =	sadd.s32 $0x40E80, s11;
	[dreg:$0x1c] =	wrdreg s29;
	s7 =	ssub.s32 $0x2, s0  }
0x1b: {  	[dreg:$0x1d] =	wrdreg s30;
	s6 =	sadd.s32 $0x1E0E80, s11;
	s9 =	sadd.s32 $0xE00, s11  }
0x1c: {  	s10 =	sadd.s32 $0x220E00, s11;
	s13 =	simm.s32 $0x80;
	s14 =	simm.s32 $0x200  }
0x1d: {  	s15 =	simm.s32 $0x400;
	s16 =	simm.s32 $0x280;
	s17 =	simm.s32 $0xC00  }
0x1e: {  	s18 =	simm.s32 $0x300;
	s19 =	simm.s32 $0x1400;
	s20 =	simm.s32 $0x380  }
0x1f: {  	s21 =	simm.s32 $0x1C00;
	s22 =	simm.s32 $0x1;
	s23 =	simm.s32 $0x0  }
0x20: {  	s31 =	sshll.u32 s2, $0xF;
	s2 =	sshll.u32 s2, $0xC;
	[dreg:$0x6] =	wrdreg s5  }
0x21: {  	s8 =	sshrl.u32 s7, $0x1;
	s5 =	sadd.s32 $0x1E0E00, s11;
	[dreg:$0x4] =	wrdreg s31  }
0x22: {  	[dreg:$0x5] =	wrdreg s2;
	s2 =	sadd.s32 $0x1C0E80, s11;
	s12 =	ssub.s32 s7, s8  }
0x23: {  	v0 =	vlaneseq.u32;
	s7 =	sadd.s32 $0x200E00, s11;
	s8 =	sadd.s32 $0x200E80, s11;
	s31 =	smax.u32 s12, $0x1  }
0x24: {  	v0 =	vmul.u32 $0x10, v0;
	s11 =	sadd.s32 $0x220E80, s11;
	s12 =	simm.s32 $0x2;
	[dreg:$0x1e] =	wrdreg s31  }
.LBB2_1:
0x25: {  	[dreg:$0x1f] =	wrdreg s23;
	s23 =	simm.s32 $0x0  }
.LBB2_2:
0x26: {  	s24 =	sshll.u32 s23, $0xB;
	s0 =	rddreg [dreg:$0x4];
	s25 =	simm.s32 $0x0  }
0x27: {  	s26 =	simm.s32 $0x2400;
	s28 =	simm.s32 $0x0;
	s24 =	sadd.s32 s0, s24  }
.LBB2_3:
0x28: {  	s29 =	sshll.u32 s28, $0x7  }
0x29: {  	s29 =	sadd.s32 s24, s29  }
0x2a: {  	s29 =	sshrl.u32 s29, $0x3  }
0x2b: {  	s30 =	sadd.s32 s4, s29  }
0x2c: {  	[tilespmem:s25], [sflag:$0x2] =	stream.linear.gather [hbm4b:s30+s25], $0x80, $0x38;
	[tilespmem:$0xA400] =	vst v63  }
0x2d: {  	_ =	swait.ge [sflag:s12], $0x80  }
0x2e: {  	[sflag:s12] =	ssyncset.done $0x0  }
0x2f: {  	s29 =	sadd.s32 s9, s29;
	[sflag:s12] =	ssyncadd.s32 $0xFFFFFF80  }
0x30: {  	[tilespmem:s13], [sflag:$0x2] =	stream.linear.gather [hbm4b:s29+s25], $0x80, $0x38;
	[tilespmem:$0xA400] =	vst v63  }
0x31: {  	_ =	swait.ge [sflag:s12], $0x80  }
0x32: {  	[sflag:s12] =	ssyncset.done $0x0  }
0x33: {  	[sflag:s12] =	ssyncadd.s32 $0xFFFFFF80  }
0x34: {  	v1 =	vld [tilespmem:$0x0]  }
0x35: {  	v2 =	vld [tilespmem:$0x80];
	_ =	sdelay $0x3  }
0x36: {  	v3 =	vtrunc.f32 v1  }
0x37: {  	v5 =	vld [tilespmem:$0x10];
	v4 =	vtrunc.f32 v2;
	v3 =	vcvt.f32.s32 v3  }
0x38: {  	v6 =	vld [tilespmem:$0x90];
	v4 =	vcvt.f32.s32 v4  }
0x39: {  	vm0 =	vlt.s32 v3, $0x1FE  }
0x3a: {  	v10 =	vld [tilespmem:$0x20];
	vm13 =	vlt.s32 v4, $0x1FE;
	v3 =	vnsel vm0, $0x1FE, v3  }
0x3b: {  	v4 =	vnsel vm13, $0x1FE, v4;
	v7 =	vcvt.s32.f32 v3  }
0x3c: {  	v9 =	vtrunc.f32 v5;
	v8 =	vcvt.s32.f32 v4  }
0x3d: {  	v1 =	vsub.f32 v1, v7;
	v7 =	vcvt.f32.s32 v9;
	v9 =	vtrunc.f32 v6  }
0x3e: {  	v2 =	vsub.f32 v2, v8;
	v8 =	vcvt.f32.s32 v9;
	v9 =	vld [tilespmem:$0xA0]  }
0x3f: {  	v11 =	vtrunc.f32 v10;
	v4 =	vshll.u32 v4, $0x9;
	[tilespmem:$0x100] =	vst v1;
	vm14 =	vlt.s32 v7, $0x1FE  }
0x40: {  	v1 =	vadd.s32 v3, v4;
	[tilespmem:$0x180] =	vst v2;
	v3 =	vnsel vm14, $0x1FE, v7;
	vm15 =	vlt.s32 v8, $0x1FE  }
0x41: {  	v2 =	vadd.s32 $0x1, v1;
	[tilespmem:$0x200] =	vst v1;
	v7 =	vnsel vm15, $0x1FE, v8;
	v8 =	vcvt.s32.f32 v3  }
0x42: {  	v4 =	vadd.s32 $0x200, v1;
	v1 =	vadd.s32 $0x201, v1;
	[tilespmem:$0x280] =	vst v2;
	v2 =	vcvt.s32.f32 v7  }
0x43: {  	[tilespmem:$0x300] =	vst v4;
	v4 =	vsub.f32 v5, v8;
	v5 =	vcvt.f32.s32 v11;
	v8 =	vtrunc.f32 v9;
	v11 =	vld [tilespmem:$0x30]  }
0x44: {  	[tilespmem:$0x380] =	vst v1;
	v1 =	vsub.f32 v6, v2;
	v2 =	vshll.u32 v7, $0x9;
	v6 =	vcvt.f32.s32 v8;
	v7 =	vld [tilespmem:$0xB0]  }
0x45: {  	[tilespmem:$0x110] =	vst v4;
	v2 =	vadd.s32 v3, v2;
	vm4 =	vlt.s32 v5, $0x1FE  }
0x46: {  	[tilespmem:$0x190] =	vst v1;
	v1 =	vadd.s32 $0x1, v2;
	v3 =	vnsel vm4, $0x1FE, v5;
	vm5 =	vlt.s32 v6, $0x1FE  }
0x47: {  	[tilespmem:$0x210] =	vst v2;
	v4 =	vadd.s32 $0x200, v2;
	v5 =	vnsel vm5, $0x1FE, v6;
	v6 =	vcvt.s32.f32 v3  }
0x48: {  	[tilespmem:$0x290] =	vst v1;
	v1 =	vadd.s32 $0x201, v2;
	v2 =	vcvt.s32.f32 v5;
	v8 =	vtrunc.f32 v11  }
0x49: {  	[tilespmem:$0x310] =	vst v4;
	v4 =	vsub.f32 v10, v6;
	v6 =	vcvt.f32.s32 v8;
	v8 =	vtrunc.f32 v7;
	v10 =	vld [tilespmem:$0x40]  }
0x4a: {  	[tilespmem:$0x390] =	vst v1;
	v1 =	vsub.f32 v9, v2;
	v2 =	vshll.u32 v5, $0x9;
	v5 =	vcvt.f32.s32 v8;
	v8 =	vld [tilespmem:$0xC0]  }
0x4b: {  	[tilespmem:$0x120] =	vst v4;
	v2 =	vadd.s32 v3, v2;
	vm6 =	vlt.s32 v6, $0x1FE  }
0x4c: {  	[tilespmem:$0x1A0] =	vst v1;
	v1 =	vadd.s32 $0x1, v2;
	v3 =	vnsel vm6, $0x1FE, v6;
	vm7 =	vlt.s32 v5, $0x1FE  }
0x4d: {  	[tilespmem:$0x220] =	vst v2;
	v4 =	vadd.s32 $0x200, v2;
	v5 =	vnsel vm7, $0x1FE, v5;
	v6 =	vcvt.s32.f32 v3  }
0x4e: {  	[tilespmem:$0x2A0] =	vst v1;
	v1 =	vadd.s32 $0x201, v2;
	v2 =	vcvt.s32.f32 v5;
	v9 =	vtrunc.f32 v10  }
0x4f: {  	[tilespmem:$0x320] =	vst v4;
	v4 =	vsub.f32 v11, v6;
	v6 =	vcvt.f32.s32 v9;
	v9 =	vtrunc.f32 v8;
	v11 =	vld [tilespmem:$0x50]  }
0x50: {  	[tilespmem:$0x3A0] =	vst v1;
	v1 =	vsub.f32 v7, v2;
	v2 =	vshll.u32 v5, $0x9;
	v5 =	vcvt.f32.s32 v9;
	v7 =	vld [tilespmem:$0xD0]  }
0x51: {  	[tilespmem:$0x130] =	vst v4;
	v2 =	vadd.s32 v3, v2;
	vm8 =	vlt.s32 v6, $0x1FE  }
0x52: {  	[tilespmem:$0x1B0] =	vst v1;
	v1 =	vadd.s32 $0x1, v2;
	v3 =	vnsel vm8, $0x1FE, v6;
	vm9 =	vlt.s32 v5, $0x1FE  }
0x53: {  	[tilespmem:$0x230] =	vst v2;
	v4 =	vadd.s32 $0x200, v2;
	v5 =	vnsel vm9, $0x1FE, v5;
	v6 =	vcvt.s32.f32 v3  }
0x54: {  	[tilespmem:$0x2B0] =	vst v1;
	v1 =	vadd.s32 $0x201, v2;
	v2 =	vcvt.s32.f32 v5;
	v9 =	vtrunc.f32 v11  }
0x55: {  	[tilespmem:$0x330] =	vst v4;
	v4 =	vsub.f32 v10, v6;
	v6 =	vcvt.f32.s32 v9;
	v9 =	vtrunc.f32 v7;
	v10 =	vld [tilespmem:$0x60]  }
0x56: {  	[tilespmem:$0x3B0] =	vst v1;
	v1 =	vsub.f32 v8, v2;
	v2 =	vshll.u32 v5, $0x9;
	v5 =	vcvt.f32.s32 v9;
	v8 =	vld [tilespmem:$0xE0]  }
0x57: {  	[tilespmem:$0x140] =	vst v4;
	v2 =	vadd.s32 v3, v2;
	vm10 =	vlt.s32 v6, $0x1FE  }
0x58: {  	[tilespmem:$0x1C0] =	vst v1;
	v1 =	vadd.s32 $0x1, v2;
	v3 =	vnsel vm10, $0x1FE, v6;
	vm11 =	vlt.s32 v5, $0x1FE  }
0x59: {  	[tilespmem:$0x240] =	vst v2;
	v4 =	vadd.s32 $0x200, v2;
	v5 =	vnsel vm11, $0x1FE, v5;
	v6 =	vcvt.s32.f32 v3  }
0x5a: {  	[tilespmem:$0x2C0] =	vst v1;
	v1 =	vadd.s32 $0x201, v2;
	v2 =	vcvt.s32.f32 v5;
	v9 =	vtrunc.f32 v10  }
0x5b: {  	[tilespmem:$0x340] =	vst v4;
	v4 =	vsub.f32 v11, v6;
	v6 =	vcvt.f32.s32 v9;
	v9 =	vtrunc.f32 v8;
	v11 =	vld [tilespmem:$0x70]  }
0x5c: {  	[tilespmem:$0x3C0] =	vst v1;
	v1 =	vsub.f32 v7, v2;
	v2 =	vshll.u32 v5, $0x9;
	v5 =	vcvt.f32.s32 v9;
	v7 =	vld [tilespmem:$0xF0]  }
0x5d: {  	[tilespmem:$0x150] =	vst v4;
	v2 =	vadd.s32 v3, v2;
	vm12 =	vlt.s32 v6, $0x1FE  }
0x5e: {  	[tilespmem:$0x1D0] =	vst v1;
	v1 =	vadd.s32 $0x1, v2;
	v3 =	vnsel vm12, $0x1FE, v6;
	vm13 =	vlt.s32 v5, $0x1FE  }
0x5f: {  	[tilespmem:$0x250] =	vst v2;
	v4 =	vadd.s32 $0x200, v2;
	v5 =	vnsel vm13, $0x1FE, v5;
	v6 =	vcvt.s32.f32 v3  }
0x60: {  	[tilespmem:$0x2D0] =	vst v1;
	v1 =	vadd.s32 $0x201, v2;
	v2 =	vcvt.s32.f32 v5;
	v9 =	vtrunc.f32 v11  }
0x61: {  	[tilespmem:$0x350] =	vst v4;
	v4 =	vsub.f32 v10, v6;
	v6 =	vcvt.f32.s32 v9;
	v9 =	vtrunc.f32 v7  }
0x62: {  	[tilespmem:$0x3D0] =	vst v1;
	v1 =	vsub.f32 v8, v2;
	v2 =	vcvt.f32.s32 v9  }
0x63: {  	[tilespmem:$0x160] =	vst v4;
	v4 =	vshll.u32 v5, $0x9;
	vm14 =	vlt.s32 v6, $0x1FE  }
0x64: {  	[tilespmem:$0x1E0] =	vst v1;
	v1 =	vadd.s32 v3, v4;
	v3 =	vnsel vm14, $0x1FE, v6;
	vm15 =	vlt.s32 v2, $0x1FE  }
0x65: {  	[tilespmem:$0x260] =	vst v1;
	v4 =	vadd.s32 $0x1, v1;
	v2 =	vnsel vm15, $0x1FE, v2;
	v5 =	vcvt.s32.f32 v3  }
0x66: {  	[tilespmem:$0x2E0] =	vst v4;
	v4 =	vadd.s32 $0x200, v1;
	v6 =	vcvt.s32.f32 v2  }
0x67: {  	v1 =	vadd.s32 $0x201, v1;
	[tilespmem:$0x360] =	vst v4;
	v4 =	vsub.f32 v11, v5  }
0x68: {  	[tilespmem:$0x3E0] =	vst v1;
	v1 =	vsub.f32 v7, v6  }
0x69: {  	v2 =	vshll.u32 v2, $0x9;
	[tilespmem:$0x170] =	vst v4  }
0x6a: {  	[tilespmem:$0x1F0] =	vst v1;
	v1 =	vadd.s32 v3, v2  }
0x6b: {  	[tilespmem:$0x270] =	vst v1;
	v2 =	vadd.s32 $0x1, v1  }
0x6c: {  	[tilespmem:$0x2F0] =	vst v2;
	v2 =	vadd.s32 $0x200, v1  }
0x6d: {  	v1 =	vadd.s32 $0x201, v1;
	[tilespmem:$0x370] =	vst v2  }
0x6e: {  	[tilespmem:$0x3F0] =	vst v1  }
0x6f: {  	[tilespmem:s15], [sflag:$0x1] =	stream.indirect.gather [hbm4b:s1+s13], $0x10, s14, s13, $0xb8;
	[tilespmem:$0xA400] =	vst v63  }
0x70: {  	_ = 	snop  }
0x71: {  	[tilespmem:s17], [sflag:$0x1] =	stream.indirect.gather [hbm4b:s1+s13], $0x10, s16, s13, $0xb8;
	[tilespmem:$0xA400] =	vst v63  }
0x72: {  	_ = 	snop  }
0x73: {  	[tilespmem:s19], [sflag:$0x1] =	stream.indirect.gather [hbm4b:s1+s13], $0x10, s18, s13, $0xb8;
	[tilespmem:$0xA400] =	vst v63  }
0x74: {  	_ = 	snop  }
0x75: {  	[tilespmem:s21], [sflag:$0x1] =	stream.indirect.gather [hbm4b:s1+s13], $0x10, s20, s13, $0xb8;
	[tilespmem:$0xA400] =	vst v63  }
0x76: {  	_ =	swait.ge [sflag:s22], $0x800  }
0x77: {  	[sflag:s22] =	ssyncset.done $0x0  }
0x78: {  	[sflag:s22] =	ssyncadd.s32 $0xFFFFF800  }
0x79: {  	_ =	swait.ge [sflag:s22], $0x800  }
0x7a: {  	[sflag:s22] =	ssyncset.done $0x0  }
0x7b: {  	[sflag:s22] =	ssyncadd.s32 $0xFFFFF800  }
0x7c: {  	_ =	swait.ge [sflag:s22], $0x800  }
0x7d: {  	[sflag:s22] =	ssyncset.done $0x0  }
0x7e: {  	[sflag:s22] =	ssyncadd.s32 $0xFFFFF800  }
0x7f: {  	v1 =	vmov s25;
	_ =	swait.ge [sflag:s22], $0x800  }
0x80: {  	v1 =	vshll.u32 v1, $0x4;
	[sflag:s22] =	ssyncset.done $0x0  }
0x81: {  	s29 =	simm.s32 $0x0;
	v2 =	vor.u32 v0, v1;
	[sflag:s22] =	ssyncadd.s32 $0xFFFFF800  }
0x82: {  	v1 =	vld [tilespmem:s29+$0x100]  }
0x83: {  	v6 =	vld [tilespmem:s29+$0x180];
	_ =	sdelay $0x2  }
0x84: {  	v7 =	vld.idx.msk [tilespmem:v2+s15+$0x0], $0xffff  }
0x85: {  	v8 =	vld.idx.msk [tilespmem:v2+s17+$0x0], $0xffff  }
0x86: {  	v3 =	vsub.f32 $1.000000000e+00, v1;
	v4 =	vsub.f32 $1.000000000e+00, v6  }
0x87: {  	v9 =	vld.idx.msk [tilespmem:v2+s19+$0x0], $0xffff  }
0x88: {  	v5 =	vmul.f32 v4, v3;
	v4 =	vmul.f32 v4, v1  }
0x89: {  	v10 =	vld.idx.msk [tilespmem:v2+s21+$0x0], $0xffff;
	v3 =	vmul.f32 v3, v6  }
0x8a: {  	v7 =	vmul.f32 v5, v7;
	v8 =	vmul.f32 v8, v4;
	_ =	sdelay $0x1  }
0x8b: {  	v6 =	vmul.f32 v6, v1;
	v9 =	vmul.f32 v9, v3;
	v7 =	vadd.f32 v8, v7  }
0x8c: {  	v1 =	vmov s26  }
0x8d: {  	v8 =	vmul.f32 v10, v6;
	v7 =	vadd.f32 v9, v7;
	v9 =	vor.u32 $0x1, v2;
	_ =	sdelay $0x1  }
0x8e: {  	v7 =	vadd.f32 v8, v7;
	_ =	sdelay $0x1  }
0x8f: {  	[tilespmem:v1+s29+$0x0 ss:$0x1] =	vst.idx.msk $0xffff, v7  }
0x90: {  	v7 =	vld.idx.msk [tilespmem:v9+s15+$0x0], $0xffff  }
0x91: {  	v8 =	vld.idx.msk [tilespmem:v9+s17+$0x0], $0xffff;
	_ =	sdelay $0x1  }
0x92: {  	v10 =	vld.idx.msk [tilespmem:v9+s19+$0x0], $0xffff;
	_ =	sdelay $0x1  }
0x93: {  	v9 =	vld.idx.msk [tilespmem:v9+s21+$0x0], $0xffff  }
0x94: {  	v7 =	vmul.f32 v7, v5;
	v8 =	vmul.f32 v8, v4;
	_ =	sdelay $0x1  }
0x95: {  	v7 =	vadd.f32 v8, v7;
	v8 =	vmul.f32 v10, v3;
	_ =	sdelay $0x1  }
0x96: {  	v7 =	vadd.f32 v8, v7;
	v8 =	vmul.f32 v9, v6;
	v9 =	vor.u32 $0x2, v2;
	_ =	sdelay $0x1  }
0x97: {  	v7 =	vadd.f32 v8, v7;
	_ =	sdelay $0x1  }
0x98: {  	[tilespmem:v1+s29+$0x800 ss:$0x1] =	vst.idx.msk $0xffff, v7  }
0x99: {  	v7 =	vld.idx.msk [tilespmem:v9+s15+$0x0], $0xffff  }
0x9a: {  	v8 =	vld.idx.msk [tilespmem:v9+s17+$0x0], $0xffff;
	_ =	sdelay $0x1  }
0x9b: {  	v10 =	vld.idx.msk [tilespmem:v9+s19+$0x0], $0xffff;
	_ =	sdelay $0x1  }
0x9c: {  	v9 =	vld.idx.msk [tilespmem:v9+s21+$0x0], $0xffff  }
0x9d: {  	v7 =	vmul.f32 v7, v5;
	v8 =	vmul.f32 v8, v4;
	_ =	sdelay $0x1  }
0x9e: {  	v7 =	vadd.f32 v8, v7;
	v8 =	vmul.f32 v10, v3;
	_ =	sdelay $0x1  }
0x9f: {  	v7 =	vadd.f32 v8, v7;
	v8 =	vmul.f32 v9, v6;
	v9 =	vor.u32 $0x3, v2;
	_ =	sdelay $0x1  }
0xa0: {  	v7 =	vadd.f32 v8, v7;
	_ =	sdelay $0x1  }
0xa1: {  	[tilespmem:v1+s29+$0x1000 ss:$0x1] =	vst.idx.msk $0xffff, v7  }
0xa2: {  	v7 =	vld.idx.msk [tilespmem:v9+s17+$0x0], $0xffff  }
0xa3: {  	v8 =	vld.idx.msk [tilespmem:v9+s15+$0x0], $0xffff;
	_ =	sdelay $0x1  }
0xa4: {  	v10 =	vld.idx.msk [tilespmem:v9+s19+$0x0], $0xffff;
	_ =	sdelay $0x1  }
0xa5: {  	v9 =	vld.idx.msk [tilespmem:v9+s21+$0x0], $0xffff  }
0xa6: {  	v7 =	vmul.f32 v7, v4;
	v8 =	vmul.f32 v8, v5;
	_ =	sdelay $0x1  }
0xa7: {  	v7 =	vadd.f32 v7, v8;
	v8 =	vmul.f32 v10, v3;
	_ =	sdelay $0x1  }
0xa8: {  	v7 =	vadd.f32 v8, v7;
	v8 =	vmul.f32 v9, v6;
	v9 =	vor.u32 $0x4, v2;
	_ =	sdelay $0x1  }
0xa9: {  	v7 =	vadd.f32 v8, v7;
	_ =	sdelay $0x1  }
0xaa: {  	[tilespmem:v1+s29+$0x1800 ss:$0x1] =	vst.idx.msk $0xffff, v7  }
0xab: {  	v7 =	vld.idx.msk [tilespmem:v9+s15+$0x0], $0xffff  }
0xac: {  	v8 =	vld.idx.msk [tilespmem:v9+s17+$0x0], $0xffff;
	_ =	sdelay $0x1  }
0xad: {  	v10 =	vld.idx.msk [tilespmem:v9+s19+$0x0], $0xffff;
	_ =	sdelay $0x1  }
0xae: {  	v9 =	vld.idx.msk [tilespmem:v9+s21+$0x0], $0xffff  }
0xaf: {  	v7 =	vmul.f32 v7, v5;
	v8 =	vmul.f32 v8, v4;
	_ =	sdelay $0x1  }
0xb0: {  	v10 =	vmul.f32 v10, v3;
	v7 =	vadd.f32 v8, v7;
	_ =	sdelay $0x1  }
0xb1: {  	v8 =	vmul.f32 v9, v6;
	v9 =	vor.u32 $0x5, v2;
	v7 =	vadd.f32 v10, v7;
	_ =	sdelay $0x1  }
0xb2: {  	v7 =	vadd.f32 v8, v7;
	_ =	sdelay $0x1  }
0xb3: {  	[tilespmem:v1+s29+$0x2000 ss:$0x1] =	vst.idx.msk $0xffff, v7  }
0xb4: {  	v7 =	vld.idx.msk [tilespmem:v9+s15+$0x0], $0xffff  }
0xb5: {  	v8 =	vld.idx.msk [tilespmem:v9+s17+$0x0], $0xffff;
	_ =	sdelay $0x1  }
0xb6: {  	v10 =	vld.idx.msk [tilespmem:v9+s19+$0x0], $0xffff;
	_ =	sdelay $0x1  }
0xb7: {  	v9 =	vld.idx.msk [tilespmem:v9+s21+$0x0], $0xffff  }
0xb8: {  	v7 =	vmul.f32 v7, v5;
	v8 =	vmul.f32 v8, v4;
	_ =	sdelay $0x1  }
0xb9: {  	v10 =	vmul.f32 v10, v3;
	v7 =	vadd.f32 v8, v7;
	_ =	sdelay $0x1  }
0xba: {  	v8 =	vmul.f32 v9, v6;
	v9 =	vor.u32 $0x6, v2;
	v7 =	vadd.f32 v10, v7;
	_ =	sdelay $0x1  }
0xbb: {  	v7 =	vadd.f32 v8, v7;
	_ =	sdelay $0x1  }
0xbc: {  	[tilespmem:v1+s29+$0x2800 ss:$0x1] =	vst.idx.msk $0xffff, v7  }
0xbd: {  	v7 =	vld.idx.msk [tilespmem:v9+s15+$0x0], $0xffff  }
0xbe: {  	v8 =	vld.idx.msk [tilespmem:v9+s17+$0x0], $0xffff;
	_ =	sdelay $0x1  }
0xbf: {  	v10 =	vld.idx.msk [tilespmem:v9+s19+$0x0], $0xffff;
	_ =	sdelay $0x1  }
0xc0: {  	v9 =	vld.idx.msk [tilespmem:v9+s21+$0x0], $0xffff  }
0xc1: {  	v7 =	vmul.f32 v7, v5;
	v8 =	vmul.f32 v8, v4;
	_ =	sdelay $0x1  }
0xc2: {  	v7 =	vadd.f32 v8, v7;
	v8 =	vmul.f32 v10, v3;
	_ =	sdelay $0x1  }
0xc3: {  	v9 =	vmul.f32 v9, v6;
	v7 =	vadd.f32 v8, v7;
	v8 =	vor.u32 $0x7, v2;
	_ =	sdelay $0x1  }
0xc4: {  	v7 =	vadd.f32 v9, v7;
	_ =	sdelay $0x1  }
0xc5: {  	[tilespmem:v1+s29+$0x3000 ss:$0x1] =	vst.idx.msk $0xffff, v7  }
0xc6: {  	v7 =	vld.idx.msk [tilespmem:v8+s15+$0x0], $0xffff  }
0xc7: {  	v9 =	vld.idx.msk [tilespmem:v8+s17+$0x0], $0xffff;
	_ =	sdelay $0x1  }
0xc8: {  	v10 =	vld.idx.msk [tilespmem:v8+s19+$0x0], $0xffff;
	_ =	sdelay $0x1  }
0xc9: {  	v8 =	vld.idx.msk [tilespmem:v8+s21+$0x0], $0xffff  }
0xca: {  	v7 =	vmul.f32 v7, v5;
	v9 =	vmul.f32 v9, v4;
	_ =	sdelay $0x1  }
0xcb: {  	v10 =	vmul.f32 v10, v3;
	v7 =	vadd.f32 v9, v7;
	_ =	sdelay $0x1  }
0xcc: {  	v8 =	vmul.f32 v8, v6;
	v9 =	vor.u32 $0x8, v2;
	v7 =	vadd.f32 v10, v7;
	_ =	sdelay $0x1  }
0xcd: {  	v7 =	vadd.f32 v8, v7;
	_ =	sdelay $0x1  }
0xce: {  	[tilespmem:v1+s29+$0x3800 ss:$0x1] =	vst.idx.msk $0xffff, v7  }
0xcf: {  	v7 =	vld.idx.msk [tilespmem:v9+s15+$0x0], $0xffff  }
0xd0: {  	v8 =	vld.idx.msk [tilespmem:v9+s17+$0x0], $0xffff;
	_ =	sdelay $0x1  }
0xd1: {  	v10 =	vld.idx.msk [tilespmem:v9+s19+$0x0], $0xffff;
	_ =	sdelay $0x1  }
0xd2: {  	v9 =	vld.idx.msk [tilespmem:v9+s21+$0x0], $0xffff  }
0xd3: {  	v7 =	vmul.f32 v7, v5;
	v8 =	vmul.f32 v8, v4;
	_ =	sdelay $0x1  }
0xd4: {  	v10 =	vmul.f32 v10, v3;
	v7 =	vadd.f32 v8, v7;
	_ =	sdelay $0x1  }
0xd5: {  	v8 =	vmul.f32 v9, v6;
	v9 =	vor.u32 $0x9, v2;
	v7 =	vadd.f32 v10, v7;
	_ =	sdelay $0x1  }
0xd6: {  	v7 =	vadd.f32 v8, v7;
	_ =	sdelay $0x1  }
0xd7: {  	[tilespmem:v1+s29+$0x4000 ss:$0x1] =	vst.idx.msk $0xffff, v7  }
0xd8: {  	v7 =	vld.idx.msk [tilespmem:v9+s15+$0x0], $0xffff  }
0xd9: {  	v8 =	vld.idx.msk [tilespmem:v9+s17+$0x0], $0xffff;
	_ =	sdelay $0x1  }
0xda: {  	v10 =	vld.idx.msk [tilespmem:v9+s19+$0x0], $0xffff;
	_ =	sdelay $0x1  }
0xdb: {  	v9 =	vld.idx.msk [tilespmem:v9+s21+$0x0], $0xffff  }
0xdc: {  	v7 =	vmul.f32 v7, v5;
	v8 =	vmul.f32 v8, v4;
	_ =	sdelay $0x1  }
0xdd: {  	v10 =	vmul.f32 v10, v3;
	v7 =	vadd.f32 v8, v7;
	_ =	sdelay $0x1  }
0xde: {  	v8 =	vmul.f32 v9, v6;
	v9 =	vor.u32 $0xA, v2;
	v7 =	vadd.f32 v10, v7;
	_ =	sdelay $0x1  }
0xdf: {  	v7 =	vadd.f32 v8, v7;
	_ =	sdelay $0x1  }
0xe0: {  	[tilespmem:v1+s29+$0x4800 ss:$0x1] =	vst.idx.msk $0xffff, v7  }
0xe1: {  	v7 =	vld.idx.msk [tilespmem:v9+s15+$0x0], $0xffff  }
0xe2: {  	v8 =	vld.idx.msk [tilespmem:v9+s17+$0x0], $0xffff;
	_ =	sdelay $0x1  }
0xe3: {  	v10 =	vld.idx.msk [tilespmem:v9+s19+$0x0], $0xffff;
	_ =	sdelay $0x1  }
0xe4: {  	v9 =	vld.idx.msk [tilespmem:v9+s21+$0x0], $0xffff  }
0xe5: {  	v7 =	vmul.f32 v7, v5;
	v8 =	vmul.f32 v8, v4;
	_ =	sdelay $0x1  }
0xe6: {  	v10 =	vmul.f32 v10, v3;
	v7 =	vadd.f32 v8, v7;
	_ =	sdelay $0x1  }
0xe7: {  	v8 =	vmul.f32 v9, v6;
	v9 =	vor.u32 $0xB, v2;
	v7 =	vadd.f32 v10, v7;
	_ =	sdelay $0x1  }
0xe8: {  	v7 =	vadd.f32 v8, v7;
	_ =	sdelay $0x1  }
0xe9: {  	[tilespmem:v1+s29+$0x5000 ss:$0x1] =	vst.idx.msk $0xffff, v7  }
0xea: {  	v7 =	vld.idx.msk [tilespmem:v9+s15+$0x0], $0xffff  }
0xeb: {  	v8 =	vld.idx.msk [tilespmem:v9+s17+$0x0], $0xffff;
	_ =	sdelay $0x1  }
0xec: {  	v10 =	vld.idx.msk [tilespmem:v9+s19+$0x0], $0xffff;
	_ =	sdelay $0x1  }
0xed: {  	v9 =	vld.idx.msk [tilespmem:v9+s21+$0x0], $0xffff  }
0xee: {  	v7 =	vmul.f32 v7, v5;
	v8 =	vmul.f32 v8, v4;
	_ =	sdelay $0x1  }
0xef: {  	v7 =	vadd.f32 v8, v7;
	v8 =	vmul.f32 v10, v3;
	_ =	sdelay $0x1  }
0xf0: {  	v9 =	vmul.f32 v9, v6;
	v7 =	vadd.f32 v8, v7;
	v8 =	vor.u32 $0xC, v2;
	_ =	sdelay $0x1  }
0xf1: {  	v7 =	vadd.f32 v9, v7;
	_ =	sdelay $0x1  }
0xf2: {  	[tilespmem:v1+s29+$0x5800 ss:$0x1] =	vst.idx.msk $0xffff, v7  }
0xf3: {  	v7 =	vld.idx.msk [tilespmem:v8+s15+$0x0], $0xffff  }
0xf4: {  	v9 =	vld.idx.msk [tilespmem:v8+s17+$0x0], $0xffff;
	_ =	sdelay $0x1  }
0xf5: {  	v10 =	vld.idx.msk [tilespmem:v8+s19+$0x0], $0xffff;
	_ =	sdelay $0x1  }
0xf6: {  	v8 =	vld.idx.msk [tilespmem:v8+s21+$0x0], $0xffff  }
0xf7: {  	v7 =	vmul.f32 v7, v5;
	v9 =	vmul.f32 v9, v4;
	_ =	sdelay $0x1  }
0xf8: {  	v7 =	vadd.f32 v9, v7;
	v9 =	vmul.f32 v10, v3;
	_ =	sdelay $0x1  }
0xf9: {  	v8 =	vmul.f32 v8, v6;
	v7 =	vadd.f32 v9, v7;
	v9 =	vor.u32 $0xD, v2;
	_ =	sdelay $0x1  }
0xfa: {  	v7 =	vadd.f32 v8, v7;
	_ =	sdelay $0x1  }
0xfb: {  	[tilespmem:v1+s29+$0x6000 ss:$0x1] =	vst.idx.msk $0xffff, v7  }
0xfc: {  	v7 =	vld.idx.msk [tilespmem:v9+s17+$0x0], $0xffff  }
0xfd: {  	v8 =	vld.idx.msk [tilespmem:v9+s15+$0x0], $0xffff;
	_ =	sdelay $0x1  }
0xfe: {  	v10 =	vld.idx.msk [tilespmem:v9+s19+$0x0], $0xffff;
	_ =	sdelay $0x1  }
0xff: {  	v9 =	vld.idx.msk [tilespmem:v9+s21+$0x0], $0xffff  }
0x100: {  	v7 =	vmul.f32 v7, v4;
	v8 =	vmul.f32 v8, v5;
	_ =	sdelay $0x1  }
0x101: {  	v10 =	vmul.f32 v10, v3;
	v7 =	vadd.f32 v7, v8;
	_ =	sdelay $0x1  }
0x102: {  	v8 =	vmul.f32 v9, v6;
	v9 =	vor.u32 $0xE, v2;
	v7 =	vadd.f32 v10, v7;
	_ =	sdelay $0x1  }
0x103: {  	v7 =	vadd.f32 v8, v7;
	_ =	sdelay $0x1  }
0x104: {  	[tilespmem:v1+s29+$0x6800 ss:$0x1] =	vst.idx.msk $0xffff, v7  }
0x105: {  	v10 =	vld.idx.msk [tilespmem:v9+s15+$0x0], $0xffff  }
0x106: {  	v11 =	vld.idx.msk [tilespmem:v9+s17+$0x0], $0xffff;
	_ =	sdelay $0x1  }
0x107: {  	v7 =	vld.idx.msk [tilespmem:v9+s19+$0x0], $0xffff  }
0x108: {  	v8 =	vld.idx.msk [tilespmem:v9+s21+$0x0], $0xffff;
	_ =	sdelay $0x1  }
0x109: {  	s31 =	simm.s32 $0x0;
	s30 =	simm.s32 $0x40;
	v9 =	vmul.f32 v10, v5;
	v10 =	vmul.f32 v11, v4  }
.LBB2_4:
0x10a: {  	p0 =	sne.s32 s30, $0x1C0  }
0x10b: {  	s31 =	sadd.s32 $0x10, s31;
	s0 =	smov.u32 s30;
	s30 =	sadd.s32 $0x40, s30  }
0x10c: {  	v7 =	vmul.f32 v7, v3;
	v8 =	vmul.f32 v8, v6;
	v9 =	vadd.f32 v10, v9;
	_ =	sdelay $0x1  }
0x10d: {  	v2 =	vor.u32 $0xF, v2;
	v7 =	vadd.f32 v7, v9;
	_ =	sdelay $0x1  }
0x10e: {  	v7 =	vadd.f32 v8, v7;
	_ =	sdelay $0x1  }
0x10f: {  	[tilespmem:v1+s29+$0x7000 ss:$0x1] =	vst.idx.msk $0xffff, v7  }
0x110: {  	v7 =	vld.idx.msk [tilespmem:v2+s15+$0x0], $0xffff  }
0x111: {  	v8 =	vld.idx.msk [tilespmem:v2+s17+$0x0], $0xffff  }
0x112: {  	v9 =	vld.idx.msk [tilespmem:v2+s19+$0x0], $0xffff  }
0x113: {  	v10 =	vld.idx.msk [tilespmem:v2+s21+$0x0], $0xffff;
	_ =	sdelay $0x2  }
0x114: {  	v2 =	vmov s31;
	v5 =	vmul.f32 v7, v5  }
0x115: {  	v2 =	vshll.u32 v2, $0x4;
	v4 =	vmul.f32 v8, v4  }
0x116: {  	v2 =	vor.u32 v0, v2;
	v3 =	vmul.f32 v9, v3  }
0x117: {  	v4 =	vadd.f32 v4, v5;
	v5 =	vmul.f32 v10, v6;
	_ =	sdelay $0x1  }
0x118: {  	v3 =	vadd.f32 v3, v4;
	_ =	sdelay $0x1  }
0x119: {  	v3 =	vadd.f32 v5, v3;
	_ =	sdelay $0x1  }
0x11a: {  	[tilespmem:v1+s29+$0x7800 ss:$0x1] =	vst.idx.msk $0xffff, v3  }
0x11b: {  	s29 =	sshra.s32 s0, $0x2  }
0x11c: {  	v6 =	vld [tilespmem:s29+$0x100]  }
0x11d: {  	v7 =	vld [tilespmem:s29+$0x180]  }
0x11e: {  	v8 =	vld.idx.msk [tilespmem:v2+s15+$0x0], $0xffff  }
0x11f: {  	v9 =	vld.idx.msk [tilespmem:v2+s17+$0x0], $0xffff  }
0x120: {  	v10 =	vld.idx.msk [tilespmem:v2+s19+$0x0], $0xffff  }
0x121: {  	v4 =	vsub.f32 $1.000000000e+00, v6  }
0x122: {  	v11 =	vsub.f32 $1.000000000e+00, v7  }
0x123: {  	v3 =	vmul.f32 v4, v7  }
0x124: {  	v5 =	vmul.f32 v11, v4;
	v4 =	vmul.f32 v11, v6;
	v11 =	vld.idx.msk [tilespmem:v2+s21+$0x0], $0xffff;
	_ =	sdelay $0x1  }
0x125: {  	v8 =	vmul.f32 v5, v8;
	v9 =	vmul.f32 v9, v4  }
0x126: {  	v10 =	vmul.f32 v10, v3  }
0x127: {  	v6 =	vmul.f32 v7, v6;
	v7 =	vadd.f32 v9, v8;
	_ =	sdelay $0x1  }
0x128: {  	v9 =	vor.u32 $0x1, v2;
	v8 =	vmul.f32 v11, v6;
	v7 =	vadd.f32 v10, v7;
	_ =	sdelay $0x1  }
0x129: {  	v7 =	vadd.f32 v8, v7;
	_ =	sdelay $0x1  }
0x12a: {  	[tilespmem:v1+s29+$0x0 ss:$0x1] =	vst.idx.msk $0xffff, v7  }
0x12b: {  	v7 =	vld.idx.msk [tilespmem:v9+s15+$0x0], $0xffff  }
0x12c: {  	v8 =	vld.idx.msk [tilespmem:v9+s17+$0x0], $0xffff;
	_ =	sdelay $0x1  }
0x12d: {  	v10 =	vld.idx.msk [tilespmem:v9+s19+$0x0], $0xffff;
	_ =	sdelay $0x1  }
0x12e: {  	v9 =	vld.idx.msk [tilespmem:v9+s21+$0x0], $0xffff  }
0x12f: {  	v7 =	vmul.f32 v7, v5  }
0x130: {  	v8 =	vmul.f32 v8, v4;
	_ =	sdelay $0x1  }
0x131: {  	v7 =	vadd.f32 v8, v7;
	v8 =	vmul.f32 v10, v3;
	_ =	sdelay $0x1  }
0x132: {  	v7 =	vadd.f32 v8, v7;
	v8 =	vmul.f32 v9, v6;
	v9 =	vor.u32 $0x2, v2;
	_ =	sdelay $0x1  }
0x133: {  	v7 =	vadd.f32 v8, v7;
	_ =	sdelay $0x1  }
0x134: {  	[tilespmem:v1+s29+$0x800 ss:$0x1] =	vst.idx.msk $0xffff, v7  }
0x135: {  	v7 =	vld.idx.msk [tilespmem:v9+s15+$0x0], $0xffff  }
0x136: {  	v8 =	vld.idx.msk [tilespmem:v9+s17+$0x0], $0xffff;
	_ =	sdelay $0x1  }
0x137: {  	v10 =	vld.idx.msk [tilespmem:v9+s19+$0x0], $0xffff;
	_ =	sdelay $0x1  }
0x138: {  	v9 =	vld.idx.msk [tilespmem:v9+s21+$0x0], $0xffff  }
0x139: {  	v7 =	vmul.f32 v7, v5  }
0x13a: {  	v8 =	vmul.f32 v8, v4;
	_ =	sdelay $0x1  }
0x13b: {  	v7 =	vadd.f32 v8, v7;
	v8 =	vmul.f32 v10, v3;
	_ =	sdelay $0x1  }
0x13c: {  	v7 =	vadd.f32 v8, v7;
	v8 =	vmul.f32 v9, v6;
	v9 =	vor.u32 $0x3, v2;
	_ =	sdelay $0x1  }
0x13d: {  	v7 =	vadd.f32 v8, v7;
	_ =	sdelay $0x1  }
0x13e: {  	[tilespmem:v1+s29+$0x1000 ss:$0x1] =	vst.idx.msk $0xffff, v7  }
0x13f: {  	v7 =	vld.idx.msk [tilespmem:v9+s17+$0x0], $0xffff  }
0x140: {  	v8 =	vld.idx.msk [tilespmem:v9+s15+$0x0], $0xffff;
	_ =	sdelay $0x1  }
0x141: {  	v10 =	vld.idx.msk [tilespmem:v9+s19+$0x0], $0xffff;
	_ =	sdelay $0x1  }
0x142: {  	v9 =	vld.idx.msk [tilespmem:v9+s21+$0x0], $0xffff  }
0x143: {  	v7 =	vmul.f32 v7, v4  }
0x144: {  	v8 =	vmul.f32 v8, v5;
	_ =	sdelay $0x1  }
0x145: {  	v7 =	vadd.f32 v7, v8;
	v8 =	vmul.f32 v10, v3;
	_ =	sdelay $0x1  }
0x146: {  	v7 =	vadd.f32 v8, v7;
	v8 =	vmul.f32 v9, v6;
	v9 =	vor.u32 $0x4, v2;
	_ =	sdelay $0x1  }
0x147: {  	v7 =	vadd.f32 v8, v7;
	_ =	sdelay $0x1  }
0x148: {  	[tilespmem:v1+s29+$0x1800 ss:$0x1] =	vst.idx.msk $0xffff, v7  }
0x149: {  	v7 =	vld.idx.msk [tilespmem:v9+s15+$0x0], $0xffff  }
0x14a: {  	v8 =	vld.idx.msk [tilespmem:v9+s17+$0x0], $0xffff  }
0x14b: {  	v10 =	vld.idx.msk [tilespmem:v9+s19+$0x0], $0xffff  }
0x14c: {  	v9 =	vld.idx.msk [tilespmem:v9+s21+$0x0], $0xffff;
	_ =	sdelay $0x2  }
0x14d: {  	v7 =	vmul.f32 v7, v5  }
0x14e: {  	v8 =	vmul.f32 v8, v4  }
0x14f: {  	v10 =	vmul.f32 v10, v3  }
0x150: {  	v7 =	vadd.f32 v8, v7;
	_ =	sdelay $0x1  }
0x151: {  	v8 =	vmul.f32 v9, v6;
	v9 =	vor.u32 $0x5, v2;
	v7 =	vadd.f32 v10, v7;
	_ =	sdelay $0x1  }
0x152: {  	v7 =	vadd.f32 v8, v7;
	_ =	sdelay $0x1  }
0x153: {  	[tilespmem:v1+s29+$0x2000 ss:$0x1] =	vst.idx.msk $0xffff, v7  }
0x154: {  	v7 =	vld.idx.msk [tilespmem:v9+s15+$0x0], $0xffff  }
0x155: {  	v8 =	vld.idx.msk [tilespmem:v9+s17+$0x0], $0xffff  }
0x156: {  	v10 =	vld.idx.msk [tilespmem:v9+s19+$0x0], $0xffff  }
0x157: {  	v9 =	vld.idx.msk [tilespmem:v9+s21+$0x0], $0xffff;
	_ =	sdelay $0x2  }
0x158: {  	v7 =	vmul.f32 v7, v5  }
0x159: {  	v8 =	vmul.f32 v8, v4  }
0x15a: {  	v10 =	vmul.f32 v10, v3  }
0x15b: {  	v7 =	vadd.f32 v8, v7;
	_ =	sdelay $0x1  }
0x15c: {  	v8 =	vmul.f32 v9, v6;
	v9 =	vor.u32 $0x6, v2;
	v7 =	vadd.f32 v10, v7;
	_ =	sdelay $0x1  }
0x15d: {  	v7 =	vadd.f32 v8, v7;
	_ =	sdelay $0x1  }
0x15e: {  	[tilespmem:v1+s29+$0x2800 ss:$0x1] =	vst.idx.msk $0xffff, v7  }
0x15f: {  	v7 =	vld.idx.msk [tilespmem:v9+s15+$0x0], $0xffff  }
0x160: {  	v8 =	vld.idx.msk [tilespmem:v9+s17+$0x0], $0xffff  }
0x161: {  	v10 =	vld.idx.msk [tilespmem:v9+s21+$0x0], $0xffff  }
0x162: {  	v9 =	vld.idx.msk [tilespmem:v9+s19+$0x0], $0xffff;
	_ =	sdelay $0x2  }
0x163: {  	v7 =	vmul.f32 v7, v5  }
0x164: {  	v8 =	vmul.f32 v8, v4  }
0x165: {  	v10 =	vmul.f32 v10, v6  }
0x166: {  	v7 =	vadd.f32 v8, v7;
	v8 =	vmul.f32 v9, v3;
	_ =	sdelay $0x1  }
0x167: {  	v7 =	vadd.f32 v8, v7;
	v8 =	vor.u32 $0x7, v2;
	_ =	sdelay $0x1  }
0x168: {  	v7 =	vadd.f32 v10, v7;
	_ =	sdelay $0x1  }
0x169: {  	[tilespmem:v1+s29+$0x3000 ss:$0x1] =	vst.idx.msk $0xffff, v7  }
0x16a: {  	v7 =	vld.idx.msk [tilespmem:v8+s15+$0x0], $0xffff  }
0x16b: {  	v9 =	vld.idx.msk [tilespmem:v8+s17+$0x0], $0xffff  }
0x16c: {  	v10 =	vld.idx.msk [tilespmem:v8+s19+$0x0], $0xffff  }
0x16d: {  	v8 =	vld.idx.msk [tilespmem:v8+s21+$0x0], $0xffff;
	_ =	sdelay $0x2  }
0x16e: {  	v7 =	vmul.f32 v7, v5  }
0x16f: {  	v9 =	vmul.f32 v9, v4  }
0x170: {  	v10 =	vmul.f32 v10, v3  }
0x171: {  	v7 =	vadd.f32 v9, v7;
	v8 =	vmul.f32 v8, v6;
	_ =	sdelay $0x1  }
0x172: {  	v9 =	vor.u32 $0x8, v2;
	v7 =	vadd.f32 v10, v7;
	_ =	sdelay $0x1  }
0x173: {  	v7 =	vadd.f32 v8, v7;
	_ =	sdelay $0x1  }
0x174: {  	[tilespmem:v1+s29+$0x3800 ss:$0x1] =	vst.idx.msk $0xffff, v7  }
0x175: {  	v7 =	vld.idx.msk [tilespmem:v9+s15+$0x0], $0xffff  }
0x176: {  	v8 =	vld.idx.msk [tilespmem:v9+s17+$0x0], $0xffff  }
0x177: {  	v10 =	vld.idx.msk [tilespmem:v9+s19+$0x0], $0xffff  }
0x178: {  	v9 =	vld.idx.msk [tilespmem:v9+s21+$0x0], $0xffff;
	_ =	sdelay $0x2  }
0x179: {  	v7 =	vmul.f32 v7, v5  }
0x17a: {  	v8 =	vmul.f32 v8, v4  }
0x17b: {  	v10 =	vmul.f32 v10, v3  }
0x17c: {  	v7 =	vadd.f32 v8, v7;
	v8 =	vmul.f32 v9, v6;
	_ =	sdelay $0x1  }
0x17d: {  	v9 =	vor.u32 $0x9, v2;
	v7 =	vadd.f32 v10, v7;
	_ =	sdelay $0x1  }
0x17e: {  	v7 =	vadd.f32 v8, v7;
	_ =	sdelay $0x1  }
0x17f: {  	[tilespmem:v1+s29+$0x4000 ss:$0x1] =	vst.idx.msk $0xffff, v7  }
0x180: {  	v7 =	vld.idx.msk [tilespmem:v9+s15+$0x0], $0xffff  }
0x181: {  	v8 =	vld.idx.msk [tilespmem:v9+s17+$0x0], $0xffff  }
0x182: {  	v10 =	vld.idx.msk [tilespmem:v9+s19+$0x0], $0xffff  }
0x183: {  	v9 =	vld.idx.msk [tilespmem:v9+s21+$0x0], $0xffff;
	_ =	sdelay $0x2  }
0x184: {  	v7 =	vmul.f32 v7, v5  }
0x185: {  	v8 =	vmul.f32 v8, v4  }
0x186: {  	v10 =	vmul.f32 v10, v3  }
0x187: {  	v7 =	vadd.f32 v8, v7;
	v8 =	vmul.f32 v9, v6;
	_ =	sdelay $0x1  }
0x188: {  	v9 =	vor.u32 $0xA, v2;
	v7 =	vadd.f32 v10, v7;
	_ =	sdelay $0x1  }
0x189: {  	v7 =	vadd.f32 v8, v7;
	_ =	sdelay $0x1  }
0x18a: {  	[tilespmem:v1+s29+$0x4800 ss:$0x1] =	vst.idx.msk $0xffff, v7  }
0x18b: {  	v7 =	vld.idx.msk [tilespmem:v9+s15+$0x0], $0xffff  }
0x18c: {  	v8 =	vld.idx.msk [tilespmem:v9+s17+$0x0], $0xffff  }
0x18d: {  	v10 =	vld.idx.msk [tilespmem:v9+s19+$0x0], $0xffff  }
0x18e: {  	v9 =	vld.idx.msk [tilespmem:v9+s21+$0x0], $0xffff;
	_ =	sdelay $0x2  }
0x18f: {  	v7 =	vmul.f32 v7, v5  }
0x190: {  	v8 =	vmul.f32 v8, v4  }
0x191: {  	v10 =	vmul.f32 v10, v3  }
0x192: {  	v7 =	vadd.f32 v8, v7;
	v8 =	vmul.f32 v9, v6;
	_ =	sdelay $0x1  }
0x193: {  	v9 =	vor.u32 $0xB, v2;
	v7 =	vadd.f32 v10, v7;
	_ =	sdelay $0x1  }
0x194: {  	v7 =	vadd.f32 v8, v7;
	_ =	sdelay $0x1  }
0x195: {  	[tilespmem:v1+s29+$0x5000 ss:$0x1] =	vst.idx.msk $0xffff, v7  }
0x196: {  	v7 =	vld.idx.msk [tilespmem:v9+s15+$0x0], $0xffff  }
0x197: {  	v8 =	vld.idx.msk [tilespmem:v9+s17+$0x0], $0xffff  }
0x198: {  	v10 =	vld.idx.msk [tilespmem:v9+s21+$0x0], $0xffff  }
0x199: {  	v9 =	vld.idx.msk [tilespmem:v9+s19+$0x0], $0xffff;
	_ =	sdelay $0x2  }
0x19a: {  	v7 =	vmul.f32 v7, v5  }
0x19b: {  	v8 =	vmul.f32 v8, v4  }
0x19c: {  	v10 =	vmul.f32 v10, v6  }
0x19d: {  	v7 =	vadd.f32 v8, v7;
	v8 =	vmul.f32 v9, v3;
	_ =	sdelay $0x1  }
0x19e: {  	v7 =	vadd.f32 v8, v7;
	v8 =	vor.u32 $0xC, v2;
	_ =	sdelay $0x1  }
0x19f: {  	v7 =	vadd.f32 v10, v7;
	_ =	sdelay $0x1  }
0x1a0: {  	[tilespmem:v1+s29+$0x5800 ss:$0x1] =	vst.idx.msk $0xffff, v7  }
0x1a1: {  	v7 =	vld.idx.msk [tilespmem:v8+s15+$0x0], $0xffff  }
0x1a2: {  	v9 =	vld.idx.msk [tilespmem:v8+s17+$0x0], $0xffff  }
0x1a3: {  	v10 =	vld.idx.msk [tilespmem:v8+s19+$0x0], $0xffff  }
0x1a4: {  	v8 =	vld.idx.msk [tilespmem:v8+s21+$0x0], $0xffff;
	_ =	sdelay $0x2  }
0x1a5: {  	v7 =	vmul.f32 v7, v5  }
0x1a6: {  	v9 =	vmul.f32 v9, v4;
	_ =	sdelay $0x1  }
0x1a7: {  	v7 =	vadd.f32 v9, v7;
	v9 =	vmul.f32 v10, v3;
	v8 =	vmul.f32 v8, v6;
	_ =	sdelay $0x1  }
0x1a8: {  	v7 =	vadd.f32 v9, v7;
	v9 =	vor.u32 $0xD, v2;
	_ =	sdelay $0x1  }
0x1a9: {  	v7 =	vadd.f32 v8, v7;
	_ =	sdelay $0x1  }
0x1aa: {  	[tilespmem:v1+s29+$0x6000 ss:$0x1] =	vst.idx.msk $0xffff, v7  }
0x1ab: {  	v7 =	vld.idx.msk [tilespmem:v9+s17+$0x0], $0xffff  }
0x1ac: {  	v8 =	vld.idx.msk [tilespmem:v9+s15+$0x0], $0xffff  }
0x1ad: {  	v10 =	vld.idx.msk [tilespmem:v9+s19+$0x0], $0xffff  }
0x1ae: {  	v9 =	vld.idx.msk [tilespmem:v9+s21+$0x0], $0xffff;
	_ =	sdelay $0x2  }
0x1af: {  	v7 =	vmul.f32 v7, v4  }
0x1b0: {  	v8 =	vmul.f32 v8, v5  }
0x1b1: {  	v10 =	vmul.f32 v10, v3  }
0x1b2: {  	v7 =	vadd.f32 v7, v8;
	v8 =	vmul.f32 v9, v6;
	_ =	sdelay $0x1  }
0x1b3: {  	v9 =	vor.u32 $0xE, v2;
	v7 =	vadd.f32 v10, v7;
	_ =	sdelay $0x1  }
0x1b4: {  	v7 =	vadd.f32 v8, v7;
	_ =	sdelay $0x1  }
0x1b5: {  	[tilespmem:v1+s29+$0x6800 ss:$0x1] =	vst.idx.msk $0xffff, v7  }
0x1b6: {  	v10 =	vld.idx.msk [tilespmem:v9+s15+$0x0], $0xffff  }
0x1b7: {  	v11 =	vld.idx.msk [tilespmem:v9+s17+$0x0], $0xffff  }
0x1b8: {  	v7 =	vld.idx.msk [tilespmem:v9+s19+$0x0], $0xffff  }
.Ltmp0:
0x1b9: {  	v8 =	vld.idx.msk [tilespmem:v9+s21+$0x0], $0xffff;
	(pc) =	sbr.rel @p0 .LBB2_4-.Ltmp0, $3  }
0x1ba: {  	_ =	sdelay $0x1  }
0x1bb: {  	v9 =	vmul.f32 v10, v5  }
0x1bc: {  	v10 =	vmul.f32 v11, v4  }
0x1bd: {  	_ = 	snop  }
0x1be: {  	v7 =	vmul.f32 v7, v3;
	v9 =	vadd.f32 v10, v9;
	_ =	sdelay $0x1  }
0x1bf: {  	v8 =	vmul.f32 v8, v6;
	v2 =	vor.u32 $0xF, v2;
	v7 =	vadd.f32 v7, v9;
	_ =	sdelay $0x1  }
0x1c0: {  	v7 =	vadd.f32 v8, v7;
	_ =	sdelay $0x1  }
0x1c1: {  	[tilespmem:v1+s29+$0x7000 ss:$0x1] =	vst.idx.msk $0xffff, v7  }
0x1c2: {  	v7 =	vld.idx.msk [tilespmem:v2+s15+$0x0], $0xffff  }
0x1c3: {  	v62 =	vld.idx.msk [tilespmem:v2+s17+$0x0], $0xffff;
	_ =	sdelay $0x1  }
0x1c4: {  	v63 =	vld.idx.msk [tilespmem:v2+s19+$0x0], $0xffff;
	_ =	sdelay $0x1  }
0x1c5: {  	v2 =	vld.idx.msk [tilespmem:v2+s21+$0x0], $0xffff  }
0x1c6: {  	v5 =	vmul.f32 v7, v5;
	v4 =	vmul.f32 v62, v4;
	_ =	sdelay $0x1  }
0x1c7: {  	s28 =	sadd.s32 $0x1, s28;
	v3 =	vmul.f32 v63, v3;
	v4 =	vadd.f32 v4, v5  }
0x1c8: {  	p0 =	sne.s32 s28, $0x10  }
.Ltmp1:
0x1c9: {  	v2 =	vmul.f32 v2, v6;
	v3 =	vadd.f32 v3, v4;
	(pc) =	sbr.rel @p0 .LBB2_3-.Ltmp1, $3  }
0x1ca: {  	_ = 	snop  }
0x1cb: {  	v2 =	vadd.f32 v2, v3;
	_ =	sdelay $0x1  }
0x1cc: {  	s26 =	sadd.s32 $0x80, s26;
	[tilespmem:v1+s29+$0x7800 ss:$0x1] =	vst.idx.msk $0xffff, v2  }
0x1cd: {  	s0 =	sshll.u32 s23, $0x8;
	s24 =	rddreg [dreg:$0x5]  }
0x1ce: {  	s29 =	rddreg [dreg:$0x3];
	s24 =	sadd.s32 s24, s0  }
0x1cf: {  	s25 =	simm.s32 $0x2400;
	s0 =	sadd.s32 s29, s24  }
0x1d0: {  	[hbm4b:s0+s3] =	stream.linear.scatter [tilespmem:s25], [sflag:$0x2], $0x400, $0x38;
	[tilespmem:$0xA400] =	vst v63  }
0x1d1: {  	_ =	swait.ge [sflag:s12], $0x400  }
0x1d2: {  	[sflag:s12] =	ssyncset.done $0x0;
	s30 =	rddreg [dreg:$0x6]  }
0x1d3: {  	s31 =	simm.s32 $0x2800;
	[sflag:s12] =	ssyncadd.s32 $0xFFFFFC00;
	s0 =	sadd.s32 s24, s30  }
0x1d4: {  	[hbm4b:s0+s3] =	stream.linear.scatter [tilespmem:s31], [sflag:$0x2], $0x400, $0x38;
	[tilespmem:$0xA400] =	vst v63  }
0x1d5: {  	_ =	swait.ge [sflag:s12], $0x400  }
0x1d6: {  	[sflag:s12] =	ssyncset.done $0x0;
	s25 =	rddreg [dreg:$0x7]  }
0x1d7: {  	s26 =	simm.s32 $0x2C00;
	[sflag:s12] =	ssyncadd.s32 $0xFFFFFC00;
	s0 =	sadd.s32 s24, s25  }
0x1d8: {  	[hbm4b:s0+s3] =	stream.linear.scatter [tilespmem:s26], [sflag:$0x2], $0x400, $0x38;
	[tilespmem:$0xA400] =	vst v63  }
0x1d9: {  	_ =	swait.ge [sflag:s12], $0x400  }
0x1da: {  	[sflag:s12] =	ssyncset.done $0x0;
	s28 =	rddreg [dreg:$0x8]  }
0x1db: {  	s29 =	simm.s32 $0x3000;
	[sflag:s12] =	ssyncadd.s32 $0xFFFFFC00;
	s0 =	sadd.s32 s24, s28  }
0x1dc: {  	[hbm4b:s0+s3] =	stream.linear.scatter [tilespmem:s29], [sflag:$0x2], $0x400, $0x38;
	[tilespmem:$0xA400] =	vst v63  }
0x1dd: {  	_ =	swait.ge [sflag:s12], $0x400  }
0x1de: {  	[sflag:s12] =	ssyncset.done $0x0;
	s30 =	rddreg [dreg:$0x9]  }
0x1df: {  	s31 =	simm.s32 $0x3400;
	[sflag:s12] =	ssyncadd.s32 $0xFFFFFC00;
	s0 =	sadd.s32 s24, s30  }
0x1e0: {  	[hbm4b:s0+s3] =	stream.linear.scatter [tilespmem:s31], [sflag:$0x2], $0x400, $0x38;
	[tilespmem:$0xA400] =	vst v63  }
0x1e1: {  	_ =	swait.ge [sflag:s12], $0x400  }
0x1e2: {  	[sflag:s12] =	ssyncset.done $0x0;
	s25 =	rddreg [dreg:$0xa]  }
0x1e3: {  	s26 =	simm.s32 $0x3800;
	[sflag:s12] =	ssyncadd.s32 $0xFFFFFC00;
	s0 =	sadd.s32 s24, s25  }
0x1e4: {  	[hbm4b:s0+s3] =	stream.linear.scatter [tilespmem:s26], [sflag:$0x2], $0x400, $0x38;
	[tilespmem:$0xA400] =	vst v63  }
0x1e5: {  	_ =	swait.ge [sflag:s12], $0x400  }
0x1e6: {  	[sflag:s12] =	ssyncset.done $0x0;
	s28 =	rddreg [dreg:$0xb]  }
0x1e7: {  	s29 =	simm.s32 $0x3C00;
	[sflag:s12] =	ssyncadd.s32 $0xFFFFFC00;
	s0 =	sadd.s32 s24, s28  }
0x1e8: {  	[hbm4b:s0+s3] =	stream.linear.scatter [tilespmem:s29], [sflag:$0x2], $0x400, $0x38;
	[tilespmem:$0xA400] =	vst v63  }
0x1e9: {  	_ =	swait.ge [sflag:s12], $0x400  }
0x1ea: {  	[sflag:s12] =	ssyncset.done $0x0;
	s30 =	rddreg [dreg:$0xc]  }
0x1eb: {  	s31 =	simm.s32 $0x4000;
	[sflag:s12] =	ssyncadd.s32 $0xFFFFFC00;
	s0 =	sadd.s32 s24, s30  }
0x1ec: {  	[hbm4b:s0+s3] =	stream.linear.scatter [tilespmem:s31], [sflag:$0x2], $0x400, $0x38;
	[tilespmem:$0xA400] =	vst v63  }
0x1ed: {  	_ =	swait.ge [sflag:s12], $0x400  }
0x1ee: {  	[sflag:s12] =	ssyncset.done $0x0;
	s25 =	rddreg [dreg:$0xd]  }
0x1ef: {  	s26 =	simm.s32 $0x4400;
	[sflag:s12] =	ssyncadd.s32 $0xFFFFFC00;
	s0 =	sadd.s32 s24, s25  }
0x1f0: {  	[hbm4b:s0+s3] =	stream.linear.scatter [tilespmem:s26], [sflag:$0x2], $0x400, $0x38;
	[tilespmem:$0xA400] =	vst v63  }
0x1f1: {  	_ =	swait.ge [sflag:s12], $0x400  }
0x1f2: {  	[sflag:s12] =	ssyncset.done $0x0;
	s28 =	rddreg [dreg:$0xe]  }
0x1f3: {  	s29 =	simm.s32 $0x4800;
	[sflag:s12] =	ssyncadd.s32 $0xFFFFFC00;
	s0 =	sadd.s32 s24, s28  }
0x1f4: {  	[hbm4b:s0+s3] =	stream.linear.scatter [tilespmem:s29], [sflag:$0x2], $0x400, $0x38;
	[tilespmem:$0xA400] =	vst v63  }
0x1f5: {  	_ =	swait.ge [sflag:s12], $0x400  }
0x1f6: {  	[sflag:s12] =	ssyncset.done $0x0;
	s30 =	rddreg [dreg:$0xf]  }
0x1f7: {  	s31 =	simm.s32 $0x4C00;
	[sflag:s12] =	ssyncadd.s32 $0xFFFFFC00;
	s0 =	sadd.s32 s24, s30  }
0x1f8: {  	[hbm4b:s0+s3] =	stream.linear.scatter [tilespmem:s31], [sflag:$0x2], $0x400, $0x38;
	[tilespmem:$0xA400] =	vst v63  }
0x1f9: {  	_ =	swait.ge [sflag:s12], $0x400  }
0x1fa: {  	[sflag:s12] =	ssyncset.done $0x0;
	s25 =	rddreg [dreg:$0x10]  }
0x1fb: {  	s26 =	simm.s32 $0x5000;
	[sflag:s12] =	ssyncadd.s32 $0xFFFFFC00;
	s0 =	sadd.s32 s24, s25  }
0x1fc: {  	[hbm4b:s0+s3] =	stream.linear.scatter [tilespmem:s26], [sflag:$0x2], $0x400, $0x38;
	[tilespmem:$0xA400] =	vst v63  }
0x1fd: {  	_ =	swait.ge [sflag:s12], $0x400  }
0x1fe: {  	[sflag:s12] =	ssyncset.done $0x0;
	s28 =	rddreg [dreg:$0x11]  }
0x1ff: {  	s29 =	simm.s32 $0x5400;
	[sflag:s12] =	ssyncadd.s32 $0xFFFFFC00;
	s0 =	sadd.s32 s24, s28  }
0x200: {  	[hbm4b:s0+s3] =	stream.linear.scatter [tilespmem:s29], [sflag:$0x2], $0x400, $0x38;
	[tilespmem:$0xA400] =	vst v63  }
0x201: {  	_ =	swait.ge [sflag:s12], $0x400  }
0x202: {  	[sflag:s12] =	ssyncset.done $0x0;
	s30 =	rddreg [dreg:$0x12]  }
0x203: {  	s31 =	simm.s32 $0x5800;
	[sflag:s12] =	ssyncadd.s32 $0xFFFFFC00;
	s0 =	sadd.s32 s24, s30  }
0x204: {  	[hbm4b:s0+s3] =	stream.linear.scatter [tilespmem:s31], [sflag:$0x2], $0x400, $0x38;
	[tilespmem:$0xA400] =	vst v63  }
0x205: {  	_ =	swait.ge [sflag:s12], $0x400  }
0x206: {  	[sflag:s12] =	ssyncset.done $0x0;
	s25 =	rddreg [dreg:$0x13]  }
0x207: {  	s26 =	simm.s32 $0x5C00;
	[sflag:s12] =	ssyncadd.s32 $0xFFFFFC00;
	s0 =	sadd.s32 s24, s25  }
0x208: {  	[hbm4b:s0+s3] =	stream.linear.scatter [tilespmem:s26], [sflag:$0x2], $0x400, $0x38;
	[tilespmem:$0xA400] =	vst v63  }
0x209: {  	_ =	swait.ge [sflag:s12], $0x400  }
0x20a: {  	[sflag:s12] =	ssyncset.done $0x0;
	s28 =	rddreg [dreg:$0x14]  }
0x20b: {  	s29 =	simm.s32 $0x6000;
	[sflag:s12] =	ssyncadd.s32 $0xFFFFFC00;
	s0 =	sadd.s32 s24, s28  }
0x20c: {  	[hbm4b:s0+s3] =	stream.linear.scatter [tilespmem:s29], [sflag:$0x2], $0x400, $0x38;
	[tilespmem:$0xA400] =	vst v63  }
0x20d: {  	_ =	swait.ge [sflag:s12], $0x400  }
0x20e: {  	[sflag:s12] =	ssyncset.done $0x0;
	s30 =	rddreg [dreg:$0x15]  }
0x20f: {  	s31 =	simm.s32 $0x6400;
	[sflag:s12] =	ssyncadd.s32 $0xFFFFFC00;
	s0 =	sadd.s32 s24, s30  }
0x210: {  	[hbm4b:s0+s3] =	stream.linear.scatter [tilespmem:s31], [sflag:$0x2], $0x400, $0x38;
	[tilespmem:$0xA400] =	vst v63  }
0x211: {  	_ =	swait.ge [sflag:s12], $0x400  }
0x212: {  	[sflag:s12] =	ssyncset.done $0x0;
	s25 =	rddreg [dreg:$0x16]  }
0x213: {  	s26 =	simm.s32 $0x6800;
	[sflag:s12] =	ssyncadd.s32 $0xFFFFFC00;
	s0 =	sadd.s32 s24, s25  }
0x214: {  	[hbm4b:s0+s3] =	stream.linear.scatter [tilespmem:s26], [sflag:$0x2], $0x400, $0x38;
	[tilespmem:$0xA400] =	vst v63  }
0x215: {  	_ =	swait.ge [sflag:s12], $0x400  }
0x216: {  	[sflag:s12] =	ssyncset.done $0x0;
	s28 =	rddreg [dreg:$0x17]  }
0x217: {  	s29 =	simm.s32 $0x6C00;
	[sflag:s12] =	ssyncadd.s32 $0xFFFFFC00;
	s0 =	sadd.s32 s24, s28  }
0x218: {  	[hbm4b:s0+s3] =	stream.linear.scatter [tilespmem:s29], [sflag:$0x2], $0x400, $0x38;
	[tilespmem:$0xA400] =	vst v63  }
0x219: {  	_ =	swait.ge [sflag:s12], $0x400  }
0x21a: {  	[sflag:s12] =	ssyncset.done $0x0;
	s30 =	rddreg [dreg:$0x18]  }
0x21b: {  	s31 =	simm.s32 $0x7000;
	[sflag:s12] =	ssyncadd.s32 $0xFFFFFC00;
	s0 =	sadd.s32 s24, s30  }
0x21c: {  	[hbm4b:s0+s3] =	stream.linear.scatter [tilespmem:s31], [sflag:$0x2], $0x400, $0x38;
	[tilespmem:$0xA400] =	vst v63  }
0x21d: {  	_ =	swait.ge [sflag:s12], $0x400  }
0x21e: {  	[sflag:s12] =	ssyncset.done $0x0;
	s25 =	rddreg [dreg:$0x19]  }
0x21f: {  	s26 =	simm.s32 $0x7400;
	[sflag:s12] =	ssyncadd.s32 $0xFFFFFC00;
	s0 =	sadd.s32 s24, s25  }
0x220: {  	[hbm4b:s0+s3] =	stream.linear.scatter [tilespmem:s26], [sflag:$0x2], $0x400, $0x38;
	[tilespmem:$0xA400] =	vst v63  }
0x221: {  	_ =	swait.ge [sflag:s12], $0x400  }
0x222: {  	[sflag:s12] =	ssyncset.done $0x0;
	s28 =	rddreg [dreg:$0x1a]  }
0x223: {  	s29 =	simm.s32 $0x7800;
	[sflag:s12] =	ssyncadd.s32 $0xFFFFFC00;
	s0 =	sadd.s32 s24, s28  }
0x224: {  	[hbm4b:s0+s3] =	stream.linear.scatter [tilespmem:s29], [sflag:$0x2], $0x400, $0x38;
	[tilespmem:$0xA400] =	vst v63  }
0x225: {  	_ =	swait.ge [sflag:s12], $0x400  }
0x226: {  	[sflag:s12] =	ssyncset.done $0x0;
	s30 =	rddreg [dreg:$0x1b]  }
0x227: {  	s31 =	simm.s32 $0x7C00;
	[sflag:s12] =	ssyncadd.s32 $0xFFFFFC00;
	s0 =	sadd.s32 s24, s30  }
0x228: {  	[hbm4b:s0+s3] =	stream.linear.scatter [tilespmem:s31], [sflag:$0x2], $0x400, $0x38;
	[tilespmem:$0xA400] =	vst v63  }
0x229: {  	_ =	swait.ge [sflag:s12], $0x400  }
0x22a: {  	[sflag:s12] =	ssyncset.done $0x0;
	s25 =	rddreg [dreg:$0x1c]  }
0x22b: {  	s26 =	simm.s32 $0x8000;
	[sflag:s12] =	ssyncadd.s32 $0xFFFFFC00;
	s0 =	sadd.s32 s24, s25  }
0x22c: {  	[hbm4b:s0+s3] =	stream.linear.scatter [tilespmem:s26], [sflag:$0x2], $0x400, $0x38;
	[tilespmem:$0xA400] =	vst v63  }
0x22d: {  	_ =	swait.ge [sflag:s12], $0x400  }
0x22e: {  	[sflag:s12] =	ssyncset.done $0x0;
	s28 =	rddreg [dreg:$0x1d]  }
0x22f: {  	s29 =	simm.s32 $0x8400;
	[sflag:s12] =	ssyncadd.s32 $0xFFFFFC00;
	s0 =	sadd.s32 s24, s28  }
0x230: {  	[hbm4b:s0+s3] =	stream.linear.scatter [tilespmem:s29], [sflag:$0x2], $0x400, $0x38;
	[tilespmem:$0xA400] =	vst v63  }
0x231: {  	_ =	swait.ge [sflag:s12], $0x400  }
0x232: {  	[sflag:s12] =	ssyncset.done $0x0  }
0x233: {  	s30 =	sadd.s32 s24, s2;
	s31 =	simm.s32 $0x8800;
	[sflag:s12] =	ssyncadd.s32 $0xFFFFFC00  }
0x234: {  	[hbm4b:s30+s3] =	stream.linear.scatter [tilespmem:s31], [sflag:$0x2], $0x400, $0x38;
	[tilespmem:$0xA400] =	vst v63  }
0x235: {  	_ =	swait.ge [sflag:s12], $0x400  }
0x236: {  	[sflag:s12] =	ssyncset.done $0x0  }
0x237: {  	s25 =	sadd.s32 s24, s5;
	s26 =	simm.s32 $0x8C00;
	[sflag:s12] =	ssyncadd.s32 $0xFFFFFC00  }
0x238: {  	[hbm4b:s25+s3] =	stream.linear.scatter [tilespmem:s26], [sflag:$0x2], $0x400, $0x38;
	[tilespmem:$0xA400] =	vst v63  }
0x239: {  	_ =	swait.ge [sflag:s12], $0x400  }
0x23a: {  	[sflag:s12] =	ssyncset.done $0x0  }
0x23b: {  	s28 =	sadd.s32 s24, s6;
	s29 =	simm.s32 $0x9000;
	[sflag:s12] =	ssyncadd.s32 $0xFFFFFC00  }
0x23c: {  	[hbm4b:s28+s3] =	stream.linear.scatter [tilespmem:s29], [sflag:$0x2], $0x400, $0x38;
	[tilespmem:$0xA400] =	vst v63  }
0x23d: {  	_ =	swait.ge [sflag:s12], $0x400  }
0x23e: {  	[sflag:s12] =	ssyncset.done $0x0  }
0x23f: {  	s30 =	sadd.s32 s24, s7;
	s31 =	simm.s32 $0x9400;
	[sflag:s12] =	ssyncadd.s32 $0xFFFFFC00  }
0x240: {  	[hbm4b:s30+s3] =	stream.linear.scatter [tilespmem:s31], [sflag:$0x2], $0x400, $0x38;
	[tilespmem:$0xA400] =	vst v63  }
0x241: {  	_ =	swait.ge [sflag:s12], $0x400  }
0x242: {  	[sflag:s12] =	ssyncset.done $0x0  }
0x243: {  	s25 =	sadd.s32 s24, s8;
	s26 =	simm.s32 $0x9800;
	[sflag:s12] =	ssyncadd.s32 $0xFFFFFC00  }
0x244: {  	[hbm4b:s25+s3] =	stream.linear.scatter [tilespmem:s26], [sflag:$0x2], $0x400, $0x38;
	[tilespmem:$0xA400] =	vst v63  }
0x245: {  	_ =	swait.ge [sflag:s12], $0x400  }
0x246: {  	[sflag:s12] =	ssyncset.done $0x0  }
0x247: {  	s28 =	sadd.s32 s24, s10;
	s29 =	simm.s32 $0x9C00;
	[sflag:s12] =	ssyncadd.s32 $0xFFFFFC00  }
0x248: {  	[hbm4b:s28+s3] =	stream.linear.scatter [tilespmem:s29], [sflag:$0x2], $0x400, $0x38;
	[tilespmem:$0xA400] =	vst v63  }
0x249: {  	s23 =	sadd.s32 $0x1, s23;
	_ =	swait.ge [sflag:s12], $0x400  }
0x24a: {  	p0 =	sne.s32 s23, $0x10;
	s30 =	sadd.s32 s24, s11;
	[sflag:s12] =	ssyncset.done $0x0  }
.Ltmp2:
0x24b: {  	s31 =	simm.s32 $0xA000;
	[sflag:s12] =	ssyncadd.s32 $0xFFFFFC00;
	(pc) =	sbr.rel @p0 .LBB2_2-.Ltmp2, $4  }
0x24c: {  	[hbm4b:s30+s3] =	stream.linear.scatter [tilespmem:s31], [sflag:$0x2], $0x400, $0x38;
	[tilespmem:$0xA400] =	vst v63  }
0x24d: {  	_ =	swait.ge [sflag:s12], $0x400  }
0x24e: {  	[sflag:s12] =	ssyncset.done $0x0  }
0x24f: {  	[sflag:s12] =	ssyncadd.s32 $0xFFFFFC00  }
0x250: {  	s23 =	rddreg [dreg:$0x1f]  }
0x251: {  	s0 =	rddreg [dreg:$0x1e];
	s23 =	sadd.s32 $0x1, s23  }
0x252: {  	p0 =	sne.s32 s23, s0  }
.Ltmp3:
0x253: {  	_ = 	snop;
	(pc) =	sbr.rel @p0 .LBB2_1-.Ltmp3, $1  }
0x254: {  	_ =	sdelay $0x3  }
0x255: {  	_ =	sfence.sel $0x180000  }
0x256: {  	[bflag:$0x0] =	sbarrier.arrive $0xFFFF  }
0x257: {  	_ =	strace $0x90000047  }
0x258: {  	s0 =	stileid.u32;
	[bflag:$0x2] =	sbarrier.arrive $0xFFFF  }
0x259: {  	p0 =	sne.s32 s0, $0x0;
	s0 =	rddreg [dreg:$0x2]  }
0x25a: {  	s0 =	sadd.s32 @!p0 $0x100000, s0  }
0x25b: {  	[sflag:s0] =	ssyncadd.tile.s32 @!p0 $0x1;
	_ =	shalt  }
.Lfunc_end2:
_tile_overlayer_lowered:
.L_overlay_start_2:
0x25c: {  	(tag) =	ssettag $0x2  }
0x25d: {  	s0 =	rddreg [dreg:$0x0];
	s2 =	stileid.u32  }
0x25e: {  	s1 =	rddreg [dreg:$0x1];
	p0 =	sne.s32 s2, $0x0  }
0x25f: {  	s3 =	rddreg [dreg:$0x2];
	[bflag:$0x3] =	sbarrier.arrive $0xFFFF;
	s2 =	simm.s32 @!p0 $0x1C02  }
0x260: {  	[timem:s3], [sflag:s2] =	dma.local @!p0 [hbm:s0], s1  }
0x261: {  	s0 =	simm.s32 @!p0 $0x2  }
0x262: {  	_ =	swait.ge @!p0 [sflag:s0], s1  }
0x263: {  	s1 =	ssub.s32 @!p0 $0x0, s1;
	[sflag:s0] =	ssyncset.done @!p0 $0x0  }
0x264: {  	[sflag:s0] =	ssyncadd.s32 @!p0 s1  }
0x265: {  	[bflag:$0x3] =	sbarrier.arrive $0xFFFF  }
0x266: {  	_ =	shalt  }

</sc_bundles>
